<compile_context>
chip_gen: v7x
topology: tpu7x:2x2x1
jax: 0.10.2.dev20260603
libtpu: 0.0.44.dev20260713+nightly
codegen_flags: <defaults>
</compile_context>

<pallas_src>
import functools

import jax
import jax.numpy as jnp
from jax import lax
from jax.experimental import pallas as pl
from jax.experimental.pallas import tpu as pltpu
from jax.experimental.pallas import tpu_sc as plsc

_NUM_SEEDS = 16
_CVAR_ALPHA = 0.2
_CVAR_EPSILON = 0.3
_COST_SLM = 1.0
_COST_LLM = 50.0
_BRIER_WEIGHT = 1.0

_NC = 2
_NS = 16
_NW = _NC * _NS
_L = 16

_N = 1048576
_PW = _N // _NW
_C = 4096
_NCHUNK = _PW // _C
_U = 4
_NT = 2

_mesh = plsc.VectorSubcoreMesh(core_axis_name="c", subcore_axis_name="s")


@functools.partial(
    pl.kernel,
    mesh=_mesh,
    out_type=jax.ShapeDtypeStruct((_NW, 16), jnp.float32),
    compiler_params=pltpu.CompilerParams(needs_layout_passes=False),
    scratch_types=[
        pltpu.VMEM((_C,), jnp.float32),
        pltpu.VMEM((_C,), jnp.int32),
        pltpu.VMEM((_C,), jnp.float32),
        pltpu.VMEM((_C,), jnp.int32),
        pltpu.SemaphoreType.DMA,
        pltpu.SemaphoreType.DMA,
        pltpu.VMEM((_NUM_SEEDS * _L,), jnp.float32),
        pltpu.VMEM((_NUM_SEEDS * _L,), jnp.float32),
        pltpu.VMEM((1, 16), jnp.float32),
    ],
)
def _seed_hist(sc_hbm, sd_hbm, out_hbm,
               sc0, sd0, sc1, sd1, sem0, sem1,
               suc_t0, suc_t1, stage_v):
    suc_t = (suc_t0, suc_t1)
    wid = lax.axis_index("s") * _NC + lax.axis_index("c")
    base = wid * _PW

    bufs = ((sc0, sd0), (sc1, sd1))
    sems = (sem0, sem1)

    def fire(k):
        slot = k % 2
        off = base + k * _C
        b = bufs[slot]
        sem = sems[slot]
        return [
            pltpu.async_copy(sc_hbm.at[pl.ds(off, _C)], b[0], sem),
            pltpu.async_copy(sd_hbm.at[pl.ds(off, _C)], b[1], sem),
        ]

    zeros16 = jnp.zeros((_L,), jnp.float32)
    iota16 = lax.iota(jnp.int32, _L)
    for t in range(_NT):
        for j in range(_NUM_SEEDS):
            suc_t[t][pl.ds(j * _L, _L)] = zeros16

    handles = {0: fire(0)}
    for k in range(_NCHUNK):
        if k + 1 < _NCHUNK:
            handles[k + 1] = fire(k + 1)
        for h in handles.pop(k):
            h.wait()
        sc_v, sd_v = bufs[k % 2]
        tab = suc_t[k % _NT]

        @plsc.parallel_loop(0, _C // _L, unroll=_U)
        def _(i):
            j = i * _L
            sc = sc_v[pl.ds(j, _L)]
            sd = sd_v[pl.ds(j, _L)]
            idx = sd * _L + iota16
            plsc.addupdate_scatter(tab, [idx], sc)

    suc = zeros16
    for b in range(_NUM_SEEDS):
        ss_b = jnp.float32(0)
        for t in range(_NT):
            ss_b = ss_b + jnp.sum(suc_t[t][pl.ds(b * _L, _L)])
        suc = jnp.where(iota16 == b, ss_b, suc)

    stage_v[0, :] = suc
    pltpu.sync_copy(stage_v, out_hbm.at[pl.ds(wid, 1)])


_DG = 8
_DR = _N // 128 // _DG


def _dense_body(fp_ref, lb_ref, sd_ref, out_ref, acc_ref):
    g = pl.program_id(0)

    @pl.when(g == 0)
    def _():
        acc_ref[...] = jnp.zeros((32, 128), jnp.float32)

    fp = fp_ref[...]
    lb = lb_ref[...]
    sd = sd_ref[...]
    d = fp - lb
    acc_ref[0, :] += jnp.sum(fp, axis=0)
    acc_ref[1, :] += jnp.sum(d * d, axis=0)
    for b in range(_NUM_SEEDS):
        acc_ref[16 + b, :] += jnp.sum((sd == b).astype(jnp.float32), axis=0)

    @pl.when(g == _DG - 1)
    def _():
        acc = acc_ref[...]
        o = lax.broadcasted_iota(jnp.int32, (1, 32), 1)
        out = jnp.zeros((1, 32), jnp.float32)
        for j in range(32):
            out = jnp.where(o == j, jnp.sum(acc[j:j + 1, :]), out)
        out_ref[...] = out


_dense = pl.pallas_call(
    _dense_body,
    grid=(_DG,),
    in_specs=[
        pl.BlockSpec((_DR, 128), lambda i: (i, 0)),
        pl.BlockSpec((_DR, 128), lambda i: (i, 0)),
        pl.BlockSpec((_DR, 128), lambda i: (i, 0)),
    ],
    out_specs=pl.BlockSpec((1, 32), lambda i: (0, 0)),
    scratch_shapes=[pltpu.VMEM((32, 128), jnp.float32)],
    out_shape=jax.ShapeDtypeStruct((1, 32), jnp.float32),
)


def _finalize_body(parts_ref, dense_ref, lam_ref, out_ref):
    parts = parts_ref[...]
    suc = jnp.sum(parts, axis=0, keepdims=True)
    cnt = dense_ref[:, 16:32]
    sum_fp = dense_ref[0, 0]
    sum_sq = dense_ref[0, 1]
    lam = lam_ref[0, 0]

    sf = (cnt - suc) / jnp.maximum(cnt, 1.0)
    idx = lax.broadcasted_iota(jnp.int32, (1, _NUM_SEEDS), 1)

    rank = jnp.zeros((1, _NUM_SEEDS), jnp.int32)
    for i in range(_NUM_SEEDS):
        sfi = jnp.sum(jnp.where(idx == i, sf, 0.0))
        gt = (sfi > sf) | ((sfi == sf) & (i < idx))
        rank = rank + gt.astype(jnp.int32)
    kk = max(1, int(_NUM_SEEDS * _CVAR_ALPHA))
    rob = jnp.sum(jnp.where(rank < kk, sf, 0.0)) * (1.0 / kk)

    inv_n = 1.0 / _N
    cost = (_COST_LLM - _COST_SLM) * (sum_fp * inv_n) + _COST_SLM
    brier = sum_sq * inv_n
    cv = rob - _CVAR_EPSILON
    lagr = lam * cv
    total = cost + lagr + _BRIER_WEIGHT * brier
    dual = -lam * cv

    o = lax.broadcasted_iota(jnp.int32, (1, 8), 1)
    out_ref[...] = jnp.where(
        o == 0, total,
        jnp.where(o == 1, cost,
                  jnp.where(o == 2, rob,
                            jnp.where(o == 3, brier,
                                      jnp.where(o == 4, lagr,
                                                jnp.where(o == 5, dual,
                                                          jnp.where(o == 6, cv, 0.0)))))))


_finalize = pl.pallas_call(
    _finalize_body,
    out_shape=jax.ShapeDtypeStruct((1, 8), jnp.float32),
)


def kernel(fallback_probs, labels, success, perturbation_seeds, lagrange_multiplier):
    seeds32 = perturbation_seeds.astype(jnp.int32)
    parts = _seed_hist(success, seeds32)
    fp2 = fallback_probs.reshape(_N // 128, 128)
    lb2 = labels.reshape(_N // 128, 128)
    sd2 = seeds32.reshape(_N // 128, 128)
    dense = _dense(fp2, lb2, sd2)
    lam2 = lagrange_multiplier.astype(jnp.float32).reshape(1, 1)
    o = _finalize(parts, dense, lam2)
    return (
        o[0, 0],
        o[0, 1],
        o[0, 2],
        o[0, 3],
        o[0, 4],
        o[0, 5],
        o[0, 6],
    )

# --- scband reference (transcript-rebuilt; emitter-appended) ---
"""Pipeline reference for scband-router-loss-53532472377600 (READ-ONLY COPY).

The authoritative reference and input builder live on the scoring server;
editing this copy changes nothing except your own understanding.
"""

import jax, jax.numpy as jnp
import numpy as np

NUM_SEEDS = 16
CVAR_ALPHA = 0.2
CVAR_EPSILON = 0.3
COST_SLM = 1.0
COST_LLM = 50.0
BRIER_WEIGHT = 1.0


def setup_inputs(seed: int = 0) -> dict:
    key = jax.random.key(seed)
    k1, k2, k3, k4, k5 = jax.random.split(key, 5)
    N = 1048576
    fallback_probs = jax.random.uniform(k1, (N,), dtype=jnp.float32)
    labels = jax.random.uniform(k2, (N,), dtype=jnp.float32)
    success = jax.random.uniform(k3, (N,), dtype=jnp.float32)
    perturbation_seeds = jax.random.randint(k4, (N,), 0, NUM_SEEDS, dtype=jnp.int64)
    lagrange_multiplier = jax.random.uniform(k5, (), dtype=jnp.float32)
    return {
        "fallback_probs": fallback_probs,
        "labels": labels,
        "success": success,
        "perturbation_seeds": perturbation_seeds,
        "lagrange_multiplier": lagrange_multiplier,
    }


def _cvar_loss(failure, perturbation_seeds):
    # per-seed failure rate via segment mean (seeds are dense in [0, NUM_SEEDS))
    seeds32 = perturbation_seeds.astype(jnp.int32)
    ones = jnp.ones_like(failure)
    counts = jax.ops.segment_sum(ones, seeds32, num_segments=NUM_SEEDS)
    sums = jax.ops.segment_sum(failure, seeds32, num_segments=NUM_SEEDS)
    seed_failures = sums / jnp.maximum(counts, 1.0)
    k = max(1, int(NUM_SEEDS * CVAR_ALPHA))
    topk_failures, _ = jax.lax.top_k(seed_failures, k)
    return jnp.mean(topk_failures)


def reference(fallback_probs, labels, success, perturbation_seeds, lagrange_multiplier):
    expected_cost = fallback_probs * COST_LLM + (1.0 - fallback_probs) * COST_SLM
    cost_loss = jnp.mean(expected_cost)
    failure = 1.0 - success
    robustness_loss = _cvar_loss(failure, perturbation_seeds)
    brier_loss = jnp.mean((fallback_probs - labels) ** 2)
    constraint_violation = robustness_loss - CVAR_EPSILON
    lagrangian_term = lagrange_multiplier * constraint_violation
    total_loss = cost_loss + lagrangian_term + BRIER_WEIGHT * brier_loss
    dual_loss = -lagrange_multiplier * jax.lax.stop_gradient(constraint_violation)
    return (
        total_loss,
        cost_loss,
        robustness_loss,
        brier_loss,
        lagrangian_term,
        dual_loss,
        jax.lax.stop_gradient(constraint_violation),
    )

if __name__ == "__main__":
    import jax
    _d = setup_inputs()
    print(jax.jit(kernel)(*tuple(_d.values())))

</pallas_src>

<mosaic_0001>
#map = affine_map<(d0, d1) -> (0)>
#map1 = affine_map<(d0, d1) -> (0, 0)>
module attributes {stable_mosaic.version = 14 : i64} {
  func.func @_seed_hist(%arg0: i32, %arg1: i32, %arg2: memref<1048576xf32, #tpu.memory_space<hbm>>, %arg3: memref<1048576xi32, #tpu.memory_space<hbm>>, %arg4: memref<32x16xf32, #tpu.memory_space<hbm>>, %arg5: memref<4096xf32, #tpu.memory_space<vmem>>, %arg6: memref<4096xi32, #tpu.memory_space<vmem>>, %arg7: memref<4096xf32, #tpu.memory_space<vmem>>, %arg8: memref<4096xi32, #tpu.memory_space<vmem>>, %arg9: memref<!tpu.dma_semaphore, #tpu.memory_space<semaphore_mem>>, %arg10: memref<!tpu.dma_semaphore, #tpu.memory_space<semaphore_mem>>, %arg11: memref<256xf32, #tpu.memory_space<vmem>>, %arg12: memref<256xf32, #tpu.memory_space<vmem>>, %arg13: memref<1x16xf32, #tpu.memory_space<vmem>>) attributes {dimension_semantics = [#tpu.dimension_semantics<core_parallel>, #tpu.dimension_semantics<subcore_parallel>], iteration_bounds = array<i64: 2, 16>, scalar_prefetch = 0 : i64, scratch_operands = 9 : i64, tpu.core_type = #tpu.core_type<sc_vector_subcore>, window_params = [{transform_indices = #map}, {transform_indices = #map}, {transform_indices = #map1}]} {
    %mul3A = arith.constant 2 : i32
    %mul3A_0 = arith.muli %arg1, %mul3A : i32
    %add3A = arith.addi %mul3A_0, %arg0 : i32
    %mul3A_1 = arith.constant 32768 : i32
    %mul3A_2 = arith.muli %add3A, %mul3A_1 : i32
    %broadcast_in_dim3A = arith.constant 0.000000e+00 : f32
    %broadcast_in_dim3A_3 = vector.broadcast %broadcast_in_dim3A : f32 to vector<16xf32>
    %iota3A = tpu.iota {dimensions = array<i32: 0>} : vector<16xi32>
    %swap3A = arith.constant 0 : index
    %swap3A_4 = tpu.vector_load %arg11[%swap3A] {strides = array<i32>} : memref<256xf32, #tpu.memory_space<vmem>>, vector<16xf32>,
    tpu.vector_store %arg11[%swap3A], %broadcast_in_dim3A_3 {strides = array<i32>} : memref<256xf32, #tpu.memory_space<vmem>>, vector<16xf32>,
    %swap3A_5 = arith.constant 16 : index
    %swap3A_6 = tpu.vector_load %arg11[%swap3A_5] {strides = array<i32>} : memref<256xf32, #tpu.memory_space<vmem>>, vector<16xf32>,
    tpu.vector_store %arg11[%swap3A_5], %broadcast_in_dim3A_3 {strides = array<i32>} : memref<256xf32, #tpu.memory_space<vmem>>, vector<16xf32>,
    %swap3A_7 = arith.constant 32 : index
    %swap3A_8 = tpu.vector_load %arg11[%swap3A_7] {strides = array<i32>} : memref<256xf32, #tpu.memory_space<vmem>>, vector<16xf32>,
    tpu.vector_store %arg11[%swap3A_7], %broadcast_in_dim3A_3 {strides = array<i32>} : memref<256xf32, #tpu.memory_space<vmem>>, vector<16xf32>,
    %swap3A_9 = arith.constant 48 : index
    %swap3A_10 = tpu.vector_load %arg11[%swap3A_9] {strides = array<i32>} : memref<256xf32, #tpu.memory_space<vmem>>, vector<16xf32>,
    tpu.vector_store %arg11[%swap3A_9], %broadcast_in_dim3A_3 {strides = array<i32>} : memref<256xf32, #tpu.memory_space<vmem>>, vector<16xf32>,
    %swap3A_11 = arith.constant 64 : index
    %swap3A_12 = tpu.vector_load %arg11[%swap3A_11] {strides = array<i32>} : memref<256xf32, #tpu.memory_space<vmem>>, vector<16xf32>,
    tpu.vector_store %arg11[%swap3A_11], %broadcast_in_dim3A_3 {strides = array<i32>} : memref<256xf32, #tpu.memory_space<vmem>>, vector<16xf32>,
    %swap3A_13 = arith.constant 80 : index
    %swap3A_14 = tpu.vector_load %arg11[%swap3A_13] {strides = array<i32>} : memref<256xf32, #tpu.memory_space<vmem>>, vector<16xf32>,
    tpu.vector_store %arg11[%swap3A_13], %broadcast_in_dim3A_3 {strides = array<i32>} : memref<256xf32, #tpu.memory_space<vmem>>, vector<16xf32>,
    %swap3A_15 = arith.constant 96 : index
    %swap3A_16 = tpu.vector_load %arg11[%swap3A_15] {strides = array<i32>} : memref<256xf32, #tpu.memory_space<vmem>>, vector<16xf32>,
    tpu.vector_store %arg11[%swap3A_15], %broadcast_in_dim3A_3 {strides = array<i32>} : memref<256xf32, #tpu.memory_space<vmem>>, vector<16xf32>,
    %swap3A_17 = arith.constant 112 : index
    %swap3A_18 = tpu.vector_load %arg11[%swap3A_17] {strides = array<i32>} : memref<256xf32, #tpu.memory_space<vmem>>, vector<16xf32>,
    tpu.vector_store %arg11[%swap3A_17], %broadcast_in_dim3A_3 {strides = array<i32>} : memref<256xf32, #tpu.memory_space<vmem>>, vector<16xf32>,
    %swap3A_19 = arith.constant 128 : index
    %swap3A_20 = tpu.vector_load %arg11[%swap3A_19] {strides = array<i32>} : memref<256xf32, #tpu.memory_space<vmem>>, vector<16xf32>,
    tpu.vector_store %arg11[%swap3A_19], %broadcast_in_dim3A_3 {strides = array<i32>} : memref<256xf32, #tpu.memory_space<vmem>>, vector<16xf32>,
    %swap3A_21 = arith.constant 144 : index
    %swap3A_22 = tpu.vector_load %arg11[%swap3A_21] {strides = array<i32>} : memref<256xf32, #tpu.memory_space<vmem>>, vector<16xf32>,
    tpu.vector_store %arg11[%swap3A_21], %broadcast_in_dim3A_3 {strides = array<i32>} : memref<256xf32, #tpu.memory_space<vmem>>, vector<16xf32>,
    %swap3A_23 = arith.constant 160 : index
    %swap3A_24 = tpu.vector_load %arg11[%swap3A_23] {strides = array<i32>} : memref<256xf32, #tpu.memory_space<vmem>>, vector<16xf32>,
    tpu.vector_store %arg11[%swap3A_23], %broadcast_in_dim3A_3 {strides = array<i32>} : memref<256xf32, #tpu.memory_space<vmem>>, vector<16xf32>,
    %swap3A_25 = arith.constant 176 : index
    %swap3A_26 = tpu.vector_load %arg11[%swap3A_25] {strides = array<i32>} : memref<256xf32, #tpu.memory_space<vmem>>, vector<16xf32>,
    tpu.vector_store %arg11[%swap3A_25], %broadcast_in_dim3A_3 {strides = array<i32>} : memref<256xf32, #tpu.memory_space<vmem>>, vector<16xf32>,
    %swap3A_27 = arith.constant 192 : index
    %swap3A_28 = tpu.vector_load %arg11[%swap3A_27] {strides = array<i32>} : memref<256xf32, #tpu.memory_space<vmem>>, vector<16xf32>,
    tpu.vector_store %arg11[%swap3A_27], %broadcast_in_dim3A_3 {strides = array<i32>} : memref<256xf32, #tpu.memory_space<vmem>>, vector<16xf32>,
    %swap3A_29 = arith.constant 208 : index
    %swap3A_30 = tpu.vector_load %arg11[%swap3A_29] {strides = array<i32>} : memref<256xf32, #tpu.memory_space<vmem>>, vector<16xf32>,
    tpu.vector_store %arg11[%swap3A_29], %broadcast_in_dim3A_3 {strides = array<i32>} : memref<256xf32, #tpu.memory_space<vmem>>, vector<16xf32>,
    %swap3A_31 = arith.constant 224 : index
    %swap3A_32 = tpu.vector_load %arg11[%swap3A_31] {strides = array<i32>} : memref<256xf32, #tpu.memory_space<vmem>>, vector<16xf32>,
    tpu.vector_store %arg11[%swap3A_31], %broadcast_in_dim3A_3 {strides = array<i32>} : memref<256xf32, #tpu.memory_space<vmem>>, vector<16xf32>,
    %swap3A_33 = arith.constant 240 : index
    %swap3A_34 = tpu.vector_load %arg11[%swap3A_33] {strides = array<i32>} : memref<256xf32, #tpu.memory_space<vmem>>, vector<16xf32>,
    tpu.vector_store %arg11[%swap3A_33], %broadcast_in_dim3A_3 {strides = array<i32>} : memref<256xf32, #tpu.memory_space<vmem>>, vector<16xf32>,
    %swap3A_35 = arith.constant 0 : index
    %swap3A_36 = tpu.vector_load %arg12[%swap3A_35] {strides = array<i32>} : memref<256xf32, #tpu.memory_space<vmem>>, vector<16xf32>,
    tpu.vector_store %arg12[%swap3A_35], %broadcast_in_dim3A_3 {strides = array<i32>} : memref<256xf32, #tpu.memory_space<vmem>>, vector<16xf32>,
    %swap3A_37 = arith.constant 16 : index
    %swap3A_38 = tpu.vector_load %arg12[%swap3A_37] {strides = array<i32>} : memref<256xf32, #tpu.memory_space<vmem>>, vector<16xf32>,
    tpu.vector_store %arg12[%swap3A_37], %broadcast_in_dim3A_3 {strides = array<i32>} : memref<256xf32, #tpu.memory_space<vmem>>, vector<16xf32>,
    %swap3A_39 = arith.constant 32 : index
    %swap3A_40 = tpu.vector_load %arg12[%swap3A_39] {strides = array<i32>} : memref<256xf32, #tpu.memory_space<vmem>>, vector<16xf32>,
    tpu.vector_store %arg12[%swap3A_39], %broadcast_in_dim3A_3 {strides = array<i32>} : memref<256xf32, #tpu.memory_space<vmem>>, vector<16xf32>,
    %swap3A_41 = arith.constant 48 : index
    %swap3A_42 = tpu.vector_load %arg12[%swap3A_41] {strides = array<i32>} : memref<256xf32, #tpu.memory_space<vmem>>, vector<16xf32>,
    tpu.vector_store %arg12[%swap3A_41], %broadcast_in_dim3A_3 {strides = array<i32>} : memref<256xf32, #tpu.memory_space<vmem>>, vector<16xf32>,
    %swap3A_43 = arith.constant 64 : index
    %swap3A_44 = tpu.vector_load %arg12[%swap3A_43] {strides = array<i32>} : memref<256xf32, #tpu.memory_space<vmem>>, vector<16xf32>,
    tpu.vector_store %arg12[%swap3A_43], %broadcast_in_dim3A_3 {strides = array<i32>} : memref<256xf32, #tpu.memory_space<vmem>>, vector<16xf32>,
    %swap3A_45 = arith.constant 80 : index
    %swap3A_46 = tpu.vector_load %arg12[%swap3A_45] {strides = array<i32>} : memref<256xf32, #tpu.memory_space<vmem>>, vector<16xf32>,
    tpu.vector_store %arg12[%swap3A_45], %broadcast_in_dim3A_3 {strides = array<i32>} : memref<256xf32, #tpu.memory_space<vmem>>, vector<16xf32>,
    %swap3A_47 = arith.constant 96 : index
    %swap3A_48 = tpu.vector_load %arg12[%swap3A_47] {strides = array<i32>} : memref<256xf32, #tpu.memory_space<vmem>>, vector<16xf32>,
    tpu.vector_store %arg12[%swap3A_47], %broadcast_in_dim3A_3 {strides = array<i32>} : memref<256xf32, #tpu.memory_space<vmem>>, vector<16xf32>,
    %swap3A_49 = arith.constant 112 : index
    %swap3A_50 = tpu.vector_load %arg12[%swap3A_49] {strides = array<i32>} : memref<256xf32, #tpu.memory_space<vmem>>, vector<16xf32>,
    tpu.vector_store %arg12[%swap3A_49], %broadcast_in_dim3A_3 {strides = array<i32>} : memref<256xf32, #tpu.memory_space<vmem>>, vector<16xf32>,
    %swap3A_51 = arith.constant 128 : index
    %swap3A_52 = tpu.vector_load %arg12[%swap3A_51] {strides = array<i32>} : memref<256xf32, #tpu.memory_space<vmem>>, vector<16xf32>,
    tpu.vector_store %arg12[%swap3A_51], %broadcast_in_dim3A_3 {strides = array<i32>} : memref<256xf32, #tpu.memory_space<vmem>>, vector<16xf32>,
    %swap3A_53 = arith.constant 144 : index
    %swap3A_54 = tpu.vector_load %arg12[%swap3A_53] {strides = array<i32>} : memref<256xf32, #tpu.memory_space<vmem>>, vector<16xf32>,
    tpu.vector_store %arg12[%swap3A_53], %broadcast_in_dim3A_3 {strides = array<i32>} : memref<256xf32, #tpu.memory_space<vmem>>, vector<16xf32>,
    %swap3A_55 = arith.constant 160 : index
    %swap3A_56 = tpu.vector_load %arg12[%swap3A_55] {strides = array<i32>} : memref<256xf32, #tpu.memory_space<vmem>>, vector<16xf32>,
    tpu.vector_store %arg12[%swap3A_55], %broadcast_in_dim3A_3 {strides = array<i32>} : memref<256xf32, #tpu.memory_space<vmem>>, vector<16xf32>,
    %swap3A_57 = arith.constant 176 : index
    %swap3A_58 = tpu.vector_load %arg12[%swap3A_57] {strides = array<i32>} : memref<256xf32, #tpu.memory_space<vmem>>, vector<16xf32>,
    tpu.vector_store %arg12[%swap3A_57], %broadcast_in_dim3A_3 {strides = array<i32>} : memref<256xf32, #tpu.memory_space<vmem>>, vector<16xf32>,
    %swap3A_59 = arith.constant 192 : index
    %swap3A_60 = tpu.vector_load %arg12[%swap3A_59] {strides = array<i32>} : memref<256xf32, #tpu.memory_space<vmem>>, vector<16xf32>,
    tpu.vector_store %arg12[%swap3A_59], %broadcast_in_dim3A_3 {strides = array<i32>} : memref<256xf32, #tpu.memory_space<vmem>>, vector<16xf32>,
    %swap3A_61 = arith.constant 208 : index
    %swap3A_62 = tpu.vector_load %arg12[%swap3A_61] {strides = array<i32>} : memref<256xf32, #tpu.memory_space<vmem>>, vector<16xf32>,
    tpu.vector_store %arg12[%swap3A_61], %broadcast_in_dim3A_3 {strides = array<i32>} : memref<256xf32, #tpu.memory_space<vmem>>, vector<16xf32>,
    %swap3A_63 = arith.constant 224 : index
    %swap3A_64 = tpu.vector_load %arg12[%swap3A_63] {strides = array<i32>} : memref<256xf32, #tpu.memory_space<vmem>>, vector<16xf32>,
    tpu.vector_store %arg12[%swap3A_63], %broadcast_in_dim3A_3 {strides = array<i32>} : memref<256xf32, #tpu.memory_space<vmem>>, vector<16xf32>,
    %swap3A_65 = arith.constant 240 : index
    %swap3A_66 = tpu.vector_load %arg12[%swap3A_65] {strides = array<i32>} : memref<256xf32, #tpu.memory_space<vmem>>, vector<16xf32>,
    tpu.vector_store %arg12[%swap3A_65], %broadcast_in_dim3A_3 {strides = array<i32>} : memref<256xf32, #tpu.memory_space<vmem>>, vector<16xf32>,
    %add3A_67 = arith.constant 0 : i32
    %add3A_68 = arith.addi %mul3A_2, %add3A_67 : i32
    %dma_start3A = tpu.memref_slice %arg2[%add3A_68] : memref<1048576xf32, #tpu.memory_space<hbm>> -> memref<4096xf32, #tpu.memory_space<hbm>>
    %dma_start3A_69 = tpu.memref_slice %arg2[%add3A_68] : memref<1048576xf32, #tpu.memory_space<hbm>> -> memref<4096xf32, #tpu.memory_space<hbm>>
    tpu.enqueue_dma source(%dma_start3A_69 : memref<4096xf32, #tpu.memory_space<hbm>>) target(%arg5 : memref<4096xf32, #tpu.memory_space<vmem>>) target_semaphore(%arg9 : memref<!tpu.dma_semaphore, #tpu.memory_space<semaphore_mem>>)
    %dma_start3A_70 = tpu.memref_slice %arg3[%add3A_68] : memref<1048576xi32, #tpu.memory_space<hbm>> -> memref<4096xi32, #tpu.memory_space<hbm>>
    %dma_start3A_71 = tpu.memref_slice %arg3[%add3A_68] : memref<1048576xi32, #tpu.memory_space<hbm>> -> memref<4096xi32, #tpu.memory_space<hbm>>
    tpu.enqueue_dma source(%dma_start3A_71 : memref<4096xi32, #tpu.memory_space<hbm>>) target(%arg6 : memref<4096xi32, #tpu.memory_space<vmem>>) target_semaphore(%arg9 : memref<!tpu.dma_semaphore, #tpu.memory_space<semaphore_mem>>)
    %add3A_72 = arith.constant 4096 : i32
    %add3A_73 = arith.addi %mul3A_2, %add3A_72 : i32
    %dma_start3A_74 = tpu.memref_slice %arg2[%add3A_73] : memref<1048576xf32, #tpu.memory_space<hbm>> -> memref<4096xf32, #tpu.memory_space<hbm>>
    %dma_start3A_75 = tpu.memref_slice %arg2[%add3A_73] : memref<1048576xf32, #tpu.memory_space<hbm>> -> memref<4096xf32, #tpu.memory_space<hbm>>
    tpu.enqueue_dma source(%dma_start3A_75 : memref<4096xf32, #tpu.memory_space<hbm>>) target(%arg7 : memref<4096xf32, #tpu.memory_space<vmem>>) target_semaphore(%arg10 : memref<!tpu.dma_semaphore, #tpu.memory_space<semaphore_mem>>)
    %dma_start3A_76 = tpu.memref_slice %arg3[%add3A_73] : memref<1048576xi32, #tpu.memory_space<hbm>> -> memref<4096xi32, #tpu.memory_space<hbm>>
    %dma_start3A_77 = tpu.memref_slice %arg3[%add3A_73] : memref<1048576xi32, #tpu.memory_space<hbm>> -> memref<4096xi32, #tpu.memory_space<hbm>>
    tpu.enqueue_dma source(%dma_start3A_77 : memref<4096xi32, #tpu.memory_space<hbm>>) target(%arg8 : memref<4096xi32, #tpu.memory_space<vmem>>) target_semaphore(%arg10 : memref<!tpu.dma_semaphore, #tpu.memory_space<semaphore_mem>>)
    %dma_wait3A = tpu.memref_slice %arg2[%add3A_68] : memref<1048576xf32, #tpu.memory_space<hbm>> -> memref<4096xf32, #tpu.memory_space<hbm>>
    %dma_wait3A_78 = tpu.memref_slice %arg2[%add3A_68] : memref<1048576xf32, #tpu.memory_space<hbm>> -> memref<4096xf32, #tpu.memory_space<hbm>>
    tpu.wait_dma2 semaphore(%arg9 : memref<!tpu.dma_semaphore, #tpu.memory_space<semaphore_mem>>) src(%dma_wait3A_78 : memref<4096xf32, #tpu.memory_space<hbm>>) dst(%arg5 : memref<4096xf32, #tpu.memory_space<vmem>>)
    %dma_wait3A_79 = tpu.memref_slice %arg3[%add3A_68] : memref<1048576xi32, #tpu.memory_space<hbm>> -> memref<4096xi32, #tpu.memory_space<hbm>>
    %dma_wait3A_80 = tpu.memref_slice %arg3[%add3A_68] : memref<1048576xi32, #tpu.memory_space<hbm>> -> memref<4096xi32, #tpu.memory_space<hbm>>
    tpu.wait_dma2 semaphore(%arg9 : memref<!tpu.dma_semaphore, #tpu.memory_space<semaphore_mem>>) src(%dma_wait3A_80 : memref<4096xi32, #tpu.memory_space<hbm>>) dst(%arg6 : memref<4096xi32, #tpu.memory_space<vmem>>)
    %parallel_loop3A = arith.constant 0 : i32
    %parallel_loop3A_81 = arith.constant 256 : i32
    %parallel_loop3A_82 = arith.constant 1 : i32
    scf.for %parallel_loop3A_488 = %parallel_loop3A to %parallel_loop3A_81 step %parallel_loop3A_82  : i32 {
      %parallel_loop3A_489 = arith.constant 16 : i32
      %parallel_loop3A_490 = arith.muli %parallel_loop3A_488, %parallel_loop3A_489 : i32
      %parallel_loop3A_491 = arith.index_cast %parallel_loop3A_490 : i32 to index
      %parallel_loop3A_492 = tpu.vector_load %arg5[%parallel_loop3A_491] {strides = array<i32>} : memref<4096xf32, #tpu.memory_space<vmem>>, vector<16xf32>,
      %parallel_loop3A_493 = arith.index_cast %parallel_loop3A_490 : i32 to index
      %parallel_loop3A_494 = tpu.vector_load %arg6[%parallel_loop3A_493] {strides = array<i32>} : memref<4096xi32, #tpu.memory_space<vmem>>, vector<16xi32>,
      %parallel_loop3A_495 = arith.constant 16 : i32
      %parallel_loop3A_496 = vector.broadcast %parallel_loop3A_495 : i32 to vector<16xi32>
      %parallel_loop3A_497 = arith.muli %parallel_loop3A_494, %parallel_loop3A_496 : vector<16xi32>
      %parallel_loop3A_498 = arith.addi %parallel_loop3A_497, %iota3A : vector<16xi32>
      tpu.vector_store_idx %arg11[%parallel_loop3A_498], %parallel_loop3A_492 {add = true} : memref<256xf32, #tpu.memory_space<vmem>>[vector<16xi32>], vector<16xf32>,
    } {sc.loop_unroll_factor = 4 : i64, sc.parallel_access}
    %add3A_83 = arith.constant 8192 : i32
    %add3A_84 = arith.addi %mul3A_2, %add3A_83 : i32
    %dma_start3A_85 = tpu.memref_slice %arg2[%add3A_84] : memref<1048576xf32, #tpu.memory_space<hbm>> -> memref<4096xf32, #tpu.memory_space<hbm>>
    %dma_start3A_86 = tpu.memref_slice %arg2[%add3A_84] : memref<1048576xf32, #tpu.memory_space<hbm>> -> memref<4096xf32, #tpu.memory_space<hbm>>
    tpu.enqueue_dma source(%dma_start3A_86 : memref<4096xf32, #tpu.memory_space<hbm>>) target(%arg5 : memref<4096xf32, #tpu.memory_space<vmem>>) target_semaphore(%arg9 : memref<!tpu.dma_semaphore, #tpu.memory_space<semaphore_mem>>)
    %dma_start3A_87 = tpu.memref_slice %arg3[%add3A_84] : memref<1048576xi32, #tpu.memory_space<hbm>> -> memref<4096xi32, #tpu.memory_space<hbm>>
    %dma_start3A_88 = tpu.memref_slice %arg3[%add3A_84] : memref<1048576xi32, #tpu.memory_space<hbm>> -> memref<4096xi32, #tpu.memory_space<hbm>>
    tpu.enqueue_dma source(%dma_start3A_88 : memref<4096xi32, #tpu.memory_space<hbm>>) target(%arg6 : memref<4096xi32, #tpu.memory_space<vmem>>) target_semaphore(%arg9 : memref<!tpu.dma_semaphore, #tpu.memory_space<semaphore_mem>>)
    %dma_wait3A_89 = tpu.memref_slice %arg2[%add3A_73] : memref<1048576xf32, #tpu.memory_space<hbm>> -> memref<4096xf32, #tpu.memory_space<hbm>>
    %dma_wait3A_90 = tpu.memref_slice %arg2[%add3A_73] : memref<1048576xf32, #tpu.memory_space<hbm>> -> memref<4096xf32, #tpu.memory_space<hbm>>
    tpu.wait_dma2 semaphore(%arg10 : memref<!tpu.dma_semaphore, #tpu.memory_space<semaphore_mem>>) src(%dma_wait3A_90 : memref<4096xf32, #tpu.memory_space<hbm>>) dst(%arg7 : memref<4096xf32, #tpu.memory_space<vmem>>)
    %dma_wait3A_91 = tpu.memref_slice %arg3[%add3A_73] : memref<1048576xi32, #tpu.memory_space<hbm>> -> memref<4096xi32, #tpu.memory_space<hbm>>
    %dma_wait3A_92 = tpu.memref_slice %arg3[%add3A_73] : memref<1048576xi32, #tpu.memory_space<hbm>> -> memref<4096xi32, #tpu.memory_space<hbm>>
    tpu.wait_dma2 semaphore(%arg10 : memref<!tpu.dma_semaphore, #tpu.memory_space<semaphore_mem>>) src(%dma_wait3A_92 : memref<4096xi32, #tpu.memory_space<hbm>>) dst(%arg8 : memref<4096xi32, #tpu.memory_space<vmem>>)
    %parallel_loop3A_93 = arith.constant 0 : i32
    %parallel_loop3A_94 = arith.constant 256 : i32
    %parallel_loop3A_95 = arith.constant 1 : i32
    scf.for %parallel_loop3A_488 = %parallel_loop3A_93 to %parallel_loop3A_94 step %parallel_loop3A_95  : i32 {
      %parallel_loop3A_489 = arith.constant 16 : i32
      %parallel_loop3A_490 = arith.muli %parallel_loop3A_488, %parallel_loop3A_489 : i32
      %parallel_loop3A_491 = arith.index_cast %parallel_loop3A_490 : i32 to index
      %parallel_loop3A_492 = tpu.vector_load %arg7[%parallel_loop3A_491] {strides = array<i32>} : memref<4096xf32, #tpu.memory_space<vmem>>, vector<16xf32>,
      %parallel_loop3A_493 = arith.index_cast %parallel_loop3A_490 : i32 to index
      %parallel_loop3A_494 = tpu.vector_load %arg8[%parallel_loop3A_493] {strides = array<i32>} : memref<4096xi32, #tpu.memory_space<vmem>>, vector<16xi32>,
      %parallel_loop3A_495 = arith.constant 16 : i32
      %parallel_loop3A_496 = vector.broadcast %parallel_loop3A_495 : i32 to vector<16xi32>
      %parallel_loop3A_497 = arith.muli %parallel_loop3A_494, %parallel_loop3A_496 : vector<16xi32>
      %parallel_loop3A_498 = arith.addi %parallel_loop3A_497, %iota3A : vector<16xi32>
      tpu.vector_store_idx %arg12[%parallel_loop3A_498], %parallel_loop3A_492 {add = true} : memref<256xf32, #tpu.memory_space<vmem>>[vector<16xi32>], vector<16xf32>,
    } {sc.loop_unroll_factor = 4 : i64, sc.parallel_access}
    %add3A_96 = arith.constant 12288 : i32
    %add3A_97 = arith.addi %mul3A_2, %add3A_96 : i32
    %dma_start3A_98 = tpu.memref_slice %arg2[%add3A_97] : memref<1048576xf32, #tpu.memory_space<hbm>> -> memref<4096xf32, #tpu.memory_space<hbm>>
    %dma_start3A_99 = tpu.memref_slice %arg2[%add3A_97] : memref<1048576xf32, #tpu.memory_space<hbm>> -> memref<4096xf32, #tpu.memory_space<hbm>>
    tpu.enqueue_dma source(%dma_start3A_99 : memref<4096xf32, #tpu.memory_space<hbm>>) target(%arg7 : memref<4096xf32, #tpu.memory_space<vmem>>) target_semaphore(%arg10 : memref<!tpu.dma_semaphore, #tpu.memory_space<semaphore_mem>>)
    %dma_start3A_100 = tpu.memref_slice %arg3[%add3A_97] : memref<1048576xi32, #tpu.memory_space<hbm>> -> memref<4096xi32, #tpu.memory_space<hbm>>
    %dma_start3A_101 = tpu.memref_slice %arg3[%add3A_97] : memref<1048576xi32, #tpu.memory_space<hbm>> -> memref<4096xi32, #tpu.memory_space<hbm>>
    tpu.enqueue_dma source(%dma_start3A_101 : memref<4096xi32, #tpu.memory_space<hbm>>) target(%arg8 : memref<4096xi32, #tpu.memory_space<vmem>>) target_semaphore(%arg10 : memref<!tpu.dma_semaphore, #tpu.memory_space<semaphore_mem>>)
    %dma_wait3A_102 = tpu.memref_slice %arg2[%add3A_84] : memref<1048576xf32, #tpu.memory_space<hbm>> -> memref<4096xf32, #tpu.memory_space<hbm>>
    %dma_wait3A_103 = tpu.memref_slice %arg2[%add3A_84] : memref<1048576xf32, #tpu.memory_space<hbm>> -> memref<4096xf32, #tpu.memory_space<hbm>>
    tpu.wait_dma2 semaphore(%arg9 : memref<!tpu.dma_semaphore, #tpu.memory_space<semaphore_mem>>) src(%dma_wait3A_103 : memref<4096xf32, #tpu.memory_space<hbm>>) dst(%arg5 : memref<4096xf32, #tpu.memory_space<vmem>>)
    %dma_wait3A_104 = tpu.memref_slice %arg3[%add3A_84] : memref<1048576xi32, #tpu.memory_space<hbm>> -> memref<4096xi32, #tpu.memory_space<hbm>>
    %dma_wait3A_105 = tpu.memref_slice %arg3[%add3A_84] : memref<1048576xi32, #tpu.memory_space<hbm>> -> memref<4096xi32, #tpu.memory_space<hbm>>
    tpu.wait_dma2 semaphore(%arg9 : memref<!tpu.dma_semaphore, #tpu.memory_space<semaphore_mem>>) src(%dma_wait3A_105 : memref<4096xi32, #tpu.memory_space<hbm>>) dst(%arg6 : memref<4096xi32, #tpu.memory_space<vmem>>)
    %parallel_loop3A_106 = arith.constant 0 : i32
    %parallel_loop3A_107 = arith.constant 256 : i32
    %parallel_loop3A_108 = arith.constant 1 : i32
    scf.for %parallel_loop3A_488 = %parallel_loop3A_106 to %parallel_loop3A_107 step %parallel_loop3A_108  : i32 {
      %parallel_loop3A_489 = arith.constant 16 : i32
      %parallel_loop3A_490 = arith.muli %parallel_loop3A_488, %parallel_loop3A_489 : i32
      %parallel_loop3A_491 = arith.index_cast %parallel_loop3A_490 : i32 to index
      %parallel_loop3A_492 = tpu.vector_load %arg5[%parallel_loop3A_491] {strides = array<i32>} : memref<4096xf32, #tpu.memory_space<vmem>>, vector<16xf32>,
      %parallel_loop3A_493 = arith.index_cast %parallel_loop3A_490 : i32 to index
      %parallel_loop3A_494 = tpu.vector_load %arg6[%parallel_loop3A_493] {strides = array<i32>} : memref<4096xi32, #tpu.memory_space<vmem>>, vector<16xi32>,
      %parallel_loop3A_495 = arith.constant 16 : i32
      %parallel_loop3A_496 = vector.broadcast %parallel_loop3A_495 : i32 to vector<16xi32>
      %parallel_loop3A_497 = arith.muli %parallel_loop3A_494, %parallel_loop3A_496 : vector<16xi32>
      %parallel_loop3A_498 = arith.addi %parallel_loop3A_497, %iota3A : vector<16xi32>
      tpu.vector_store_idx %arg11[%parallel_loop3A_498], %parallel_loop3A_492 {add = true} : memref<256xf32, #tpu.memory_space<vmem>>[vector<16xi32>], vector<16xf32>,
    } {sc.loop_unroll_factor = 4 : i64, sc.parallel_access}
    %add3A_109 = arith.constant 16384 : i32
    %add3A_110 = arith.addi %mul3A_2, %add3A_109 : i32
    %dma_start3A_111 = tpu.memref_slice %arg2[%add3A_110] : memref<1048576xf32, #tpu.memory_space<hbm>> -> memref<4096xf32, #tpu.memory_space<hbm>>
    %dma_start3A_112 = tpu.memref_slice %arg2[%add3A_110] : memref<1048576xf32, #tpu.memory_space<hbm>> -> memref<4096xf32, #tpu.memory_space<hbm>>
    tpu.enqueue_dma source(%dma_start3A_112 : memref<4096xf32, #tpu.memory_space<hbm>>) target(%arg5 : memref<4096xf32, #tpu.memory_space<vmem>>) target_semaphore(%arg9 : memref<!tpu.dma_semaphore, #tpu.memory_space<semaphore_mem>>)
    %dma_start3A_113 = tpu.memref_slice %arg3[%add3A_110] : memref<1048576xi32, #tpu.memory_space<hbm>> -> memref<4096xi32, #tpu.memory_space<hbm>>
    %dma_start3A_114 = tpu.memref_slice %arg3[%add3A_110] : memref<1048576xi32, #tpu.memory_space<hbm>> -> memref<4096xi32, #tpu.memory_space<hbm>>
    tpu.enqueue_dma source(%dma_start3A_114 : memref<4096xi32, #tpu.memory_space<hbm>>) target(%arg6 : memref<4096xi32, #tpu.memory_space<vmem>>) target_semaphore(%arg9 : memref<!tpu.dma_semaphore, #tpu.memory_space<semaphore_mem>>)
    %dma_wait3A_115 = tpu.memref_slice %arg2[%add3A_97] : memref<1048576xf32, #tpu.memory_space<hbm>> -> memref<4096xf32, #tpu.memory_space<hbm>>
    %dma_wait3A_116 = tpu.memref_slice %arg2[%add3A_97] : memref<1048576xf32, #tpu.memory_space<hbm>> -> memref<4096xf32, #tpu.memory_space<hbm>>
    tpu.wait_dma2 semaphore(%arg10 : memref<!tpu.dma_semaphore, #tpu.memory_space<semaphore_mem>>) src(%dma_wait3A_116 : memref<4096xf32, #tpu.memory_space<hbm>>) dst(%arg7 : memref<4096xf32, #tpu.memory_space<vmem>>)
    %dma_wait3A_117 = tpu.memref_slice %arg3[%add3A_97] : memref<1048576xi32, #tpu.memory_space<hbm>> -> memref<4096xi32, #tpu.memory_space<hbm>>
    %dma_wait3A_118 = tpu.memref_slice %arg3[%add3A_97] : memref<1048576xi32, #tpu.memory_space<hbm>> -> memref<4096xi32, #tpu.memory_space<hbm>>
    tpu.wait_dma2 semaphore(%arg10 : memref<!tpu.dma_semaphore, #tpu.memory_space<semaphore_mem>>) src(%dma_wait3A_118 : memref<4096xi32, #tpu.memory_space<hbm>>) dst(%arg8 : memref<4096xi32, #tpu.memory_space<vmem>>)
    %parallel_loop3A_119 = arith.constant 0 : i32
    %parallel_loop3A_120 = arith.constant 256 : i32
    %parallel_loop3A_121 = arith.constant 1 : i32
    scf.for %parallel_loop3A_488 = %parallel_loop3A_119 to %parallel_loop3A_120 step %parallel_loop3A_121  : i32 {
      %parallel_loop3A_489 = arith.constant 16 : i32
      %parallel_loop3A_490 = arith.muli %parallel_loop3A_488, %parallel_loop3A_489 : i32
      %parallel_loop3A_491 = arith.index_cast %parallel_loop3A_490 : i32 to index
      %parallel_loop3A_492 = tpu.vector_load %arg7[%parallel_loop3A_491] {strides = array<i32>} : memref<4096xf32, #tpu.memory_space<vmem>>, vector<16xf32>,
      %parallel_loop3A_493 = arith.index_cast %parallel_loop3A_490 : i32 to index
      %parallel_loop3A_494 = tpu.vector_load %arg8[%parallel_loop3A_493] {strides = array<i32>} : memref<4096xi32, #tpu.memory_space<vmem>>, vector<16xi32>,
      %parallel_loop3A_495 = arith.constant 16 : i32
      %parallel_loop3A_496 = vector.broadcast %parallel_loop3A_495 : i32 to vector<16xi32>
      %parallel_loop3A_497 = arith.muli %parallel_loop3A_494, %parallel_loop3A_496 : vector<16xi32>
      %parallel_loop3A_498 = arith.addi %parallel_loop3A_497, %iota3A : vector<16xi32>
      tpu.vector_store_idx %arg12[%parallel_loop3A_498], %parallel_loop3A_492 {add = true} : memref<256xf32, #tpu.memory_space<vmem>>[vector<16xi32>], vector<16xf32>,
    } {sc.loop_unroll_factor = 4 : i64, sc.parallel_access}
    %add3A_122 = arith.constant 20480 : i32
    %add3A_123 = arith.addi %mul3A_2, %add3A_122 : i32
    %dma_start3A_124 = tpu.memref_slice %arg2[%add3A_123] : memref<1048576xf32, #tpu.memory_space<hbm>> -> memref<4096xf32, #tpu.memory_space<hbm>>
    %dma_start3A_125 = tpu.memref_slice %arg2[%add3A_123] : memref<1048576xf32, #tpu.memory_space<hbm>> -> memref<4096xf32, #tpu.memory_space<hbm>>
    tpu.enqueue_dma source(%dma_start3A_125 : memref<4096xf32, #tpu.memory_space<hbm>>) target(%arg7 : memref<4096xf32, #tpu.memory_space<vmem>>) target_semaphore(%arg10 : memref<!tpu.dma_semaphore, #tpu.memory_space<semaphore_mem>>)
    %dma_start3A_126 = tpu.memref_slice %arg3[%add3A_123] : memref<1048576xi32, #tpu.memory_space<hbm>> -> memref<4096xi32, #tpu.memory_space<hbm>>
    %dma_start3A_127 = tpu.memref_slice %arg3[%add3A_123] : memref<1048576xi32, #tpu.memory_space<hbm>> -> memref<4096xi32, #tpu.memory_space<hbm>>
    tpu.enqueue_dma source(%dma_start3A_127 : memref<4096xi32, #tpu.memory_space<hbm>>) target(%arg8 : memref<4096xi32, #tpu.memory_space<vmem>>) target_semaphore(%arg10 : memref<!tpu.dma_semaphore, #tpu.memory_space<semaphore_mem>>)
    %dma_wait3A_128 = tpu.memref_slice %arg2[%add3A_110] : memref<1048576xf32, #tpu.memory_space<hbm>> -> memref<4096xf32, #tpu.memory_space<hbm>>
    %dma_wait3A_129 = tpu.memref_slice %arg2[%add3A_110] : memref<1048576xf32, #tpu.memory_space<hbm>> -> memref<4096xf32, #tpu.memory_space<hbm>>
    tpu.wait_dma2 semaphore(%arg9 : memref<!tpu.dma_semaphore, #tpu.memory_space<semaphore_mem>>) src(%dma_wait3A_129 : memref<4096xf32, #tpu.memory_space<hbm>>) dst(%arg5 : memref<4096xf32, #tpu.memory_space<vmem>>)
    %dma_wait3A_130 = tpu.memref_slice %arg3[%add3A_110] : memref<1048576xi32, #tpu.memory_space<hbm>> -> memref<4096xi32, #tpu.memory_space<hbm>>
    %dma_wait3A_131 = tpu.memref_slice %arg3[%add3A_110] : memref<1048576xi32, #tpu.memory_space<hbm>> -> memref<4096xi32, #tpu.memory_space<hbm>>
    tpu.wait_dma2 semaphore(%arg9 : memref<!tpu.dma_semaphore, #tpu.memory_space<semaphore_mem>>) src(%dma_wait3A_131 : memref<4096xi32, #tpu.memory_space<hbm>>) dst(%arg6 : memref<4096xi32, #tpu.memory_space<vmem>>)
    %parallel_loop3A_132 = arith.constant 0 : i32
    %parallel_loop3A_133 = arith.constant 256 : i32
    %parallel_loop3A_134 = arith.constant 1 : i32
    scf.for %parallel_loop3A_488 = %parallel_loop3A_132 to %parallel_loop3A_133 step %parallel_loop3A_134  : i32 {
      %parallel_loop3A_489 = arith.constant 16 : i32
      %parallel_loop3A_490 = arith.muli %parallel_loop3A_488, %parallel_loop3A_489 : i32
      %parallel_loop3A_491 = arith.index_cast %parallel_loop3A_490 : i32 to index
      %parallel_loop3A_492 = tpu.vector_load %arg5[%parallel_loop3A_491] {strides = array<i32>} : memref<4096xf32, #tpu.memory_space<vmem>>, vector<16xf32>,
      %parallel_loop3A_493 = arith.index_cast %parallel_loop3A_490 : i32 to index
      %parallel_loop3A_494 = tpu.vector_load %arg6[%parallel_loop3A_493] {strides = array<i32>} : memref<4096xi32, #tpu.memory_space<vmem>>, vector<16xi32>,
      %parallel_loop3A_495 = arith.constant 16 : i32
      %parallel_loop3A_496 = vector.broadcast %parallel_loop3A_495 : i32 to vector<16xi32>
      %parallel_loop3A_497 = arith.muli %parallel_loop3A_494, %parallel_loop3A_496 : vector<16xi32>
      %parallel_loop3A_498 = arith.addi %parallel_loop3A_497, %iota3A : vector<16xi32>
      tpu.vector_store_idx %arg11[%parallel_loop3A_498], %parallel_loop3A_492 {add = true} : memref<256xf32, #tpu.memory_space<vmem>>[vector<16xi32>], vector<16xf32>,
    } {sc.loop_unroll_factor = 4 : i64, sc.parallel_access}
    %add3A_135 = arith.constant 24576 : i32
    %add3A_136 = arith.addi %mul3A_2, %add3A_135 : i32
    %dma_start3A_137 = tpu.memref_slice %arg2[%add3A_136] : memref<1048576xf32, #tpu.memory_space<hbm>> -> memref<4096xf32, #tpu.memory_space<hbm>>
    %dma_start3A_138 = tpu.memref_slice %arg2[%add3A_136] : memref<1048576xf32, #tpu.memory_space<hbm>> -> memref<4096xf32, #tpu.memory_space<hbm>>
    tpu.enqueue_dma source(%dma_start3A_138 : memref<4096xf32, #tpu.memory_space<hbm>>) target(%arg5 : memref<4096xf32, #tpu.memory_space<vmem>>) target_semaphore(%arg9 : memref<!tpu.dma_semaphore, #tpu.memory_space<semaphore_mem>>)
    %dma_start3A_139 = tpu.memref_slice %arg3[%add3A_136] : memref<1048576xi32, #tpu.memory_space<hbm>> -> memref<4096xi32, #tpu.memory_space<hbm>>
    %dma_start3A_140 = tpu.memref_slice %arg3[%add3A_136] : memref<1048576xi32, #tpu.memory_space<hbm>> -> memref<4096xi32, #tpu.memory_space<hbm>>
    tpu.enqueue_dma source(%dma_start3A_140 : memref<4096xi32, #tpu.memory_space<hbm>>) target(%arg6 : memref<4096xi32, #tpu.memory_space<vmem>>) target_semaphore(%arg9 : memref<!tpu.dma_semaphore, #tpu.memory_space<semaphore_mem>>)
    %dma_wait3A_141 = tpu.memref_slice %arg2[%add3A_123] : memref<1048576xf32, #tpu.memory_space<hbm>> -> memref<4096xf32, #tpu.memory_space<hbm>>
    %dma_wait3A_142 = tpu.memref_slice %arg2[%add3A_123] : memref<1048576xf32, #tpu.memory_space<hbm>> -> memref<4096xf32, #tpu.memory_space<hbm>>
    tpu.wait_dma2 semaphore(%arg10 : memref<!tpu.dma_semaphore, #tpu.memory_space<semaphore_mem>>) src(%dma_wait3A_142 : memref<4096xf32, #tpu.memory_space<hbm>>) dst(%arg7 : memref<4096xf32, #tpu.memory_space<vmem>>)
    %dma_wait3A_143 = tpu.memref_slice %arg3[%add3A_123] : memref<1048576xi32, #tpu.memory_space<hbm>> -> memref<4096xi32, #tpu.memory_space<hbm>>
    %dma_wait3A_144 = tpu.memref_slice %arg3[%add3A_123] : memref<1048576xi32, #tpu.memory_space<hbm>> -> memref<4096xi32, #tpu.memory_space<hbm>>
    tpu.wait_dma2 semaphore(%arg10 : memref<!tpu.dma_semaphore, #tpu.memory_space<semaphore_mem>>) src(%dma_wait3A_144 : memref<4096xi32, #tpu.memory_space<hbm>>) dst(%arg8 : memref<4096xi32, #tpu.memory_space<vmem>>)
    %parallel_loop3A_145 = arith.constant 0 : i32
    %parallel_loop3A_146 = arith.constant 256 : i32
    %parallel_loop3A_147 = arith.constant 1 : i32
    scf.for %parallel_loop3A_488 = %parallel_loop3A_145 to %parallel_loop3A_146 step %parallel_loop3A_147  : i32 {
      %parallel_loop3A_489 = arith.constant 16 : i32
      %parallel_loop3A_490 = arith.muli %parallel_loop3A_488, %parallel_loop3A_489 : i32
      %parallel_loop3A_491 = arith.index_cast %parallel_loop3A_490 : i32 to index
      %parallel_loop3A_492 = tpu.vector_load %arg7[%parallel_loop3A_491] {strides = array<i32>} : memref<4096xf32, #tpu.memory_space<vmem>>, vector<16xf32>,
      %parallel_loop3A_493 = arith.index_cast %parallel_loop3A_490 : i32 to index
      %parallel_loop3A_494 = tpu.vector_load %arg8[%parallel_loop3A_493] {strides = array<i32>} : memref<4096xi32, #tpu.memory_space<vmem>>, vector<16xi32>,
      %parallel_loop3A_495 = arith.constant 16 : i32
      %parallel_loop3A_496 = vector.broadcast %parallel_loop3A_495 : i32 to vector<16xi32>
      %parallel_loop3A_497 = arith.muli %parallel_loop3A_494, %parallel_loop3A_496 : vector<16xi32>
      %parallel_loop3A_498 = arith.addi %parallel_loop3A_497, %iota3A : vector<16xi32>
      tpu.vector_store_idx %arg12[%parallel_loop3A_498], %parallel_loop3A_492 {add = true} : memref<256xf32, #tpu.memory_space<vmem>>[vector<16xi32>], vector<16xf32>,
    } {sc.loop_unroll_factor = 4 : i64, sc.parallel_access}
    %add3A_148 = arith.constant 28672 : i32
    %add3A_149 = arith.addi %mul3A_2, %add3A_148 : i32
    %dma_start3A_150 = tpu.memref_slice %arg2[%add3A_149] : memref<1048576xf32, #tpu.memory_space<hbm>> -> memref<4096xf32, #tpu.memory_space<hbm>>
    %dma_start3A_151 = tpu.memref_slice %arg2[%add3A_149] : memref<1048576xf32, #tpu.memory_space<hbm>> -> memref<4096xf32, #tpu.memory_space<hbm>>
    tpu.enqueue_dma source(%dma_start3A_151 : memref<4096xf32, #tpu.memory_space<hbm>>) target(%arg7 : memref<4096xf32, #tpu.memory_space<vmem>>) target_semaphore(%arg10 : memref<!tpu.dma_semaphore, #tpu.memory_space<semaphore_mem>>)
    %dma_start3A_152 = tpu.memref_slice %arg3[%add3A_149] : memref<1048576xi32, #tpu.memory_space<hbm>> -> memref<4096xi32, #tpu.memory_space<hbm>>
    %dma_start3A_153 = tpu.memref_slice %arg3[%add3A_149] : memref<1048576xi32, #tpu.memory_space<hbm>> -> memref<4096xi32, #tpu.memory_space<hbm>>
    tpu.enqueue_dma source(%dma_start3A_153 : memref<4096xi32, #tpu.memory_space<hbm>>) target(%arg8 : memref<4096xi32, #tpu.memory_space<vmem>>) target_semaphore(%arg10 : memref<!tpu.dma_semaphore, #tpu.memory_space<semaphore_mem>>)
    %dma_wait3A_154 = tpu.memref_slice %arg2[%add3A_136] : memref<1048576xf32, #tpu.memory_space<hbm>> -> memref<4096xf32, #tpu.memory_space<hbm>>
    %dma_wait3A_155 = tpu.memref_slice %arg2[%add3A_136] : memref<1048576xf32, #tpu.memory_space<hbm>> -> memref<4096xf32, #tpu.memory_space<hbm>>
    tpu.wait_dma2 semaphore(%arg9 : memref<!tpu.dma_semaphore, #tpu.memory_space<semaphore_mem>>) src(%dma_wait3A_155 : memref<4096xf32, #tpu.memory_space<hbm>>) dst(%arg5 : memref<4096xf32, #tpu.memory_space<vmem>>)
    %dma_wait3A_156 = tpu.memref_slice %arg3[%add3A_136] : memref<1048576xi32, #tpu.memory_space<hbm>> -> memref<4096xi32, #tpu.memory_space<hbm>>
    %dma_wait3A_157 = tpu.memref_slice %arg3[%add3A_136] : memref<1048576xi32, #tpu.memory_space<hbm>> -> memref<4096xi32, #tpu.memory_space<hbm>>
    tpu.wait_dma2 semaphore(%arg9 : memref<!tpu.dma_semaphore, #tpu.memory_space<semaphore_mem>>) src(%dma_wait3A_157 : memref<4096xi32, #tpu.memory_space<hbm>>) dst(%arg6 : memref<4096xi32, #tpu.memory_space<vmem>>)
    %parallel_loop3A_158 = arith.constant 0 : i32
    %parallel_loop3A_159 = arith.constant 256 : i32
    %parallel_loop3A_160 = arith.constant 1 : i32
    scf.for %parallel_loop3A_488 = %parallel_loop3A_158 to %parallel_loop3A_159 step %parallel_loop3A_160  : i32 {
      %parallel_loop3A_489 = arith.constant 16 : i32
      %parallel_loop3A_490 = arith.muli %parallel_loop3A_488, %parallel_loop3A_489 : i32
      %parallel_loop3A_491 = arith.index_cast %parallel_loop3A_490 : i32 to index
      %parallel_loop3A_492 = tpu.vector_load %arg5[%parallel_loop3A_491] {strides = array<i32>} : memref<4096xf32, #tpu.memory_space<vmem>>, vector<16xf32>,
      %parallel_loop3A_493 = arith.index_cast %parallel_loop3A_490 : i32 to index
      %parallel_loop3A_494 = tpu.vector_load %arg6[%parallel_loop3A_493] {strides = array<i32>} : memref<4096xi32, #tpu.memory_space<vmem>>, vector<16xi32>,
      %parallel_loop3A_495 = arith.constant 16 : i32
      %parallel_loop3A_496 = vector.broadcast %parallel_loop3A_495 : i32 to vector<16xi32>
      %parallel_loop3A_497 = arith.muli %parallel_loop3A_494, %parallel_loop3A_496 : vector<16xi32>
      %parallel_loop3A_498 = arith.addi %parallel_loop3A_497, %iota3A : vector<16xi32>
      tpu.vector_store_idx %arg11[%parallel_loop3A_498], %parallel_loop3A_492 {add = true} : memref<256xf32, #tpu.memory_space<vmem>>[vector<16xi32>], vector<16xf32>,
    } {sc.loop_unroll_factor = 4 : i64, sc.parallel_access}
    %dma_wait3A_161 = tpu.memref_slice %arg2[%add3A_149] : memref<1048576xf32, #tpu.memory_space<hbm>> -> memref<4096xf32, #tpu.memory_space<hbm>>
    %dma_wait3A_162 = tpu.memref_slice %arg2[%add3A_149] : memref<1048576xf32, #tpu.memory_space<hbm>> -> memref<4096xf32, #tpu.memory_space<hbm>>
    tpu.wait_dma2 semaphore(%arg10 : memref<!tpu.dma_semaphore, #tpu.memory_space<semaphore_mem>>) src(%dma_wait3A_162 : memref<4096xf32, #tpu.memory_space<hbm>>) dst(%arg7 : memref<4096xf32, #tpu.memory_space<vmem>>)
    %dma_wait3A_163 = tpu.memref_slice %arg3[%add3A_149] : memref<1048576xi32, #tpu.memory_space<hbm>> -> memref<4096xi32, #tpu.memory_space<hbm>>
    %dma_wait3A_164 = tpu.memref_slice %arg3[%add3A_149] : memref<1048576xi32, #tpu.memory_space<hbm>> -> memref<4096xi32, #tpu.memory_space<hbm>>
    tpu.wait_dma2 semaphore(%arg10 : memref<!tpu.dma_semaphore, #tpu.memory_space<semaphore_mem>>) src(%dma_wait3A_164 : memref<4096xi32, #tpu.memory_space<hbm>>) dst(%arg8 : memref<4096xi32, #tpu.memory_space<vmem>>)
    %parallel_loop3A_165 = arith.constant 0 : i32
    %parallel_loop3A_166 = arith.constant 256 : i32
    %parallel_loop3A_167 = arith.constant 1 : i32
    scf.for %parallel_loop3A_488 = %parallel_loop3A_165 to %parallel_loop3A_166 step %parallel_loop3A_167  : i32 {
      %parallel_loop3A_489 = arith.constant 16 : i32
      %parallel_loop3A_490 = arith.muli %parallel_loop3A_488, %parallel_loop3A_489 : i32
      %parallel_loop3A_491 = arith.index_cast %parallel_loop3A_490 : i32 to index
      %parallel_loop3A_492 = tpu.vector_load %arg7[%parallel_loop3A_491] {strides = array<i32>} : memref<4096xf32, #tpu.memory_space<vmem>>, vector<16xf32>,
      %parallel_loop3A_493 = arith.index_cast %parallel_loop3A_490 : i32 to index
      %parallel_loop3A_494 = tpu.vector_load %arg8[%parallel_loop3A_493] {strides = array<i32>} : memref<4096xi32, #tpu.memory_space<vmem>>, vector<16xi32>,
      %parallel_loop3A_495 = arith.constant 16 : i32
      %parallel_loop3A_496 = vector.broadcast %parallel_loop3A_495 : i32 to vector<16xi32>
      %parallel_loop3A_497 = arith.muli %parallel_loop3A_494, %parallel_loop3A_496 : vector<16xi32>
      %parallel_loop3A_498 = arith.addi %parallel_loop3A_497, %iota3A : vector<16xi32>
      tpu.vector_store_idx %arg12[%parallel_loop3A_498], %parallel_loop3A_492 {add = true} : memref<256xf32, #tpu.memory_space<vmem>>[vector<16xi32>], vector<16xf32>,
    } {sc.loop_unroll_factor = 4 : i64, sc.parallel_access}
    %get3A = arith.constant 0 : index
    %get3A_168 = tpu.vector_load %arg11[%get3A] {strides = array<i32>} : memref<256xf32, #tpu.memory_space<vmem>>, vector<16xf32>,
    %reduce_sum3A = arith.constant true
    %reduce_sum3A_169 = vector.broadcast %reduce_sum3A : i1 to vector<16xi1>
    %reduce_sum3A_170 = tpu.scan <sum>, %get3A_168 masked %reduce_sum3A_169 : vector<16xf32>, vector<16xi1> -> vector<16xf32>
    %reduce_sum3A_171 = vector.extract %reduce_sum3A_170[15] : f32 from vector<16xf32>
    %add3A_172 = arith.constant 0.000000e+00 : f32
    %add3A_173 = arith.addf %add3A_172, %reduce_sum3A_171 : f32
    %get3A_174 = arith.constant 0 : index
    %get3A_175 = tpu.vector_load %arg12[%get3A_174] {strides = array<i32>} : memref<256xf32, #tpu.memory_space<vmem>>, vector<16xf32>,
    %reduce_sum3A_176 = arith.constant true
    %reduce_sum3A_177 = vector.broadcast %reduce_sum3A_176 : i1 to vector<16xi1>
    %reduce_sum3A_178 = tpu.scan <sum>, %get3A_175 masked %reduce_sum3A_177 : vector<16xf32>, vector<16xi1> -> vector<16xf32>
    %reduce_sum3A_179 = vector.extract %reduce_sum3A_178[15] : f32 from vector<16xf32>
    %add3A_180 = arith.addf %add3A_173, %reduce_sum3A_179 : f32
    %eq3A = arith.constant 0 : i32
    %eq3A_181 = vector.broadcast %eq3A : i32 to vector<16xi32>
    %eq3A_182 = arith.cmpi eq, %iota3A, %eq3A_181 : vector<16xi32>
    %broadcast_in_dim3A_183 = vector.broadcast %add3A_180 : f32 to vector<16xf32>
    %select_n3A = arith.select %eq3A_182, %broadcast_in_dim3A_183, %broadcast_in_dim3A_3 : vector<16xi1>, vector<16xf32>
    %get3A_184 = arith.constant 16 : index
    %get3A_185 = tpu.vector_load %arg11[%get3A_184] {strides = array<i32>} : memref<256xf32, #tpu.memory_space<vmem>>, vector<16xf32>,
    %reduce_sum3A_186 = arith.constant true
    %reduce_sum3A_187 = vector.broadcast %reduce_sum3A_186 : i1 to vector<16xi1>
    %reduce_sum3A_188 = tpu.scan <sum>, %get3A_185 masked %reduce_sum3A_187 : vector<16xf32>, vector<16xi1> -> vector<16xf32>
    %reduce_sum3A_189 = vector.extract %reduce_sum3A_188[15] : f32 from vector<16xf32>
    %add3A_190 = arith.constant 0.000000e+00 : f32
    %add3A_191 = arith.addf %add3A_190, %reduce_sum3A_189 : f32
    %get3A_192 = arith.constant 16 : index
    %get3A_193 = tpu.vector_load %arg12[%get3A_192] {strides = array<i32>} : memref<256xf32, #tpu.memory_space<vmem>>, vector<16xf32>,
    %reduce_sum3A_194 = arith.constant true
    %reduce_sum3A_195 = vector.broadcast %reduce_sum3A_194 : i1 to vector<16xi1>
    %reduce_sum3A_196 = tpu.scan <sum>, %get3A_193 masked %reduce_sum3A_195 : vector<16xf32>, vector<16xi1> -> vector<16xf32>
    %reduce_sum3A_197 = vector.extract %reduce_sum3A_196[15] : f32 from vector<16xf32>
    %add3A_198 = arith.addf %add3A_191, %reduce_sum3A_197 : f32
    %eq3A_199 = arith.constant 1 : i32
    %eq3A_200 = vector.broadcast %eq3A_199 : i32 to vector<16xi32>
    %eq3A_201 = arith.cmpi eq, %iota3A, %eq3A_200 : vector<16xi32>
    %broadcast_in_dim3A_202 = vector.broadcast %add3A_198 : f32 to vector<16xf32>
    %select_n3A_203 = arith.select %eq3A_201, %broadcast_in_dim3A_202, %select_n3A : vector<16xi1>, vector<16xf32>
    %get3A_204 = arith.constant 32 : index
    %get3A_205 = tpu.vector_load %arg11[%get3A_204] {strides = array<i32>} : memref<256xf32, #tpu.memory_space<vmem>>, vector<16xf32>,
    %reduce_sum3A_206 = arith.constant true
    %reduce_sum3A_207 = vector.broadcast %reduce_sum3A_206 : i1 to vector<16xi1>
    %reduce_sum3A_208 = tpu.scan <sum>, %get3A_205 masked %reduce_sum3A_207 : vector<16xf32>, vector<16xi1> -> vector<16xf32>
    %reduce_sum3A_209 = vector.extract %reduce_sum3A_208[15] : f32 from vector<16xf32>
    %add3A_210 = arith.constant 0.000000e+00 : f32
    %add3A_211 = arith.addf %add3A_210, %reduce_sum3A_209 : f32
    %get3A_212 = arith.constant 32 : index
    %get3A_213 = tpu.vector_load %arg12[%get3A_212] {strides = array<i32>} : memref<256xf32, #tpu.memory_space<vmem>>, vector<16xf32>,
    %reduce_sum3A_214 = arith.constant true
    %reduce_sum3A_215 = vector.broadcast %reduce_sum3A_214 : i1 to vector<16xi1>
    %reduce_sum3A_216 = tpu.scan <sum>, %get3A_213 masked %reduce_sum3A_215 : vector<16xf32>, vector<16xi1> -> vector<16xf32>
    %reduce_sum3A_217 = vector.extract %reduce_sum3A_216[15] : f32 from vector<16xf32>
    %add3A_218 = arith.addf %add3A_211, %reduce_sum3A_217 : f32
    %eq3A_219 = arith.constant 2 : i32
    %eq3A_220 = vector.broadcast %eq3A_219 : i32 to vector<16xi32>
    %eq3A_221 = arith.cmpi eq, %iota3A, %eq3A_220 : vector<16xi32>
    %broadcast_in_dim3A_222 = vector.broadcast %add3A_218 : f32 to vector<16xf32>
    %select_n3A_223 = arith.select %eq3A_221, %broadcast_in_dim3A_222, %select_n3A_203 : vector<16xi1>, vector<16xf32>
    %get3A_224 = arith.constant 48 : index
    %get3A_225 = tpu.vector_load %arg11[%get3A_224] {strides = array<i32>} : memref<256xf32, #tpu.memory_space<vmem>>, vector<16xf32>,
    %reduce_sum3A_226 = arith.constant true
    %reduce_sum3A_227 = vector.broadcast %reduce_sum3A_226 : i1 to vector<16xi1>
    %reduce_sum3A_228 = tpu.scan <sum>, %get3A_225 masked %reduce_sum3A_227 : vector<16xf32>, vector<16xi1> -> vector<16xf32>
    %reduce_sum3A_229 = vector.extract %reduce_sum3A_228[15] : f32 from vector<16xf32>
    %add3A_230 = arith.constant 0.000000e+00 : f32
    %add3A_231 = arith.addf %add3A_230, %reduce_sum3A_229 : f32
    %get3A_232 = arith.constant 48 : index
    %get3A_233 = tpu.vector_load %arg12[%get3A_232] {strides = array<i32>} : memref<256xf32, #tpu.memory_space<vmem>>, vector<16xf32>,
    %reduce_sum3A_234 = arith.constant true
    %reduce_sum3A_235 = vector.broadcast %reduce_sum3A_234 : i1 to vector<16xi1>
    %reduce_sum3A_236 = tpu.scan <sum>, %get3A_233 masked %reduce_sum3A_235 : vector<16xf32>, vector<16xi1> -> vector<16xf32>
    %reduce_sum3A_237 = vector.extract %reduce_sum3A_236[15] : f32 from vector<16xf32>
    %add3A_238 = arith.addf %add3A_231, %reduce_sum3A_237 : f32
    %eq3A_239 = arith.constant 3 : i32
    %eq3A_240 = vector.broadcast %eq3A_239 : i32 to vector<16xi32>
    %eq3A_241 = arith.cmpi eq, %iota3A, %eq3A_240 : vector<16xi32>
    %broadcast_in_dim3A_242 = vector.broadcast %add3A_238 : f32 to vector<16xf32>
    %select_n3A_243 = arith.select %eq3A_241, %broadcast_in_dim3A_242, %select_n3A_223 : vector<16xi1>, vector<16xf32>
    %get3A_244 = arith.constant 64 : index
    %get3A_245 = tpu.vector_load %arg11[%get3A_244] {strides = array<i32>} : memref<256xf32, #tpu.memory_space<vmem>>, vector<16xf32>,
    %reduce_sum3A_246 = arith.constant true
    %reduce_sum3A_247 = vector.broadcast %reduce_sum3A_246 : i1 to vector<16xi1>
    %reduce_sum3A_248 = tpu.scan <sum>, %get3A_245 masked %reduce_sum3A_247 : vector<16xf32>, vector<16xi1> -> vector<16xf32>
    %reduce_sum3A_249 = vector.extract %reduce_sum3A_248[15] : f32 from vector<16xf32>
    %add3A_250 = arith.constant 0.000000e+00 : f32
    %add3A_251 = arith.addf %add3A_250, %reduce_sum3A_249 : f32
    %get3A_252 = arith.constant 64 : index
    %get3A_253 = tpu.vector_load %arg12[%get3A_252] {strides = array<i32>} : memref<256xf32, #tpu.memory_space<vmem>>, vector<16xf32>,
    %reduce_sum3A_254 = arith.constant true
    %reduce_sum3A_255 = vector.broadcast %reduce_sum3A_254 : i1 to vector<16xi1>
    %reduce_sum3A_256 = tpu.scan <sum>, %get3A_253 masked %reduce_sum3A_255 : vector<16xf32>, vector<16xi1> -> vector<16xf32>
    %reduce_sum3A_257 = vector.extract %reduce_sum3A_256[15] : f32 from vector<16xf32>
    %add3A_258 = arith.addf %add3A_251, %reduce_sum3A_257 : f32
    %eq3A_259 = arith.constant 4 : i32
    %eq3A_260 = vector.broadcast %eq3A_259 : i32 to vector<16xi32>
    %eq3A_261 = arith.cmpi eq, %iota3A, %eq3A_260 : vector<16xi32>
    %broadcast_in_dim3A_262 = vector.broadcast %add3A_258 : f32 to vector<16xf32>
    %select_n3A_263 = arith.select %eq3A_261, %broadcast_in_dim3A_262, %select_n3A_243 : vector<16xi1>, vector<16xf32>
    %get3A_264 = arith.constant 80 : index
    %get3A_265 = tpu.vector_load %arg11[%get3A_264] {strides = array<i32>} : memref<256xf32, #tpu.memory_space<vmem>>, vector<16xf32>,
    %reduce_sum3A_266 = arith.constant true
    %reduce_sum3A_267 = vector.broadcast %reduce_sum3A_266 : i1 to vector<16xi1>
    %reduce_sum3A_268 = tpu.scan <sum>, %get3A_265 masked %reduce_sum3A_267 : vector<16xf32>, vector<16xi1> -> vector<16xf32>
    %reduce_sum3A_269 = vector.extract %reduce_sum3A_268[15] : f32 from vector<16xf32>
    %add3A_270 = arith.constant 0.000000e+00 : f32
    %add3A_271 = arith.addf %add3A_270, %reduce_sum3A_269 : f32
    %get3A_272 = arith.constant 80 : index
    %get3A_273 = tpu.vector_load %arg12[%get3A_272] {strides = array<i32>} : memref<256xf32, #tpu.memory_space<vmem>>, vector<16xf32>,
    %reduce_sum3A_274 = arith.constant true
    %reduce_sum3A_275 = vector.broadcast %reduce_sum3A_274 : i1 to vector<16xi1>
    %reduce_sum3A_276 = tpu.scan <sum>, %get3A_273 masked %reduce_sum3A_275 : vector<16xf32>, vector<16xi1> -> vector<16xf32>
    %reduce_sum3A_277 = vector.extract %reduce_sum3A_276[15] : f32 from vector<16xf32>
    %add3A_278 = arith.addf %add3A_271, %reduce_sum3A_277 : f32
    %eq3A_279 = arith.constant 5 : i32
    %eq3A_280 = vector.broadcast %eq3A_279 : i32 to vector<16xi32>
    %eq3A_281 = arith.cmpi eq, %iota3A, %eq3A_280 : vector<16xi32>
    %broadcast_in_dim3A_282 = vector.broadcast %add3A_278 : f32 to vector<16xf32>
    %select_n3A_283 = arith.select %eq3A_281, %broadcast_in_dim3A_282, %select_n3A_263 : vector<16xi1>, vector<16xf32>
    %get3A_284 = arith.constant 96 : index
    %get3A_285 = tpu.vector_load %arg11[%get3A_284] {strides = array<i32>} : memref<256xf32, #tpu.memory_space<vmem>>, vector<16xf32>,
    %reduce_sum3A_286 = arith.constant true
    %reduce_sum3A_287 = vector.broadcast %reduce_sum3A_286 : i1 to vector<16xi1>
    %reduce_sum3A_288 = tpu.scan <sum>, %get3A_285 masked %reduce_sum3A_287 : vector<16xf32>, vector<16xi1> -> vector<16xf32>
    %reduce_sum3A_289 = vector.extract %reduce_sum3A_288[15] : f32 from vector<16xf32>
    %add3A_290 = arith.constant 0.000000e+00 : f32
    %add3A_291 = arith.addf %add3A_290, %reduce_sum3A_289 : f32
    %get3A_292 = arith.constant 96 : index
    %get3A_293 = tpu.vector_load %arg12[%get3A_292] {strides = array<i32>} : memref<256xf32, #tpu.memory_space<vmem>>, vector<16xf32>,
    %reduce_sum3A_294 = arith.constant true
    %reduce_sum3A_295 = vector.broadcast %reduce_sum3A_294 : i1 to vector<16xi1>
    %reduce_sum3A_296 = tpu.scan <sum>, %get3A_293 masked %reduce_sum3A_295 : vector<16xf32>, vector<16xi1> -> vector<16xf32>
    %reduce_sum3A_297 = vector.extract %reduce_sum3A_296[15] : f32 from vector<16xf32>
    %add3A_298 = arith.addf %add3A_291, %reduce_sum3A_297 : f32
    %eq3A_299 = arith.constant 6 : i32
    %eq3A_300 = vector.broadcast %eq3A_299 : i32 to vector<16xi32>
    %eq3A_301 = arith.cmpi eq, %iota3A, %eq3A_300 : vector<16xi32>
    %broadcast_in_dim3A_302 = vector.broadcast %add3A_298 : f32 to vector<16xf32>
    %select_n3A_303 = arith.select %eq3A_301, %broadcast_in_dim3A_302, %select_n3A_283 : vector<16xi1>, vector<16xf32>
    %get3A_304 = arith.constant 112 : index
    %get3A_305 = tpu.vector_load %arg11[%get3A_304] {strides = array<i32>} : memref<256xf32, #tpu.memory_space<vmem>>, vector<16xf32>,
    %reduce_sum3A_306 = arith.constant true
    %reduce_sum3A_307 = vector.broadcast %reduce_sum3A_306 : i1 to vector<16xi1>
    %reduce_sum3A_308 = tpu.scan <sum>, %get3A_305 masked %reduce_sum3A_307 : vector<16xf32>, vector<16xi1> -> vector<16xf32>
    %reduce_sum3A_309 = vector.extract %reduce_sum3A_308[15] : f32 from vector<16xf32>
    %add3A_310 = arith.constant 0.000000e+00 : f32
    %add3A_311 = arith.addf %add3A_310, %reduce_sum3A_309 : f32
    %get3A_312 = arith.constant 112 : index
    %get3A_313 = tpu.vector_load %arg12[%get3A_312] {strides = array<i32>} : memref<256xf32, #tpu.memory_space<vmem>>, vector<16xf32>,
    %reduce_sum3A_314 = arith.constant true
    %reduce_sum3A_315 = vector.broadcast %reduce_sum3A_314 : i1 to vector<16xi1>
    %reduce_sum3A_316 = tpu.scan <sum>, %get3A_313 masked %reduce_sum3A_315 : vector<16xf32>, vector<16xi1> -> vector<16xf32>
    %reduce_sum3A_317 = vector.extract %reduce_sum3A_316[15] : f32 from vector<16xf32>
    %add3A_318 = arith.addf %add3A_311, %reduce_sum3A_317 : f32
    %eq3A_319 = arith.constant 7 : i32
    %eq3A_320 = vector.broadcast %eq3A_319 : i32 to vector<16xi32>
    %eq3A_321 = arith.cmpi eq, %iota3A, %eq3A_320 : vector<16xi32>
    %broadcast_in_dim3A_322 = vector.broadcast %add3A_318 : f32 to vector<16xf32>
    %select_n3A_323 = arith.select %eq3A_321, %broadcast_in_dim3A_322, %select_n3A_303 : vector<16xi1>, vector<16xf32>
    %get3A_324 = arith.constant 128 : index
    %get3A_325 = tpu.vector_load %arg11[%get3A_324] {strides = array<i32>} : memref<256xf32, #tpu.memory_space<vmem>>, vector<16xf32>,
    %reduce_sum3A_326 = arith.constant true
    %reduce_sum3A_327 = vector.broadcast %reduce_sum3A_326 : i1 to vector<16xi1>
    %reduce_sum3A_328 = tpu.scan <sum>, %get3A_325 masked %reduce_sum3A_327 : vector<16xf32>, vector<16xi1> -> vector<16xf32>
    %reduce_sum3A_329 = vector.extract %reduce_sum3A_328[15] : f32 from vector<16xf32>
    %add3A_330 = arith.constant 0.000000e+00 : f32
    %add3A_331 = arith.addf %add3A_330, %reduce_sum3A_329 : f32
    %get3A_332 = arith.constant 128 : index
    %get3A_333 = tpu.vector_load %arg12[%get3A_332] {strides = array<i32>} : memref<256xf32, #tpu.memory_space<vmem>>, vector<16xf32>,
    %reduce_sum3A_334 = arith.constant true
    %reduce_sum3A_335 = vector.broadcast %reduce_sum3A_334 : i1 to vector<16xi1>
    %reduce_sum3A_336 = tpu.scan <sum>, %get3A_333 masked %reduce_sum3A_335 : vector<16xf32>, vector<16xi1> -> vector<16xf32>
    %reduce_sum3A_337 = vector.extract %reduce_sum3A_336[15] : f32 from vector<16xf32>
    %add3A_338 = arith.addf %add3A_331, %reduce_sum3A_337 : f32
    %eq3A_339 = arith.constant 8 : i32
    %eq3A_340 = vector.broadcast %eq3A_339 : i32 to vector<16xi32>
    %eq3A_341 = arith.cmpi eq, %iota3A, %eq3A_340 : vector<16xi32>
    %broadcast_in_dim3A_342 = vector.broadcast %add3A_338 : f32 to vector<16xf32>
    %select_n3A_343 = arith.select %eq3A_341, %broadcast_in_dim3A_342, %select_n3A_323 : vector<16xi1>, vector<16xf32>
    %get3A_344 = arith.constant 144 : index
    %get3A_345 = tpu.vector_load %arg11[%get3A_344] {strides = array<i32>} : memref<256xf32, #tpu.memory_space<vmem>>, vector<16xf32>,
    %reduce_sum3A_346 = arith.constant true
    %reduce_sum3A_347 = vector.broadcast %reduce_sum3A_346 : i1 to vector<16xi1>
    %reduce_sum3A_348 = tpu.scan <sum>, %get3A_345 masked %reduce_sum3A_347 : vector<16xf32>, vector<16xi1> -> vector<16xf32>
    %reduce_sum3A_349 = vector.extract %reduce_sum3A_348[15] : f32 from vector<16xf32>
    %add3A_350 = arith.constant 0.000000e+00 : f32
    %add3A_351 = arith.addf %add3A_350, %reduce_sum3A_349 : f32
    %get3A_352 = arith.constant 144 : index
    %get3A_353 = tpu.vector_load %arg12[%get3A_352] {strides = array<i32>} : memref<256xf32, #tpu.memory_space<vmem>>, vector<16xf32>,
    %reduce_sum3A_354 = arith.constant true
    %reduce_sum3A_355 = vector.broadcast %reduce_sum3A_354 : i1 to vector<16xi1>
    %reduce_sum3A_356 = tpu.scan <sum>, %get3A_353 masked %reduce_sum3A_355 : vector<16xf32>, vector<16xi1> -> vector<16xf32>
    %reduce_sum3A_357 = vector.extract %reduce_sum3A_356[15] : f32 from vector<16xf32>
    %add3A_358 = arith.addf %add3A_351, %reduce_sum3A_357 : f32
    %eq3A_359 = arith.constant 9 : i32
    %eq3A_360 = vector.broadcast %eq3A_359 : i32 to vector<16xi32>
    %eq3A_361 = arith.cmpi eq, %iota3A, %eq3A_360 : vector<16xi32>
    %broadcast_in_dim3A_362 = vector.broadcast %add3A_358 : f32 to vector<16xf32>
    %select_n3A_363 = arith.select %eq3A_361, %broadcast_in_dim3A_362, %select_n3A_343 : vector<16xi1>, vector<16xf32>
    %get3A_364 = arith.constant 160 : index
    %get3A_365 = tpu.vector_load %arg11[%get3A_364] {strides = array<i32>} : memref<256xf32, #tpu.memory_space<vmem>>, vector<16xf32>,
    %reduce_sum3A_366 = arith.constant true
    %reduce_sum3A_367 = vector.broadcast %reduce_sum3A_366 : i1 to vector<16xi1>
    %reduce_sum3A_368 = tpu.scan <sum>, %get3A_365 masked %reduce_sum3A_367 : vector<16xf32>, vector<16xi1> -> vector<16xf32>
    %reduce_sum3A_369 = vector.extract %reduce_sum3A_368[15] : f32 from vector<16xf32>
    %add3A_370 = arith.constant 0.000000e+00 : f32
    %add3A_371 = arith.addf %add3A_370, %reduce_sum3A_369 : f32
    %get3A_372 = arith.constant 160 : index
    %get3A_373 = tpu.vector_load %arg12[%get3A_372] {strides = array<i32>} : memref<256xf32, #tpu.memory_space<vmem>>, vector<16xf32>,
    %reduce_sum3A_374 = arith.constant true
    %reduce_sum3A_375 = vector.broadcast %reduce_sum3A_374 : i1 to vector<16xi1>
    %reduce_sum3A_376 = tpu.scan <sum>, %get3A_373 masked %reduce_sum3A_375 : vector<16xf32>, vector<16xi1> -> vector<16xf32>
    %reduce_sum3A_377 = vector.extract %reduce_sum3A_376[15] : f32 from vector<16xf32>
    %add3A_378 = arith.addf %add3A_371, %reduce_sum3A_377 : f32
    %eq3A_379 = arith.constant 10 : i32
    %eq3A_380 = vector.broadcast %eq3A_379 : i32 to vector<16xi32>
    %eq3A_381 = arith.cmpi eq, %iota3A, %eq3A_380 : vector<16xi32>
    %broadcast_in_dim3A_382 = vector.broadcast %add3A_378 : f32 to vector<16xf32>
    %select_n3A_383 = arith.select %eq3A_381, %broadcast_in_dim3A_382, %select_n3A_363 : vector<16xi1>, vector<16xf32>
    %get3A_384 = arith.constant 176 : index
    %get3A_385 = tpu.vector_load %arg11[%get3A_384] {strides = array<i32>} : memref<256xf32, #tpu.memory_space<vmem>>, vector<16xf32>,
    %reduce_sum3A_386 = arith.constant true
    %reduce_sum3A_387 = vector.broadcast %reduce_sum3A_386 : i1 to vector<16xi1>
    %reduce_sum3A_388 = tpu.scan <sum>, %get3A_385 masked %reduce_sum3A_387 : vector<16xf32>, vector<16xi1> -> vector<16xf32>
    %reduce_sum3A_389 = vector.extract %reduce_sum3A_388[15] : f32 from vector<16xf32>
    %add3A_390 = arith.constant 0.000000e+00 : f32
    %add3A_391 = arith.addf %add3A_390, %reduce_sum3A_389 : f32
    %get3A_392 = arith.constant 176 : index
    %get3A_393 = tpu.vector_load %arg12[%get3A_392] {strides = array<i32>} : memref<256xf32, #tpu.memory_space<vmem>>, vector<16xf32>,
    %reduce_sum3A_394 = arith.constant true
    %reduce_sum3A_395 = vector.broadcast %reduce_sum3A_394 : i1 to vector<16xi1>
    %reduce_sum3A_396 = tpu.scan <sum>, %get3A_393 masked %reduce_sum3A_395 : vector<16xf32>, vector<16xi1> -> vector<16xf32>
    %reduce_sum3A_397 = vector.extract %reduce_sum3A_396[15] : f32 from vector<16xf32>
    %add3A_398 = arith.addf %add3A_391, %reduce_sum3A_397 : f32
    %eq3A_399 = arith.constant 11 : i32
    %eq3A_400 = vector.broadcast %eq3A_399 : i32 to vector<16xi32>
    %eq3A_401 = arith.cmpi eq, %iota3A, %eq3A_400 : vector<16xi32>
    %broadcast_in_dim3A_402 = vector.broadcast %add3A_398 : f32 to vector<16xf32>
    %select_n3A_403 = arith.select %eq3A_401, %broadcast_in_dim3A_402, %select_n3A_383 : vector<16xi1>, vector<16xf32>
    %get3A_404 = arith.constant 192 : index
    %get3A_405 = tpu.vector_load %arg11[%get3A_404] {strides = array<i32>} : memref<256xf32, #tpu.memory_space<vmem>>, vector<16xf32>,
    %reduce_sum3A_406 = arith.constant true
    %reduce_sum3A_407 = vector.broadcast %reduce_sum3A_406 : i1 to vector<16xi1>
    %reduce_sum3A_408 = tpu.scan <sum>, %get3A_405 masked %reduce_sum3A_407 : vector<16xf32>, vector<16xi1> -> vector<16xf32>
    %reduce_sum3A_409 = vector.extract %reduce_sum3A_408[15] : f32 from vector<16xf32>
    %add3A_410 = arith.constant 0.000000e+00 : f32
    %add3A_411 = arith.addf %add3A_410, %reduce_sum3A_409 : f32
    %get3A_412 = arith.constant 192 : index
    %get3A_413 = tpu.vector_load %arg12[%get3A_412] {strides = array<i32>} : memref<256xf32, #tpu.memory_space<vmem>>, vector<16xf32>,
    %reduce_sum3A_414 = arith.constant true
    %reduce_sum3A_415 = vector.broadcast %reduce_sum3A_414 : i1 to vector<16xi1>
    %reduce_sum3A_416 = tpu.scan <sum>, %get3A_413 masked %reduce_sum3A_415 : vector<16xf32>, vector<16xi1> -> vector<16xf32>
    %reduce_sum3A_417 = vector.extract %reduce_sum3A_416[15] : f32 from vector<16xf32>
    %add3A_418 = arith.addf %add3A_411, %reduce_sum3A_417 : f32
    %eq3A_419 = arith.constant 12 : i32
    %eq3A_420 = vector.broadcast %eq3A_419 : i32 to vector<16xi32>
    %eq3A_421 = arith.cmpi eq, %iota3A, %eq3A_420 : vector<16xi32>
    %broadcast_in_dim3A_422 = vector.broadcast %add3A_418 : f32 to vector<16xf32>
    %select_n3A_423 = arith.select %eq3A_421, %broadcast_in_dim3A_422, %select_n3A_403 : vector<16xi1>, vector<16xf32>
    %get3A_424 = arith.constant 208 : index
    %get3A_425 = tpu.vector_load %arg11[%get3A_424] {strides = array<i32>} : memref<256xf32, #tpu.memory_space<vmem>>, vector<16xf32>,
    %reduce_sum3A_426 = arith.constant true
    %reduce_sum3A_427 = vector.broadcast %reduce_sum3A_426 : i1 to vector<16xi1>
    %reduce_sum3A_428 = tpu.scan <sum>, %get3A_425 masked %reduce_sum3A_427 : vector<16xf32>, vector<16xi1> -> vector<16xf32>
    %reduce_sum3A_429 = vector.extract %reduce_sum3A_428[15] : f32 from vector<16xf32>
    %add3A_430 = arith.constant 0.000000e+00 : f32
    %add3A_431 = arith.addf %add3A_430, %reduce_sum3A_429 : f32
    %get3A_432 = arith.constant 208 : index
    %get3A_433 = tpu.vector_load %arg12[%get3A_432] {strides = array<i32>} : memref<256xf32, #tpu.memory_space<vmem>>, vector<16xf32>,
    %reduce_sum3A_434 = arith.constant true
    %reduce_sum3A_435 = vector.broadcast %reduce_sum3A_434 : i1 to vector<16xi1>
    %reduce_sum3A_436 = tpu.scan <sum>, %get3A_433 masked %reduce_sum3A_435 : vector<16xf32>, vector<16xi1> -> vector<16xf32>
    %reduce_sum3A_437 = vector.extract %reduce_sum3A_436[15] : f32 from vector<16xf32>
    %add3A_438 = arith.addf %add3A_431, %reduce_sum3A_437 : f32
    %eq3A_439 = arith.constant 13 : i32
    %eq3A_440 = vector.broadcast %eq3A_439 : i32 to vector<16xi32>
    %eq3A_441 = arith.cmpi eq, %iota3A, %eq3A_440 : vector<16xi32>
    %broadcast_in_dim3A_442 = vector.broadcast %add3A_438 : f32 to vector<16xf32>
    %select_n3A_443 = arith.select %eq3A_441, %broadcast_in_dim3A_442, %select_n3A_423 : vector<16xi1>, vector<16xf32>
    %get3A_444 = arith.constant 224 : index
    %get3A_445 = tpu.vector_load %arg11[%get3A_444] {strides = array<i32>} : memref<256xf32, #tpu.memory_space<vmem>>, vector<16xf32>,
    %reduce_sum3A_446 = arith.constant true
    %reduce_sum3A_447 = vector.broadcast %reduce_sum3A_446 : i1 to vector<16xi1>
    %reduce_sum3A_448 = tpu.scan <sum>, %get3A_445 masked %reduce_sum3A_447 : vector<16xf32>, vector<16xi1> -> vector<16xf32>
    %reduce_sum3A_449 = vector.extract %reduce_sum3A_448[15] : f32 from vector<16xf32>
    %add3A_450 = arith.constant 0.000000e+00 : f32
    %add3A_451 = arith.addf %add3A_450, %reduce_sum3A_449 : f32
    %get3A_452 = arith.constant 224 : index
    %get3A_453 = tpu.vector_load %arg12[%get3A_452] {strides = array<i32>} : memref<256xf32, #tpu.memory_space<vmem>>, vector<16xf32>,
    %reduce_sum3A_454 = arith.constant true
    %reduce_sum3A_455 = vector.broadcast %reduce_sum3A_454 : i1 to vector<16xi1>
    %reduce_sum3A_456 = tpu.scan <sum>, %get3A_453 masked %reduce_sum3A_455 : vector<16xf32>, vector<16xi1> -> vector<16xf32>
    %reduce_sum3A_457 = vector.extract %reduce_sum3A_456[15] : f32 from vector<16xf32>
    %add3A_458 = arith.addf %add3A_451, %reduce_sum3A_457 : f32
    %eq3A_459 = arith.constant 14 : i32
    %eq3A_460 = vector.broadcast %eq3A_459 : i32 to vector<16xi32>
    %eq3A_461 = arith.cmpi eq, %iota3A, %eq3A_460 : vector<16xi32>
    %broadcast_in_dim3A_462 = vector.broadcast %add3A_458 : f32 to vector<16xf32>
    %select_n3A_463 = arith.select %eq3A_461, %broadcast_in_dim3A_462, %select_n3A_443 : vector<16xi1>, vector<16xf32>
    %get3A_464 = arith.constant 240 : index
    %get3A_465 = tpu.vector_load %arg11[%get3A_464] {strides = array<i32>} : memref<256xf32, #tpu.memory_space<vmem>>, vector<16xf32>,
    %reduce_sum3A_466 = arith.constant true
    %reduce_sum3A_467 = vector.broadcast %reduce_sum3A_466 : i1 to vector<16xi1>
    %reduce_sum3A_468 = tpu.scan <sum>, %get3A_465 masked %reduce_sum3A_467 : vector<16xf32>, vector<16xi1> -> vector<16xf32>
    %reduce_sum3A_469 = vector.extract %reduce_sum3A_468[15] : f32 from vector<16xf32>
    %add3A_470 = arith.constant 0.000000e+00 : f32
    %add3A_471 = arith.addf %add3A_470, %reduce_sum3A_469 : f32
    %get3A_472 = arith.constant 240 : index
    %get3A_473 = tpu.vector_load %arg12[%get3A_472] {strides = array<i32>} : memref<256xf32, #tpu.memory_space<vmem>>, vector<16xf32>,
    %reduce_sum3A_474 = arith.constant true
    %reduce_sum3A_475 = vector.broadcast %reduce_sum3A_474 : i1 to vector<16xi1>
    %reduce_sum3A_476 = tpu.scan <sum>, %get3A_473 masked %reduce_sum3A_475 : vector<16xf32>, vector<16xi1> -> vector<16xf32>
    %reduce_sum3A_477 = vector.extract %reduce_sum3A_476[15] : f32 from vector<16xf32>
    %add3A_478 = arith.addf %add3A_471, %reduce_sum3A_477 : f32
    %eq3A_479 = arith.constant 15 : i32
    %eq3A_480 = vector.broadcast %eq3A_479 : i32 to vector<16xi32>
    %eq3A_481 = arith.cmpi eq, %iota3A, %eq3A_480 : vector<16xi32>
    %broadcast_in_dim3A_482 = vector.broadcast %add3A_478 : f32 to vector<16xf32>
    %select_n3A_483 = arith.select %eq3A_481, %broadcast_in_dim3A_482, %select_n3A_463 : vector<16xi1>, vector<16xf32>
    %swap3A_484 = arith.constant 0 : i32
    %swap3A_485 = arith.index_cast %swap3A_484 : i32 to index
    %swap3A_486 = arith.constant 0 : index
    %swap3A_487 = tpu.vector_load %arg13[%swap3A_485, %swap3A_486] {strides = array<i32>} : memref<1x16xf32, #tpu.memory_space<vmem>>, vector<16xf32>,
    tpu.vector_store %arg13[%swap3A_485, %swap3A_486], %select_n3A_483 {strides = array<i32>} : memref<1x16xf32, #tpu.memory_space<vmem>>, vector<16xf32>,
    "tpu.region"() ({
      %run_scoped3A = tpu.sem_alloc : memref<!tpu.dma_semaphore, #tpu.memory_space<semaphore_mem>>
      %dma_start3A_488 = arith.constant 0 : i32
      %dma_start3A_489 = tpu.memref_slice %arg4[%add3A, %dma_start3A_488] : memref<32x16xf32, #tpu.memory_space<hbm>> -> memref<1x16xf32, #tpu.memory_space<hbm>>
      %dma_start3A_490 = arith.constant 0 : i32
      %dma_start3A_491 = tpu.memref_slice %arg4[%add3A, %dma_start3A_490] : memref<32x16xf32, #tpu.memory_space<hbm>> -> memref<1x16xf32, #tpu.memory_space<hbm>>
      tpu.enqueue_dma source(%arg13 : memref<1x16xf32, #tpu.memory_space<vmem>>) target(%dma_start3A_491 : memref<1x16xf32, #tpu.memory_space<hbm>>) target_semaphore(%run_scoped3A : memref<!tpu.dma_semaphore, #tpu.memory_space<semaphore_mem>>)
      %dma_wait3A_492 = arith.constant 0 : i32
      %dma_wait3A_493 = tpu.memref_slice %arg4[%add3A, %dma_wait3A_492] : memref<32x16xf32, #tpu.memory_space<hbm>> -> memref<1x16xf32, #tpu.memory_space<hbm>>
      %dma_wait3A_494 = arith.constant 0 : i32
      %dma_wait3A_495 = tpu.memref_slice %arg4[%add3A, %dma_wait3A_494] : memref<32x16xf32, #tpu.memory_space<hbm>> -> memref<1x16xf32, #tpu.memory_space<hbm>>
      tpu.wait_dma2 semaphore(%run_scoped3A : memref<!tpu.dma_semaphore, #tpu.memory_space<semaphore_mem>>) src(%arg13 : memref<1x16xf32, #tpu.memory_space<vmem>>) dst(%dma_wait3A_495 : memref<1x16xf32, #tpu.memory_space<hbm>>)
      tpu.yield
    }) : () -> ()
    return
  }
}

module attributes {stable_mosaic.version = 14 : i64} {
  func.func @_dense_body(%arg0: i32, %arg1: memref<1024x128xf32, #tpu.memory_space<vmem>>, %arg2: memref<1024x128xf32, #tpu.memory_space<vmem>>, %arg3: memref<1024x128xi32, #tpu.memory_space<vmem>>, %arg4: memref<1x32xf32, #tpu.memory_space<vmem>>, %arg5: memref<32x128xf32, #tpu.memory_space<vmem>>) attributes {dimension_semantics = [#tpu.dimension_semantics<arbitrary>], iteration_bounds = array<i64: 8>, scalar_prefetch = 0 : i64, scratch_operands = 1 : i64, tpu.core_type = #tpu.core_type<tc>, window_params = [{transform_indices = @transform_0, window_bounds = array<i64: 1024, 128>}, {transform_indices = @transform_1, window_bounds = array<i64: 1024, 128>}, {transform_indices = @transform_2, window_bounds = array<i64: 1024, 128>}, {pipeline_mode = #tpu.pipeline_mode<synchronous>, transform_indices = @transform_3, window_bounds = array<i64: 1, 32>}]} {
    %eq3A = arith.constant 0 : i32
    %eq3A_0 = arith.cmpi eq, %arg0, %eq3A : i32
    %convert_element_type3A = arith.extui %eq3A_0 : i1 to i32
    %cond3A = arith.constant 0 : i32
    %cond3A_1 = arith.cmpi ne, %convert_element_type3A, %cond3A : i32
    scf.if %cond3A_1 {
      %broadcast_in_dim3A = arith.constant 0.000000e+00 : f32
      %broadcast_in_dim3A_308 = vector.broadcast %broadcast_in_dim3A : f32 to vector<32x128xf32>
      %swap3A_309 = arith.constant 0 : index
      %swap3A_310 = arith.constant 0 : index
      %swap3A_311 = vector.load %arg5[%swap3A_309, %swap3A_310] : memref<32x128xf32, #tpu.memory_space<vmem>>, vector<32x128xf32>
      tpu.vector_store %arg5[%swap3A_309, %swap3A_310], %broadcast_in_dim3A_308 {strides = array<i32>} : memref<32x128xf32, #tpu.memory_space<vmem>>, vector<32x128xf32>,
    } else {
    }
    %get3A = arith.constant 0 : index
    %get3A_2 = arith.constant 0 : index
    %get3A_3 = vector.load %arg1[%get3A, %get3A_2] : memref<1024x128xf32, #tpu.memory_space<vmem>>, vector<1024x128xf32>
    %get3A_4 = arith.constant 0 : index
    %get3A_5 = arith.constant 0 : index
    %get3A_6 = vector.load %arg2[%get3A_4, %get3A_5] : memref<1024x128xf32, #tpu.memory_space<vmem>>, vector<1024x128xf32>
    %get3A_7 = arith.constant 0 : index
    %get3A_8 = arith.constant 0 : index
    %get3A_9 = vector.load %arg3[%get3A_7, %get3A_8] : memref<1024x128xi32, #tpu.memory_space<vmem>>, vector<1024x128xi32>
    %sub3A = arith.subf %get3A_3, %get3A_6 : vector<1024x128xf32>
    %get3A_10 = arith.constant 0 : index
    %get3A_11 = arith.constant 0 : index
    %get3A_12 = vector.load %arg5[%get3A_10, %get3A_11] : memref<32x128xf32, #tpu.memory_space<vmem>>, vector<1x128xf32>
    %get3A_13 = vector.shape_cast %get3A_12 : vector<1x128xf32> to vector<128xf32>
    %reduce_sum3A = arith.constant dense<0.000000e+00> : vector<128xf32>
    %reduce_sum3A_14 = vector.multi_reduction <add>, %get3A_3, %reduce_sum3A [0] : vector<1024x128xf32> to vector<128xf32>
    %add3A = arith.addf %get3A_13, %reduce_sum3A_14 : vector<128xf32>
    %swap3A = arith.constant 0 : index
    %swap3A_15 = arith.constant 0 : index
    %swap3A_16 = vector.load %arg5[%swap3A, %swap3A_15] : memref<32x128xf32, #tpu.memory_space<vmem>>, vector<1x128xf32>
    %swap3A_17 = vector.shape_cast %swap3A_16 : vector<1x128xf32> to vector<128xf32>
    %swap3A_18 = vector.shape_cast %add3A : vector<128xf32> to vector<1x128xf32>
    tpu.vector_store %arg5[%swap3A, %swap3A_15], %swap3A_18 {strides = array<i32>} : memref<32x128xf32, #tpu.memory_space<vmem>>, vector<1x128xf32>,
    %get3A_19 = arith.constant 1 : index
    %get3A_20 = arith.constant 0 : index
    %get3A_21 = vector.load %arg5[%get3A_19, %get3A_20] : memref<32x128xf32, #tpu.memory_space<vmem>>, vector<1x128xf32>
    %get3A_22 = vector.shape_cast %get3A_21 : vector<1x128xf32> to vector<128xf32>
    %mul3A = arith.mulf %sub3A, %sub3A : vector<1024x128xf32>
    %reduce_sum3A_23 = arith.constant dense<0.000000e+00> : vector<128xf32>
    %reduce_sum3A_24 = vector.multi_reduction <add>, %mul3A, %reduce_sum3A_23 [0] : vector<1024x128xf32> to vector<128xf32>
    %add3A_25 = arith.addf %get3A_22, %reduce_sum3A_24 : vector<128xf32>
    %swap3A_26 = arith.constant 1 : index
    %swap3A_27 = arith.constant 0 : index
    %swap3A_28 = vector.load %arg5[%swap3A_26, %swap3A_27] : memref<32x128xf32, #tpu.memory_space<vmem>>, vector<1x128xf32>
    %swap3A_29 = vector.shape_cast %swap3A_28 : vector<1x128xf32> to vector<128xf32>
    %swap3A_30 = vector.shape_cast %add3A_25 : vector<128xf32> to vector<1x128xf32>
    tpu.vector_store %arg5[%swap3A_26, %swap3A_27], %swap3A_30 {strides = array<i32>} : memref<32x128xf32, #tpu.memory_space<vmem>>, vector<1x128xf32>,
    %get3A_31 = arith.constant 16 : index
    %get3A_32 = arith.constant 0 : index
    %get3A_33 = vector.load %arg5[%get3A_31, %get3A_32] : memref<32x128xf32, #tpu.memory_space<vmem>>, vector<1x128xf32>
    %get3A_34 = vector.shape_cast %get3A_33 : vector<1x128xf32> to vector<128xf32>
    %eq3A_35 = arith.constant 0 : i32
    %eq3A_36 = vector.broadcast %eq3A_35 : i32 to vector<1024x128xi32>
    %eq3A_37 = arith.cmpi eq, %get3A_9, %eq3A_36 : vector<1024x128xi32>
    %convert_element_type3A_38 = arith.extui %eq3A_37 : vector<1024x128xi1> to vector<1024x128xi32>
    %convert_element_type3A_39 = arith.sitofp %convert_element_type3A_38 : vector<1024x128xi32> to vector<1024x128xf32>
    %reduce_sum3A_40 = arith.constant dense<0.000000e+00> : vector<128xf32>
    %reduce_sum3A_41 = vector.multi_reduction <add>, %convert_element_type3A_39, %reduce_sum3A_40 [0] : vector<1024x128xf32> to vector<128xf32>
    %add3A_42 = arith.addf %get3A_34, %reduce_sum3A_41 : vector<128xf32>
    %swap3A_43 = arith.constant 16 : index
    %swap3A_44 = arith.constant 0 : index
    %swap3A_45 = vector.load %arg5[%swap3A_43, %swap3A_44] : memref<32x128xf32, #tpu.memory_space<vmem>>, vector<1x128xf32>
    %swap3A_46 = vector.shape_cast %swap3A_45 : vector<1x128xf32> to vector<128xf32>
    %swap3A_47 = vector.shape_cast %add3A_42 : vector<128xf32> to vector<1x128xf32>
    tpu.vector_store %arg5[%swap3A_43, %swap3A_44], %swap3A_47 {strides = array<i32>} : memref<32x128xf32, #tpu.memory_space<vmem>>, vector<1x128xf32>,
    %get3A_48 = arith.constant 17 : index
    %get3A_49 = arith.constant 0 : index
    %get3A_50 = vector.load %arg5[%get3A_48, %get3A_49] : memref<32x128xf32, #tpu.memory_space<vmem>>, vector<1x128xf32>
    %get3A_51 = vector.shape_cast %get3A_50 : vector<1x128xf32> to vector<128xf32>
    %eq3A_52 = arith.constant 1 : i32
    %eq3A_53 = vector.broadcast %eq3A_52 : i32 to vector<1024x128xi32>
    %eq3A_54 = arith.cmpi eq, %get3A_9, %eq3A_53 : vector<1024x128xi32>
    %convert_element_type3A_55 = arith.extui %eq3A_54 : vector<1024x128xi1> to vector<1024x128xi32>
    %convert_element_type3A_56 = arith.sitofp %convert_element_type3A_55 : vector<1024x128xi32> to vector<1024x128xf32>
    %reduce_sum3A_57 = arith.constant dense<0.000000e+00> : vector<128xf32>
    %reduce_sum3A_58 = vector.multi_reduction <add>, %convert_element_type3A_56, %reduce_sum3A_57 [0] : vector<1024x128xf32> to vector<128xf32>
    %add3A_59 = arith.addf %get3A_51, %reduce_sum3A_58 : vector<128xf32>
    %swap3A_60 = arith.constant 17 : index
    %swap3A_61 = arith.constant 0 : index
    %swap3A_62 = vector.load %arg5[%swap3A_60, %swap3A_61] : memref<32x128xf32, #tpu.memory_space<vmem>>, vector<1x128xf32>
    %swap3A_63 = vector.shape_cast %swap3A_62 : vector<1x128xf32> to vector<128xf32>
    %swap3A_64 = vector.shape_cast %add3A_59 : vector<128xf32> to vector<1x128xf32>
    tpu.vector_store %arg5[%swap3A_60, %swap3A_61], %swap3A_64 {strides = array<i32>} : memref<32x128xf32, #tpu.memory_space<vmem>>, vector<1x128xf32>,
    %get3A_65 = arith.constant 18 : index
    %get3A_66 = arith.constant 0 : index
    %get3A_67 = vector.load %arg5[%get3A_65, %get3A_66] : memref<32x128xf32, #tpu.memory_space<vmem>>, vector<1x128xf32>
    %get3A_68 = vector.shape_cast %get3A_67 : vector<1x128xf32> to vector<128xf32>
    %eq3A_69 = arith.constant 2 : i32
    %eq3A_70 = vector.broadcast %eq3A_69 : i32 to vector<1024x128xi32>
    %eq3A_71 = arith.cmpi eq, %get3A_9, %eq3A_70 : vector<1024x128xi32>
    %convert_element_type3A_72 = arith.extui %eq3A_71 : vector<1024x128xi1> to vector<1024x128xi32>
    %convert_element_type3A_73 = arith.sitofp %convert_element_type3A_72 : vector<1024x128xi32> to vector<1024x128xf32>
    %reduce_sum3A_74 = arith.constant dense<0.000000e+00> : vector<128xf32>
    %reduce_sum3A_75 = vector.multi_reduction <add>, %convert_element_type3A_73, %reduce_sum3A_74 [0] : vector<1024x128xf32> to vector<128xf32>
    %add3A_76 = arith.addf %get3A_68, %reduce_sum3A_75 : vector<128xf32>
    %swap3A_77 = arith.constant 18 : index
    %swap3A_78 = arith.constant 0 : index
    %swap3A_79 = vector.load %arg5[%swap3A_77, %swap3A_78] : memref<32x128xf32, #tpu.memory_space<vmem>>, vector<1x128xf32>
    %swap3A_80 = vector.shape_cast %swap3A_79 : vector<1x128xf32> to vector<128xf32>
    %swap3A_81 = vector.shape_cast %add3A_76 : vector<128xf32> to vector<1x128xf32>
    tpu.vector_store %arg5[%swap3A_77, %swap3A_78], %swap3A_81 {strides = array<i32>} : memref<32x128xf32, #tpu.memory_space<vmem>>, vector<1x128xf32>,
    %get3A_82 = arith.constant 19 : index
    %get3A_83 = arith.constant 0 : index
    %get3A_84 = vector.load %arg5[%get3A_82, %get3A_83] : memref<32x128xf32, #tpu.memory_space<vmem>>, vector<1x128xf32>
    %get3A_85 = vector.shape_cast %get3A_84 : vector<1x128xf32> to vector<128xf32>
    %eq3A_86 = arith.constant 3 : i32
    %eq3A_87 = vector.broadcast %eq3A_86 : i32 to vector<1024x128xi32>
    %eq3A_88 = arith.cmpi eq, %get3A_9, %eq3A_87 : vector<1024x128xi32>
    %convert_element_type3A_89 = arith.extui %eq3A_88 : vector<1024x128xi1> to vector<1024x128xi32>
    %convert_element_type3A_90 = arith.sitofp %convert_element_type3A_89 : vector<1024x128xi32> to vector<1024x128xf32>
    %reduce_sum3A_91 = arith.constant dense<0.000000e+00> : vector<128xf32>
    %reduce_sum3A_92 = vector.multi_reduction <add>, %convert_element_type3A_90, %reduce_sum3A_91 [0] : vector<1024x128xf32> to vector<128xf32>
    %add3A_93 = arith.addf %get3A_85, %reduce_sum3A_92 : vector<128xf32>
    %swap3A_94 = arith.constant 19 : index
    %swap3A_95 = arith.constant 0 : index
    %swap3A_96 = vector.load %arg5[%swap3A_94, %swap3A_95] : memref<32x128xf32, #tpu.memory_space<vmem>>, vector<1x128xf32>
    %swap3A_97 = vector.shape_cast %swap3A_96 : vector<1x128xf32> to vector<128xf32>
    %swap3A_98 = vector.shape_cast %add3A_93 : vector<128xf32> to vector<1x128xf32>
    tpu.vector_store %arg5[%swap3A_94, %swap3A_95], %swap3A_98 {strides = array<i32>} : memref<32x128xf32, #tpu.memory_space<vmem>>, vector<1x128xf32>,
    %get3A_99 = arith.constant 20 : index
    %get3A_100 = arith.constant 0 : index
    %get3A_101 = vector.load %arg5[%get3A_99, %get3A_100] : memref<32x128xf32, #tpu.memory_space<vmem>>, vector<1x128xf32>
    %get3A_102 = vector.shape_cast %get3A_101 : vector<1x128xf32> to vector<128xf32>
    %eq3A_103 = arith.constant 4 : i32
    %eq3A_104 = vector.broadcast %eq3A_103 : i32 to vector<1024x128xi32>
    %eq3A_105 = arith.cmpi eq, %get3A_9, %eq3A_104 : vector<1024x128xi32>
    %convert_element_type3A_106 = arith.extui %eq3A_105 : vector<1024x128xi1> to vector<1024x128xi32>
    %convert_element_type3A_107 = arith.sitofp %convert_element_type3A_106 : vector<1024x128xi32> to vector<1024x128xf32>
    %reduce_sum3A_108 = arith.constant dense<0.000000e+00> : vector<128xf32>
    %reduce_sum3A_109 = vector.multi_reduction <add>, %convert_element_type3A_107, %reduce_sum3A_108 [0] : vector<1024x128xf32> to vector<128xf32>
    %add3A_110 = arith.addf %get3A_102, %reduce_sum3A_109 : vector<128xf32>
    %swap3A_111 = arith.constant 20 : index
    %swap3A_112 = arith.constant 0 : index
    %swap3A_113 = vector.load %arg5[%swap3A_111, %swap3A_112] : memref<32x128xf32, #tpu.memory_space<vmem>>, vector<1x128xf32>
    %swap3A_114 = vector.shape_cast %swap3A_113 : vector<1x128xf32> to vector<128xf32>
    %swap3A_115 = vector.shape_cast %add3A_110 : vector<128xf32> to vector<1x128xf32>
    tpu.vector_store %arg5[%swap3A_111, %swap3A_112], %swap3A_115 {strides = array<i32>} : memref<32x128xf32, #tpu.memory_space<vmem>>, vector<1x128xf32>,
    %get3A_116 = arith.constant 21 : index
    %get3A_117 = arith.constant 0 : index
    %get3A_118 = vector.load %arg5[%get3A_116, %get3A_117] : memref<32x128xf32, #tpu.memory_space<vmem>>, vector<1x128xf32>
    %get3A_119 = vector.shape_cast %get3A_118 : vector<1x128xf32> to vector<128xf32>
    %eq3A_120 = arith.constant 5 : i32
    %eq3A_121 = vector.broadcast %eq3A_120 : i32 to vector<1024x128xi32>
    %eq3A_122 = arith.cmpi eq, %get3A_9, %eq3A_121 : vector<1024x128xi32>
    %convert_element_type3A_123 = arith.extui %eq3A_122 : vector<1024x128xi1> to vector<1024x128xi32>
    %convert_element_type3A_124 = arith.sitofp %convert_element_type3A_123 : vector<1024x128xi32> to vector<1024x128xf32>
    %reduce_sum3A_125 = arith.constant dense<0.000000e+00> : vector<128xf32>
    %reduce_sum3A_126 = vector.multi_reduction <add>, %convert_element_type3A_124, %reduce_sum3A_125 [0] : vector<1024x128xf32> to vector<128xf32>
    %add3A_127 = arith.addf %get3A_119, %reduce_sum3A_126 : vector<128xf32>
    %swap3A_128 = arith.constant 21 : index
    %swap3A_129 = arith.constant 0 : index
    %swap3A_130 = vector.load %arg5[%swap3A_128, %swap3A_129] : memref<32x128xf32, #tpu.memory_space<vmem>>, vector<1x128xf32>
    %swap3A_131 = vector.shape_cast %swap3A_130 : vector<1x128xf32> to vector<128xf32>
    %swap3A_132 = vector.shape_cast %add3A_127 : vector<128xf32> to vector<1x128xf32>
    tpu.vector_store %arg5[%swap3A_128, %swap3A_129], %swap3A_132 {strides = array<i32>} : memref<32x128xf32, #tpu.memory_space<vmem>>, vector<1x128xf32>,
    %get3A_133 = arith.constant 22 : index
    %get3A_134 = arith.constant 0 : index
    %get3A_135 = vector.load %arg5[%get3A_133, %get3A_134] : memref<32x128xf32, #tpu.memory_space<vmem>>, vector<1x128xf32>
    %get3A_136 = vector.shape_cast %get3A_135 : vector<1x128xf32> to vector<128xf32>
    %eq3A_137 = arith.constant 6 : i32
    %eq3A_138 = vector.broadcast %eq3A_137 : i32 to vector<1024x128xi32>
    %eq3A_139 = arith.cmpi eq, %get3A_9, %eq3A_138 : vector<1024x128xi32>
    %convert_element_type3A_140 = arith.extui %eq3A_139 : vector<1024x128xi1> to vector<1024x128xi32>
    %convert_element_type3A_141 = arith.sitofp %convert_element_type3A_140 : vector<1024x128xi32> to vector<1024x128xf32>
    %reduce_sum3A_142 = arith.constant dense<0.000000e+00> : vector<128xf32>
    %reduce_sum3A_143 = vector.multi_reduction <add>, %convert_element_type3A_141, %reduce_sum3A_142 [0] : vector<1024x128xf32> to vector<128xf32>
    %add3A_144 = arith.addf %get3A_136, %reduce_sum3A_143 : vector<128xf32>
    %swap3A_145 = arith.constant 22 : index
    %swap3A_146 = arith.constant 0 : index
    %swap3A_147 = vector.load %arg5[%swap3A_145, %swap3A_146] : memref<32x128xf32, #tpu.memory_space<vmem>>, vector<1x128xf32>
    %swap3A_148 = vector.shape_cast %swap3A_147 : vector<1x128xf32> to vector<128xf32>
    %swap3A_149 = vector.shape_cast %add3A_144 : vector<128xf32> to vector<1x128xf32>
    tpu.vector_store %arg5[%swap3A_145, %swap3A_146], %swap3A_149 {strides = array<i32>} : memref<32x128xf32, #tpu.memory_space<vmem>>, vector<1x128xf32>,
    %get3A_150 = arith.constant 23 : index
    %get3A_151 = arith.constant 0 : index
    %get3A_152 = vector.load %arg5[%get3A_150, %get3A_151] : memref<32x128xf32, #tpu.memory_space<vmem>>, vector<1x128xf32>
    %get3A_153 = vector.shape_cast %get3A_152 : vector<1x128xf32> to vector<128xf32>
    %eq3A_154 = arith.constant 7 : i32
    %eq3A_155 = vector.broadcast %eq3A_154 : i32 to vector<1024x128xi32>
    %eq3A_156 = arith.cmpi eq, %get3A_9, %eq3A_155 : vector<1024x128xi32>
    %convert_element_type3A_157 = arith.extui %eq3A_156 : vector<1024x128xi1> to vector<1024x128xi32>
    %convert_element_type3A_158 = arith.sitofp %convert_element_type3A_157 : vector<1024x128xi32> to vector<1024x128xf32>
    %reduce_sum3A_159 = arith.constant dense<0.000000e+00> : vector<128xf32>
    %reduce_sum3A_160 = vector.multi_reduction <add>, %convert_element_type3A_158, %reduce_sum3A_159 [0] : vector<1024x128xf32> to vector<128xf32>
    %add3A_161 = arith.addf %get3A_153, %reduce_sum3A_160 : vector<128xf32>
    %swap3A_162 = arith.constant 23 : index
    %swap3A_163 = arith.constant 0 : index
    %swap3A_164 = vector.load %arg5[%swap3A_162, %swap3A_163] : memref<32x128xf32, #tpu.memory_space<vmem>>, vector<1x128xf32>
    %swap3A_165 = vector.shape_cast %swap3A_164 : vector<1x128xf32> to vector<128xf32>
    %swap3A_166 = vector.shape_cast %add3A_161 : vector<128xf32> to vector<1x128xf32>
    tpu.vector_store %arg5[%swap3A_162, %swap3A_163], %swap3A_166 {strides = array<i32>} : memref<32x128xf32, #tpu.memory_space<vmem>>, vector<1x128xf32>,
    %get3A_167 = arith.constant 24 : index
    %get3A_168 = arith.constant 0 : index
    %get3A_169 = vector.load %arg5[%get3A_167, %get3A_168] : memref<32x128xf32, #tpu.memory_space<vmem>>, vector<1x128xf32>
    %get3A_170 = vector.shape_cast %get3A_169 : vector<1x128xf32> to vector<128xf32>
    %eq3A_171 = arith.constant 8 : i32
    %eq3A_172 = vector.broadcast %eq3A_171 : i32 to vector<1024x128xi32>
    %eq3A_173 = arith.cmpi eq, %get3A_9, %eq3A_172 : vector<1024x128xi32>
    %convert_element_type3A_174 = arith.extui %eq3A_173 : vector<1024x128xi1> to vector<1024x128xi32>
    %convert_element_type3A_175 = arith.sitofp %convert_element_type3A_174 : vector<1024x128xi32> to vector<1024x128xf32>
    %reduce_sum3A_176 = arith.constant dense<0.000000e+00> : vector<128xf32>
    %reduce_sum3A_177 = vector.multi_reduction <add>, %convert_element_type3A_175, %reduce_sum3A_176 [0] : vector<1024x128xf32> to vector<128xf32>
    %add3A_178 = arith.addf %get3A_170, %reduce_sum3A_177 : vector<128xf32>
    %swap3A_179 = arith.constant 24 : index
    %swap3A_180 = arith.constant 0 : index
    %swap3A_181 = vector.load %arg5[%swap3A_179, %swap3A_180] : memref<32x128xf32, #tpu.memory_space<vmem>>, vector<1x128xf32>
    %swap3A_182 = vector.shape_cast %swap3A_181 : vector<1x128xf32> to vector<128xf32>
    %swap3A_183 = vector.shape_cast %add3A_178 : vector<128xf32> to vector<1x128xf32>
    tpu.vector_store %arg5[%swap3A_179, %swap3A_180], %swap3A_183 {strides = array<i32>} : memref<32x128xf32, #tpu.memory_space<vmem>>, vector<1x128xf32>,
    %get3A_184 = arith.constant 25 : index
    %get3A_185 = arith.constant 0 : index
    %get3A_186 = vector.load %arg5[%get3A_184, %get3A_185] : memref<32x128xf32, #tpu.memory_space<vmem>>, vector<1x128xf32>
    %get3A_187 = vector.shape_cast %get3A_186 : vector<1x128xf32> to vector<128xf32>
    %eq3A_188 = arith.constant 9 : i32
    %eq3A_189 = vector.broadcast %eq3A_188 : i32 to vector<1024x128xi32>
    %eq3A_190 = arith.cmpi eq, %get3A_9, %eq3A_189 : vector<1024x128xi32>
    %convert_element_type3A_191 = arith.extui %eq3A_190 : vector<1024x128xi1> to vector<1024x128xi32>
    %convert_element_type3A_192 = arith.sitofp %convert_element_type3A_191 : vector<1024x128xi32> to vector<1024x128xf32>
    %reduce_sum3A_193 = arith.constant dense<0.000000e+00> : vector<128xf32>
    %reduce_sum3A_194 = vector.multi_reduction <add>, %convert_element_type3A_192, %reduce_sum3A_193 [0] : vector<1024x128xf32> to vector<128xf32>
    %add3A_195 = arith.addf %get3A_187, %reduce_sum3A_194 : vector<128xf32>
    %swap3A_196 = arith.constant 25 : index
    %swap3A_197 = arith.constant 0 : index
    %swap3A_198 = vector.load %arg5[%swap3A_196, %swap3A_197] : memref<32x128xf32, #tpu.memory_space<vmem>>, vector<1x128xf32>
    %swap3A_199 = vector.shape_cast %swap3A_198 : vector<1x128xf32> to vector<128xf32>
    %swap3A_200 = vector.shape_cast %add3A_195 : vector<128xf32> to vector<1x128xf32>
    tpu.vector_store %arg5[%swap3A_196, %swap3A_197], %swap3A_200 {strides = array<i32>} : memref<32x128xf32, #tpu.memory_space<vmem>>, vector<1x128xf32>,
    %get3A_201 = arith.constant 26 : index
    %get3A_202 = arith.constant 0 : index
    %get3A_203 = vector.load %arg5[%get3A_201, %get3A_202] : memref<32x128xf32, #tpu.memory_space<vmem>>, vector<1x128xf32>
    %get3A_204 = vector.shape_cast %get3A_203 : vector<1x128xf32> to vector<128xf32>
    %eq3A_205 = arith.constant 10 : i32
    %eq3A_206 = vector.broadcast %eq3A_205 : i32 to vector<1024x128xi32>
    %eq3A_207 = arith.cmpi eq, %get3A_9, %eq3A_206 : vector<1024x128xi32>
    %convert_element_type3A_208 = arith.extui %eq3A_207 : vector<1024x128xi1> to vector<1024x128xi32>
    %convert_element_type3A_209 = arith.sitofp %convert_element_type3A_208 : vector<1024x128xi32> to vector<1024x128xf32>
    %reduce_sum3A_210 = arith.constant dense<0.000000e+00> : vector<128xf32>
    %reduce_sum3A_211 = vector.multi_reduction <add>, %convert_element_type3A_209, %reduce_sum3A_210 [0] : vector<1024x128xf32> to vector<128xf32>
    %add3A_212 = arith.addf %get3A_204, %reduce_sum3A_211 : vector<128xf32>
    %swap3A_213 = arith.constant 26 : index
    %swap3A_214 = arith.constant 0 : index
    %swap3A_215 = vector.load %arg5[%swap3A_213, %swap3A_214] : memref<32x128xf32, #tpu.memory_space<vmem>>, vector<1x128xf32>
    %swap3A_216 = vector.shape_cast %swap3A_215 : vector<1x128xf32> to vector<128xf32>
    %swap3A_217 = vector.shape_cast %add3A_212 : vector<128xf32> to vector<1x128xf32>
    tpu.vector_store %arg5[%swap3A_213, %swap3A_214], %swap3A_217 {strides = array<i32>} : memref<32x128xf32, #tpu.memory_space<vmem>>, vector<1x128xf32>,
    %get3A_218 = arith.constant 27 : index
    %get3A_219 = arith.constant 0 : index
    %get3A_220 = vector.load %arg5[%get3A_218, %get3A_219] : memref<32x128xf32, #tpu.memory_space<vmem>>, vector<1x128xf32>
    %get3A_221 = vector.shape_cast %get3A_220 : vector<1x128xf32> to vector<128xf32>
    %eq3A_222 = arith.constant 11 : i32
    %eq3A_223 = vector.broadcast %eq3A_222 : i32 to vector<1024x128xi32>
    %eq3A_224 = arith.cmpi eq, %get3A_9, %eq3A_223 : vector<1024x128xi32>
    %convert_element_type3A_225 = arith.extui %eq3A_224 : vector<1024x128xi1> to vector<1024x128xi32>
    %convert_element_type3A_226 = arith.sitofp %convert_element_type3A_225 : vector<1024x128xi32> to vector<1024x128xf32>
    %reduce_sum3A_227 = arith.constant dense<0.000000e+00> : vector<128xf32>
    %reduce_sum3A_228 = vector.multi_reduction <add>, %convert_element_type3A_226, %reduce_sum3A_227 [0] : vector<1024x128xf32> to vector<128xf32>
    %add3A_229 = arith.addf %get3A_221, %reduce_sum3A_228 : vector<128xf32>
    %swap3A_230 = arith.constant 27 : index
    %swap3A_231 = arith.constant 0 : index
    %swap3A_232 = vector.load %arg5[%swap3A_230, %swap3A_231] : memref<32x128xf32, #tpu.memory_space<vmem>>, vector<1x128xf32>
    %swap3A_233 = vector.shape_cast %swap3A_232 : vector<1x128xf32> to vector<128xf32>
    %swap3A_234 = vector.shape_cast %add3A_229 : vector<128xf32> to vector<1x128xf32>
    tpu.vector_store %arg5[%swap3A_230, %swap3A_231], %swap3A_234 {strides = array<i32>} : memref<32x128xf32, #tpu.memory_space<vmem>>, vector<1x128xf32>,
    %get3A_235 = arith.constant 28 : index
    %get3A_236 = arith.constant 0 : index
    %get3A_237 = vector.load %arg5[%get3A_235, %get3A_236] : memref<32x128xf32, #tpu.memory_space<vmem>>, vector<1x128xf32>
    %get3A_238 = vector.shape_cast %get3A_237 : vector<1x128xf32> to vector<128xf32>
    %eq3A_239 = arith.constant 12 : i32
    %eq3A_240 = vector.broadcast %eq3A_239 : i32 to vector<1024x128xi32>
    %eq3A_241 = arith.cmpi eq, %get3A_9, %eq3A_240 : vector<1024x128xi32>
    %convert_element_type3A_242 = arith.extui %eq3A_241 : vector<1024x128xi1> to vector<1024x128xi32>
    %convert_element_type3A_243 = arith.sitofp %convert_element_type3A_242 : vector<1024x128xi32> to vector<1024x128xf32>
    %reduce_sum3A_244 = arith.constant dense<0.000000e+00> : vector<128xf32>
    %reduce_sum3A_245 = vector.multi_reduction <add>, %convert_element_type3A_243, %reduce_sum3A_244 [0] : vector<1024x128xf32> to vector<128xf32>
    %add3A_246 = arith.addf %get3A_238, %reduce_sum3A_245 : vector<128xf32>
    %swap3A_247 = arith.constant 28 : index
    %swap3A_248 = arith.constant 0 : index
    %swap3A_249 = vector.load %arg5[%swap3A_247, %swap3A_248] : memref<32x128xf32, #tpu.memory_space<vmem>>, vector<1x128xf32>
    %swap3A_250 = vector.shape_cast %swap3A_249 : vector<1x128xf32> to vector<128xf32>
    %swap3A_251 = vector.shape_cast %add3A_246 : vector<128xf32> to vector<1x128xf32>
    tpu.vector_store %arg5[%swap3A_247, %swap3A_248], %swap3A_251 {strides = array<i32>} : memref<32x128xf32, #tpu.memory_space<vmem>>, vector<1x128xf32>,
    %get3A_252 = arith.constant 29 : index
    %get3A_253 = arith.constant 0 : index
    %get3A_254 = vector.load %arg5[%get3A_252, %get3A_253] : memref<32x128xf32, #tpu.memory_space<vmem>>, vector<1x128xf32>
    %get3A_255 = vector.shape_cast %get3A_254 : vector<1x128xf32> to vector<128xf32>
    %eq3A_256 = arith.constant 13 : i32
    %eq3A_257 = vector.broadcast %eq3A_256 : i32 to vector<1024x128xi32>
    %eq3A_258 = arith.cmpi eq, %get3A_9, %eq3A_257 : vector<1024x128xi32>
    %convert_element_type3A_259 = arith.extui %eq3A_258 : vector<1024x128xi1> to vector<1024x128xi32>
    %convert_element_type3A_260 = arith.sitofp %convert_element_type3A_259 : vector<1024x128xi32> to vector<1024x128xf32>
    %reduce_sum3A_261 = arith.constant dense<0.000000e+00> : vector<128xf32>
    %reduce_sum3A_262 = vector.multi_reduction <add>, %convert_element_type3A_260, %reduce_sum3A_261 [0] : vector<1024x128xf32> to vector<128xf32>
    %add3A_263 = arith.addf %get3A_255, %reduce_sum3A_262 : vector<128xf32>
    %swap3A_264 = arith.constant 29 : index
    %swap3A_265 = arith.constant 0 : index
    %swap3A_266 = vector.load %arg5[%swap3A_264, %swap3A_265] : memref<32x128xf32, #tpu.memory_space<vmem>>, vector<1x128xf32>
    %swap3A_267 = vector.shape_cast %swap3A_266 : vector<1x128xf32> to vector<128xf32>
    %swap3A_268 = vector.shape_cast %add3A_263 : vector<128xf32> to vector<1x128xf32>
    tpu.vector_store %arg5[%swap3A_264, %swap3A_265], %swap3A_268 {strides = array<i32>} : memref<32x128xf32, #tpu.memory_space<vmem>>, vector<1x128xf32>,
    %get3A_269 = arith.constant 30 : index
    %get3A_270 = arith.constant 0 : index
    %get3A_271 = vector.load %arg5[%get3A_269, %get3A_270] : memref<32x128xf32, #tpu.memory_space<vmem>>, vector<1x128xf32>
    %get3A_272 = vector.shape_cast %get3A_271 : vector<1x128xf32> to vector<128xf32>
    %eq3A_273 = arith.constant 14 : i32
    %eq3A_274 = vector.broadcast %eq3A_273 : i32 to vector<1024x128xi32>
    %eq3A_275 = arith.cmpi eq, %get3A_9, %eq3A_274 : vector<1024x128xi32>
    %convert_element_type3A_276 = arith.extui %eq3A_275 : vector<1024x128xi1> to vector<1024x128xi32>
    %convert_element_type3A_277 = arith.sitofp %convert_element_type3A_276 : vector<1024x128xi32> to vector<1024x128xf32>
    %reduce_sum3A_278 = arith.constant dense<0.000000e+00> : vector<128xf32>
    %reduce_sum3A_279 = vector.multi_reduction <add>, %convert_element_type3A_277, %reduce_sum3A_278 [0] : vector<1024x128xf32> to vector<128xf32>
    %add3A_280 = arith.addf %get3A_272, %reduce_sum3A_279 : vector<128xf32>
    %swap3A_281 = arith.constant 30 : index
    %swap3A_282 = arith.constant 0 : index
    %swap3A_283 = vector.load %arg5[%swap3A_281, %swap3A_282] : memref<32x128xf32, #tpu.memory_space<vmem>>, vector<1x128xf32>
    %swap3A_284 = vector.shape_cast %swap3A_283 : vector<1x128xf32> to vector<128xf32>
    %swap3A_285 = vector.shape_cast %add3A_280 : vector<128xf32> to vector<1x128xf32>
    tpu.vector_store %arg5[%swap3A_281, %swap3A_282], %swap3A_285 {strides = array<i32>} : memref<32x128xf32, #tpu.memory_space<vmem>>, vector<1x128xf32>,
    %get3A_286 = arith.constant 31 : index
    %get3A_287 = arith.constant 0 : index
    %get3A_288 = vector.load %arg5[%get3A_286, %get3A_287] : memref<32x128xf32, #tpu.memory_space<vmem>>, vector<1x128xf32>
    %get3A_289 = vector.shape_cast %get3A_288 : vector<1x128xf32> to vector<128xf32>
    %eq3A_290 = arith.constant 15 : i32
    %eq3A_291 = vector.broadcast %eq3A_290 : i32 to vector<1024x128xi32>
    %eq3A_292 = arith.cmpi eq, %get3A_9, %eq3A_291 : vector<1024x128xi32>
    %convert_element_type3A_293 = arith.extui %eq3A_292 : vector<1024x128xi1> to vector<1024x128xi32>
    %convert_element_type3A_294 = arith.sitofp %convert_element_type3A_293 : vector<1024x128xi32> to vector<1024x128xf32>
    %reduce_sum3A_295 = arith.constant dense<0.000000e+00> : vector<128xf32>
    %reduce_sum3A_296 = vector.multi_reduction <add>, %convert_element_type3A_294, %reduce_sum3A_295 [0] : vector<1024x128xf32> to vector<128xf32>
    %add3A_297 = arith.addf %get3A_289, %reduce_sum3A_296 : vector<128xf32>
    %swap3A_298 = arith.constant 31 : index
    %swap3A_299 = arith.constant 0 : index
    %swap3A_300 = vector.load %arg5[%swap3A_298, %swap3A_299] : memref<32x128xf32, #tpu.memory_space<vmem>>, vector<1x128xf32>
    %swap3A_301 = vector.shape_cast %swap3A_300 : vector<1x128xf32> to vector<128xf32>
    %swap3A_302 = vector.shape_cast %add3A_297 : vector<128xf32> to vector<1x128xf32>
    tpu.vector_store %arg5[%swap3A_298, %swap3A_299], %swap3A_302 {strides = array<i32>} : memref<32x128xf32, #tpu.memory_space<vmem>>, vector<1x128xf32>,
    %eq3A_303 = arith.constant 7 : i32
    %eq3A_304 = arith.cmpi eq, %arg0, %eq3A_303 : i32
    %convert_element_type3A_305 = arith.extui %eq3A_304 : i1 to i32
    %cond3A_306 = arith.constant 0 : i32
    %cond3A_307 = arith.cmpi ne, %convert_element_type3A_305, %cond3A_306 : i32
    scf.if %cond3A_307 {
      %get3A_308 = arith.constant 0 : index
      %get3A_309 = arith.constant 0 : index
      %get3A_310 = vector.load %arg5[%get3A_308, %get3A_309] : memref<32x128xf32, #tpu.memory_space<vmem>>, vector<32x128xf32>
      %iota3A = tpu.iota {dimensions = array<i32: 1>} : vector<1x32xi32>
      %broadcast_in_dim3A = arith.constant 0.000000e+00 : f32
      %broadcast_in_dim3A_311 = vector.broadcast %broadcast_in_dim3A : f32 to vector<1x32xf32>
      %eq3A_312 = arith.constant 0 : i32
      %eq3A_313 = vector.broadcast %eq3A_312 : i32 to vector<1x32xi32>
      %eq3A_314 = arith.cmpi eq, %iota3A, %eq3A_313 : vector<1x32xi32>
      %slice3A = vector.extract_strided_slice %get3A_310 {offsets = [0, 0], sizes = [1, 128], strides = [1, 1]} : vector<32x128xf32> to vector<1x128xf32>
      %reduce_sum3A_315 = vector.shape_cast %slice3A : vector<1x128xf32> to vector<1x1x128xf32>
      %reduce_sum3A_316 = arith.constant dense<0.000000e+00> : vector<1xf32>
      %reduce_sum3A_317 = vector.multi_reduction <add>, %reduce_sum3A_315, %reduce_sum3A_316 [1, 2] : vector<1x1x128xf32> to vector<1xf32>
      %reduce_sum3A_318 = vector.shape_cast %reduce_sum3A_317 : vector<1xf32> to vector<1x1x1xf32>
      %reduce_sum3A_319 = vector.extract %reduce_sum3A_318[0, 0, 0] : f32 from vector<1x1x1xf32>
      %broadcast_in_dim3A_320 = vector.broadcast %reduce_sum3A_319 : f32 to vector<1x32xf32>
      %select_n3A = arith.select %eq3A_314, %broadcast_in_dim3A_320, %broadcast_in_dim3A_311 : vector<1x32xi1>, vector<1x32xf32>
      %eq3A_321 = arith.constant 1 : i32
      %eq3A_322 = vector.broadcast %eq3A_321 : i32 to vector<1x32xi32>
      %eq3A_323 = arith.cmpi eq, %iota3A, %eq3A_322 : vector<1x32xi32>
      %slice3A_324 = vector.extract_strided_slice %get3A_310 {offsets = [1, 0], sizes = [1, 128], strides = [1, 1]} : vector<32x128xf32> to vector<1x128xf32>
      %reduce_sum3A_325 = vector.shape_cast %slice3A_324 : vector<1x128xf32> to vector<1x1x128xf32>
      %reduce_sum3A_326 = arith.constant dense<0.000000e+00> : vector<1xf32>
      %reduce_sum3A_327 = vector.multi_reduction <add>, %reduce_sum3A_325, %reduce_sum3A_326 [1, 2] : vector<1x1x128xf32> to vector<1xf32>
      %reduce_sum3A_328 = vector.shape_cast %reduce_sum3A_327 : vector<1xf32> to vector<1x1x1xf32>
      %reduce_sum3A_329 = vector.extract %reduce_sum3A_328[0, 0, 0] : f32 from vector<1x1x1xf32>
      %broadcast_in_dim3A_330 = vector.broadcast %reduce_sum3A_329 : f32 to vector<1x32xf32>
      %select_n3A_331 = arith.select %eq3A_323, %broadcast_in_dim3A_330, %select_n3A : vector<1x32xi1>, vector<1x32xf32>
      %eq3A_332 = arith.constant 2 : i32
      %eq3A_333 = vector.broadcast %eq3A_332 : i32 to vector<1x32xi32>
      %eq3A_334 = arith.cmpi eq, %iota3A, %eq3A_333 : vector<1x32xi32>
      %slice3A_335 = vector.extract_strided_slice %get3A_310 {offsets = [2, 0], sizes = [1, 128], strides = [1, 1]} : vector<32x128xf32> to vector<1x128xf32>
      %reduce_sum3A_336 = vector.shape_cast %slice3A_335 : vector<1x128xf32> to vector<1x1x128xf32>
      %reduce_sum3A_337 = arith.constant dense<0.000000e+00> : vector<1xf32>
      %reduce_sum3A_338 = vector.multi_reduction <add>, %reduce_sum3A_336, %reduce_sum3A_337 [1, 2] : vector<1x1x128xf32> to vector<1xf32>
      %reduce_sum3A_339 = vector.shape_cast %reduce_sum3A_338 : vector<1xf32> to vector<1x1x1xf32>
      %reduce_sum3A_340 = vector.extract %reduce_sum3A_339[0, 0, 0] : f32 from vector<1x1x1xf32>
      %broadcast_in_dim3A_341 = vector.broadcast %reduce_sum3A_340 : f32 to vector<1x32xf32>
      %select_n3A_342 = arith.select %eq3A_334, %broadcast_in_dim3A_341, %select_n3A_331 : vector<1x32xi1>, vector<1x32xf32>
      %eq3A_343 = arith.constant 3 : i32
      %eq3A_344 = vector.broadcast %eq3A_343 : i32 to vector<1x32xi32>
      %eq3A_345 = arith.cmpi eq, %iota3A, %eq3A_344 : vector<1x32xi32>
      %slice3A_346 = vector.extract_strided_slice %get3A_310 {offsets = [3, 0], sizes = [1, 128], strides = [1, 1]} : vector<32x128xf32> to vector<1x128xf32>
      %reduce_sum3A_347 = vector.shape_cast %slice3A_346 : vector<1x128xf32> to vector<1x1x128xf32>
      %reduce_sum3A_348 = arith.constant dense<0.000000e+00> : vector<1xf32>
      %reduce_sum3A_349 = vector.multi_reduction <add>, %reduce_sum3A_347, %reduce_sum3A_348 [1, 2] : vector<1x1x128xf32> to vector<1xf32>
      %reduce_sum3A_350 = vector.shape_cast %reduce_sum3A_349 : vector<1xf32> to vector<1x1x1xf32>
      %reduce_sum3A_351 = vector.extract %reduce_sum3A_350[0, 0, 0] : f32 from vector<1x1x1xf32>
      %broadcast_in_dim3A_352 = vector.broadcast %reduce_sum3A_351 : f32 to vector<1x32xf32>
      %select_n3A_353 = arith.select %eq3A_345, %broadcast_in_dim3A_352, %select_n3A_342 : vector<1x32xi1>, vector<1x32xf32>
      %eq3A_354 = arith.constant 4 : i32
      %eq3A_355 = vector.broadcast %eq3A_354 : i32 to vector<1x32xi32>
      %eq3A_356 = arith.cmpi eq, %iota3A, %eq3A_355 : vector<1x32xi32>
      %slice3A_357 = vector.extract_strided_slice %get3A_310 {offsets = [4, 0], sizes = [1, 128], strides = [1, 1]} : vector<32x128xf32> to vector<1x128xf32>
      %reduce_sum3A_358 = vector.shape_cast %slice3A_357 : vector<1x128xf32> to vector<1x1x128xf32>
      %reduce_sum3A_359 = arith.constant dense<0.000000e+00> : vector<1xf32>
      %reduce_sum3A_360 = vector.multi_reduction <add>, %reduce_sum3A_358, %reduce_sum3A_359 [1, 2] : vector<1x1x128xf32> to vector<1xf32>
      %reduce_sum3A_361 = vector.shape_cast %reduce_sum3A_360 : vector<1xf32> to vector<1x1x1xf32>
      %reduce_sum3A_362 = vector.extract %reduce_sum3A_361[0, 0, 0] : f32 from vector<1x1x1xf32>
      %broadcast_in_dim3A_363 = vector.broadcast %reduce_sum3A_362 : f32 to vector<1x32xf32>
      %select_n3A_364 = arith.select %eq3A_356, %broadcast_in_dim3A_363, %select_n3A_353 : vector<1x32xi1>, vector<1x32xf32>
      %eq3A_365 = arith.constant 5 : i32
      %eq3A_366 = vector.broadcast %eq3A_365 : i32 to vector<1x32xi32>
      %eq3A_367 = arith.cmpi eq, %iota3A, %eq3A_366 : vector<1x32xi32>
      %slice3A_368 = vector.extract_strided_slice %get3A_310 {offsets = [5, 0], sizes = [1, 128], strides = [1, 1]} : vector<32x128xf32> to vector<1x128xf32>
      %reduce_sum3A_369 = vector.shape_cast %slice3A_368 : vector<1x128xf32> to vector<1x1x128xf32>
      %reduce_sum3A_370 = arith.constant dense<0.000000e+00> : vector<1xf32>
      %reduce_sum3A_371 = vector.multi_reduction <add>, %reduce_sum3A_369, %reduce_sum3A_370 [1, 2] : vector<1x1x128xf32> to vector<1xf32>
      %reduce_sum3A_372 = vector.shape_cast %reduce_sum3A_371 : vector<1xf32> to vector<1x1x1xf32>
      %reduce_sum3A_373 = vector.extract %reduce_sum3A_372[0, 0, 0] : f32 from vector<1x1x1xf32>
      %broadcast_in_dim3A_374 = vector.broadcast %reduce_sum3A_373 : f32 to vector<1x32xf32>
      %select_n3A_375 = arith.select %eq3A_367, %broadcast_in_dim3A_374, %select_n3A_364 : vector<1x32xi1>, vector<1x32xf32>
      %eq3A_376 = arith.constant 6 : i32
      %eq3A_377 = vector.broadcast %eq3A_376 : i32 to vector<1x32xi32>
      %eq3A_378 = arith.cmpi eq, %iota3A, %eq3A_377 : vector<1x32xi32>
      %slice3A_379 = vector.extract_strided_slice %get3A_310 {offsets = [6, 0], sizes = [1, 128], strides = [1, 1]} : vector<32x128xf32> to vector<1x128xf32>
      %reduce_sum3A_380 = vector.shape_cast %slice3A_379 : vector<1x128xf32> to vector<1x1x128xf32>
      %reduce_sum3A_381 = arith.constant dense<0.000000e+00> : vector<1xf32>
      %reduce_sum3A_382 = vector.multi_reduction <add>, %reduce_sum3A_380, %reduce_sum3A_381 [1, 2] : vector<1x1x128xf32> to vector<1xf32>
      %reduce_sum3A_383 = vector.shape_cast %reduce_sum3A_382 : vector<1xf32> to vector<1x1x1xf32>
      %reduce_sum3A_384 = vector.extract %reduce_sum3A_383[0, 0, 0] : f32 from vector<1x1x1xf32>
      %broadcast_in_dim3A_385 = vector.broadcast %reduce_sum3A_384 : f32 to vector<1x32xf32>
      %select_n3A_386 = arith.select %eq3A_378, %broadcast_in_dim3A_385, %select_n3A_375 : vector<1x32xi1>, vector<1x32xf32>
      %eq3A_387 = arith.constant 7 : i32
      %eq3A_388 = vector.broadcast %eq3A_387 : i32 to vector<1x32xi32>
      %eq3A_389 = arith.cmpi eq, %iota3A, %eq3A_388 : vector<1x32xi32>
      %slice3A_390 = vector.extract_strided_slice %get3A_310 {offsets = [7, 0], sizes = [1, 128], strides = [1, 1]} : vector<32x128xf32> to vector<1x128xf32>
      %reduce_sum3A_391 = vector.shape_cast %slice3A_390 : vector<1x128xf32> to vector<1x1x128xf32>
      %reduce_sum3A_392 = arith.constant dense<0.000000e+00> : vector<1xf32>
      %reduce_sum3A_393 = vector.multi_reduction <add>, %reduce_sum3A_391, %reduce_sum3A_392 [1, 2] : vector<1x1x128xf32> to vector<1xf32>
      %reduce_sum3A_394 = vector.shape_cast %reduce_sum3A_393 : vector<1xf32> to vector<1x1x1xf32>
      %reduce_sum3A_395 = vector.extract %reduce_sum3A_394[0, 0, 0] : f32 from vector<1x1x1xf32>
      %broadcast_in_dim3A_396 = vector.broadcast %reduce_sum3A_395 : f32 to vector<1x32xf32>
      %select_n3A_397 = arith.select %eq3A_389, %broadcast_in_dim3A_396, %select_n3A_386 : vector<1x32xi1>, vector<1x32xf32>
      %eq3A_398 = arith.constant 8 : i32
      %eq3A_399 = vector.broadcast %eq3A_398 : i32 to vector<1x32xi32>
      %eq3A_400 = arith.cmpi eq, %iota3A, %eq3A_399 : vector<1x32xi32>
      %slice3A_401 = vector.extract_strided_slice %get3A_310 {offsets = [8, 0], sizes = [1, 128], strides = [1, 1]} : vector<32x128xf32> to vector<1x128xf32>
      %reduce_sum3A_402 = vector.shape_cast %slice3A_401 : vector<1x128xf32> to vector<1x1x128xf32>
      %reduce_sum3A_403 = arith.constant dense<0.000000e+00> : vector<1xf32>
      %reduce_sum3A_404 = vector.multi_reduction <add>, %reduce_sum3A_402, %reduce_sum3A_403 [1, 2] : vector<1x1x128xf32> to vector<1xf32>
      %reduce_sum3A_405 = vector.shape_cast %reduce_sum3A_404 : vector<1xf32> to vector<1x1x1xf32>
      %reduce_sum3A_406 = vector.extract %reduce_sum3A_405[0, 0, 0] : f32 from vector<1x1x1xf32>
      %broadcast_in_dim3A_407 = vector.broadcast %reduce_sum3A_406 : f32 to vector<1x32xf32>
      %select_n3A_408 = arith.select %eq3A_400, %broadcast_in_dim3A_407, %select_n3A_397 : vector<1x32xi1>, vector<1x32xf32>
      %eq3A_409 = arith.constant 9 : i32
      %eq3A_410 = vector.broadcast %eq3A_409 : i32 to vector<1x32xi32>
      %eq3A_411 = arith.cmpi eq, %iota3A, %eq3A_410 : vector<1x32xi32>
      %slice3A_412 = vector.extract_strided_slice %get3A_310 {offsets = [9, 0], sizes = [1, 128], strides = [1, 1]} : vector<32x128xf32> to vector<1x128xf32>
      %reduce_sum3A_413 = vector.shape_cast %slice3A_412 : vector<1x128xf32> to vector<1x1x128xf32>
      %reduce_sum3A_414 = arith.constant dense<0.000000e+00> : vector<1xf32>
      %reduce_sum3A_415 = vector.multi_reduction <add>, %reduce_sum3A_413, %reduce_sum3A_414 [1, 2] : vector<1x1x128xf32> to vector<1xf32>
      %reduce_sum3A_416 = vector.shape_cast %reduce_sum3A_415 : vector<1xf32> to vector<1x1x1xf32>
      %reduce_sum3A_417 = vector.extract %reduce_sum3A_416[0, 0, 0] : f32 from vector<1x1x1xf32>
      %broadcast_in_dim3A_418 = vector.broadcast %reduce_sum3A_417 : f32 to vector<1x32xf32>
      %select_n3A_419 = arith.select %eq3A_411, %broadcast_in_dim3A_418, %select_n3A_408 : vector<1x32xi1>, vector<1x32xf32>
      %eq3A_420 = arith.constant 10 : i32
      %eq3A_421 = vector.broadcast %eq3A_420 : i32 to vector<1x32xi32>
      %eq3A_422 = arith.cmpi eq, %iota3A, %eq3A_421 : vector<1x32xi32>
      %slice3A_423 = vector.extract_strided_slice %get3A_310 {offsets = [10, 0], sizes = [1, 128], strides = [1, 1]} : vector<32x128xf32> to vector<1x128xf32>
      %reduce_sum3A_424 = vector.shape_cast %slice3A_423 : vector<1x128xf32> to vector<1x1x128xf32>
      %reduce_sum3A_425 = arith.constant dense<0.000000e+00> : vector<1xf32>
      %reduce_sum3A_426 = vector.multi_reduction <add>, %reduce_sum3A_424, %reduce_sum3A_425 [1, 2] : vector<1x1x128xf32> to vector<1xf32>
      %reduce_sum3A_427 = vector.shape_cast %reduce_sum3A_426 : vector<1xf32> to vector<1x1x1xf32>
      %reduce_sum3A_428 = vector.extract %reduce_sum3A_427[0, 0, 0] : f32 from vector<1x1x1xf32>
      %broadcast_in_dim3A_429 = vector.broadcast %reduce_sum3A_428 : f32 to vector<1x32xf32>
      %select_n3A_430 = arith.select %eq3A_422, %broadcast_in_dim3A_429, %select_n3A_419 : vector<1x32xi1>, vector<1x32xf32>
      %eq3A_431 = arith.constant 11 : i32
      %eq3A_432 = vector.broadcast %eq3A_431 : i32 to vector<1x32xi32>
      %eq3A_433 = arith.cmpi eq, %iota3A, %eq3A_432 : vector<1x32xi32>
      %slice3A_434 = vector.extract_strided_slice %get3A_310 {offsets = [11, 0], sizes = [1, 128], strides = [1, 1]} : vector<32x128xf32> to vector<1x128xf32>
      %reduce_sum3A_435 = vector.shape_cast %slice3A_434 : vector<1x128xf32> to vector<1x1x128xf32>
      %reduce_sum3A_436 = arith.constant dense<0.000000e+00> : vector<1xf32>
      %reduce_sum3A_437 = vector.multi_reduction <add>, %reduce_sum3A_435, %reduce_sum3A_436 [1, 2] : vector<1x1x128xf32> to vector<1xf32>
      %reduce_sum3A_438 = vector.shape_cast %reduce_sum3A_437 : vector<1xf32> to vector<1x1x1xf32>
      %reduce_sum3A_439 = vector.extract %reduce_sum3A_438[0, 0, 0] : f32 from vector<1x1x1xf32>
      %broadcast_in_dim3A_440 = vector.broadcast %reduce_sum3A_439 : f32 to vector<1x32xf32>
      %select_n3A_441 = arith.select %eq3A_433, %broadcast_in_dim3A_440, %select_n3A_430 : vector<1x32xi1>, vector<1x32xf32>
      %eq3A_442 = arith.constant 12 : i32
      %eq3A_443 = vector.broadcast %eq3A_442 : i32 to vector<1x32xi32>
      %eq3A_444 = arith.cmpi eq, %iota3A, %eq3A_443 : vector<1x32xi32>
      %slice3A_445 = vector.extract_strided_slice %get3A_310 {offsets = [12, 0], sizes = [1, 128], strides = [1, 1]} : vector<32x128xf32> to vector<1x128xf32>
      %reduce_sum3A_446 = vector.shape_cast %slice3A_445 : vector<1x128xf32> to vector<1x1x128xf32>
      %reduce_sum3A_447 = arith.constant dense<0.000000e+00> : vector<1xf32>
      %reduce_sum3A_448 = vector.multi_reduction <add>, %reduce_sum3A_446, %reduce_sum3A_447 [1, 2] : vector<1x1x128xf32> to vector<1xf32>
      %reduce_sum3A_449 = vector.shape_cast %reduce_sum3A_448 : vector<1xf32> to vector<1x1x1xf32>
      %reduce_sum3A_450 = vector.extract %reduce_sum3A_449[0, 0, 0] : f32 from vector<1x1x1xf32>
      %broadcast_in_dim3A_451 = vector.broadcast %reduce_sum3A_450 : f32 to vector<1x32xf32>
      %select_n3A_452 = arith.select %eq3A_444, %broadcast_in_dim3A_451, %select_n3A_441 : vector<1x32xi1>, vector<1x32xf32>
      %eq3A_453 = arith.constant 13 : i32
      %eq3A_454 = vector.broadcast %eq3A_453 : i32 to vector<1x32xi32>
      %eq3A_455 = arith.cmpi eq, %iota3A, %eq3A_454 : vector<1x32xi32>
      %slice3A_456 = vector.extract_strided_slice %get3A_310 {offsets = [13, 0], sizes = [1, 128], strides = [1, 1]} : vector<32x128xf32> to vector<1x128xf32>
      %reduce_sum3A_457 = vector.shape_cast %slice3A_456 : vector<1x128xf32> to vector<1x1x128xf32>
      %reduce_sum3A_458 = arith.constant dense<0.000000e+00> : vector<1xf32>
      %reduce_sum3A_459 = vector.multi_reduction <add>, %reduce_sum3A_457, %reduce_sum3A_458 [1, 2] : vector<1x1x128xf32> to vector<1xf32>
      %reduce_sum3A_460 = vector.shape_cast %reduce_sum3A_459 : vector<1xf32> to vector<1x1x1xf32>
      %reduce_sum3A_461 = vector.extract %reduce_sum3A_460[0, 0, 0] : f32 from vector<1x1x1xf32>
      %broadcast_in_dim3A_462 = vector.broadcast %reduce_sum3A_461 : f32 to vector<1x32xf32>
      %select_n3A_463 = arith.select %eq3A_455, %broadcast_in_dim3A_462, %select_n3A_452 : vector<1x32xi1>, vector<1x32xf32>
      %eq3A_464 = arith.constant 14 : i32
      %eq3A_465 = vector.broadcast %eq3A_464 : i32 to vector<1x32xi32>
      %eq3A_466 = arith.cmpi eq, %iota3A, %eq3A_465 : vector<1x32xi32>
      %slice3A_467 = vector.extract_strided_slice %get3A_310 {offsets = [14, 0], sizes = [1, 128], strides = [1, 1]} : vector<32x128xf32> to vector<1x128xf32>
      %reduce_sum3A_468 = vector.shape_cast %slice3A_467 : vector<1x128xf32> to vector<1x1x128xf32>
      %reduce_sum3A_469 = arith.constant dense<0.000000e+00> : vector<1xf32>
      %reduce_sum3A_470 = vector.multi_reduction <add>, %reduce_sum3A_468, %reduce_sum3A_469 [1, 2] : vector<1x1x128xf32> to vector<1xf32>
      %reduce_sum3A_471 = vector.shape_cast %reduce_sum3A_470 : vector<1xf32> to vector<1x1x1xf32>
      %reduce_sum3A_472 = vector.extract %reduce_sum3A_471[0, 0, 0] : f32 from vector<1x1x1xf32>
      %broadcast_in_dim3A_473 = vector.broadcast %reduce_sum3A_472 : f32 to vector<1x32xf32>
      %select_n3A_474 = arith.select %eq3A_466, %broadcast_in_dim3A_473, %select_n3A_463 : vector<1x32xi1>, vector<1x32xf32>
      %eq3A_475 = arith.constant 15 : i32
      %eq3A_476 = vector.broadcast %eq3A_475 : i32 to vector<1x32xi32>
      %eq3A_477 = arith.cmpi eq, %iota3A, %eq3A_476 : vector<1x32xi32>
      %slice3A_478 = vector.extract_strided_slice %get3A_310 {offsets = [15, 0], sizes = [1, 128], strides = [1, 1]} : vector<32x128xf32> to vector<1x128xf32>
      %reduce_sum3A_479 = vector.shape_cast %slice3A_478 : vector<1x128xf32> to vector<1x1x128xf32>
      %reduce_sum3A_480 = arith.constant dense<0.000000e+00> : vector<1xf32>
      %reduce_sum3A_481 = vector.multi_reduction <add>, %reduce_sum3A_479, %reduce_sum3A_480 [1, 2] : vector<1x1x128xf32> to vector<1xf32>
      %reduce_sum3A_482 = vector.shape_cast %reduce_sum3A_481 : vector<1xf32> to vector<1x1x1xf32>
      %reduce_sum3A_483 = vector.extract %reduce_sum3A_482[0, 0, 0] : f32 from vector<1x1x1xf32>
      %broadcast_in_dim3A_484 = vector.broadcast %reduce_sum3A_483 : f32 to vector<1x32xf32>
      %select_n3A_485 = arith.select %eq3A_477, %broadcast_in_dim3A_484, %select_n3A_474 : vector<1x32xi1>, vector<1x32xf32>
      %eq3A_486 = arith.constant 16 : i32
      %eq3A_487 = vector.broadcast %eq3A_486 : i32 to vector<1x32xi32>
      %eq3A_488 = arith.cmpi eq, %iota3A, %eq3A_487 : vector<1x32xi32>
      %slice3A_489 = vector.extract_strided_slice %get3A_310 {offsets = [16, 0], sizes = [1, 128], strides = [1, 1]} : vector<32x128xf32> to vector<1x128xf32>
      %reduce_sum3A_490 = vector.shape_cast %slice3A_489 : vector<1x128xf32> to vector<1x1x128xf32>
      %reduce_sum3A_491 = arith.constant dense<0.000000e+00> : vector<1xf32>
      %reduce_sum3A_492 = vector.multi_reduction <add>, %reduce_sum3A_490, %reduce_sum3A_491 [1, 2] : vector<1x1x128xf32> to vector<1xf32>
      %reduce_sum3A_493 = vector.shape_cast %reduce_sum3A_492 : vector<1xf32> to vector<1x1x1xf32>
      %reduce_sum3A_494 = vector.extract %reduce_sum3A_493[0, 0, 0] : f32 from vector<1x1x1xf32>
      %broadcast_in_dim3A_495 = vector.broadcast %reduce_sum3A_494 : f32 to vector<1x32xf32>
      %select_n3A_496 = arith.select %eq3A_488, %broadcast_in_dim3A_495, %select_n3A_485 : vector<1x32xi1>, vector<1x32xf32>
      %eq3A_497 = arith.constant 17 : i32
      %eq3A_498 = vector.broadcast %eq3A_497 : i32 to vector<1x32xi32>
      %eq3A_499 = arith.cmpi eq, %iota3A, %eq3A_498 : vector<1x32xi32>
      %slice3A_500 = vector.extract_strided_slice %get3A_310 {offsets = [17, 0], sizes = [1, 128], strides = [1, 1]} : vector<32x128xf32> to vector<1x128xf32>
      %reduce_sum3A_501 = vector.shape_cast %slice3A_500 : vector<1x128xf32> to vector<1x1x128xf32>
      %reduce_sum3A_502 = arith.constant dense<0.000000e+00> : vector<1xf32>
      %reduce_sum3A_503 = vector.multi_reduction <add>, %reduce_sum3A_501, %reduce_sum3A_502 [1, 2] : vector<1x1x128xf32> to vector<1xf32>
      %reduce_sum3A_504 = vector.shape_cast %reduce_sum3A_503 : vector<1xf32> to vector<1x1x1xf32>
      %reduce_sum3A_505 = vector.extract %reduce_sum3A_504[0, 0, 0] : f32 from vector<1x1x1xf32>
      %broadcast_in_dim3A_506 = vector.broadcast %reduce_sum3A_505 : f32 to vector<1x32xf32>
      %select_n3A_507 = arith.select %eq3A_499, %broadcast_in_dim3A_506, %select_n3A_496 : vector<1x32xi1>, vector<1x32xf32>
      %eq3A_508 = arith.constant 18 : i32
      %eq3A_509 = vector.broadcast %eq3A_508 : i32 to vector<1x32xi32>
      %eq3A_510 = arith.cmpi eq, %iota3A, %eq3A_509 : vector<1x32xi32>
      %slice3A_511 = vector.extract_strided_slice %get3A_310 {offsets = [18, 0], sizes = [1, 128], strides = [1, 1]} : vector<32x128xf32> to vector<1x128xf32>
      %reduce_sum3A_512 = vector.shape_cast %slice3A_511 : vector<1x128xf32> to vector<1x1x128xf32>
      %reduce_sum3A_513 = arith.constant dense<0.000000e+00> : vector<1xf32>
      %reduce_sum3A_514 = vector.multi_reduction <add>, %reduce_sum3A_512, %reduce_sum3A_513 [1, 2] : vector<1x1x128xf32> to vector<1xf32>
      %reduce_sum3A_515 = vector.shape_cast %reduce_sum3A_514 : vector<1xf32> to vector<1x1x1xf32>
      %reduce_sum3A_516 = vector.extract %reduce_sum3A_515[0, 0, 0] : f32 from vector<1x1x1xf32>
      %broadcast_in_dim3A_517 = vector.broadcast %reduce_sum3A_516 : f32 to vector<1x32xf32>
      %select_n3A_518 = arith.select %eq3A_510, %broadcast_in_dim3A_517, %select_n3A_507 : vector<1x32xi1>, vector<1x32xf32>
      %eq3A_519 = arith.constant 19 : i32
      %eq3A_520 = vector.broadcast %eq3A_519 : i32 to vector<1x32xi32>
      %eq3A_521 = arith.cmpi eq, %iota3A, %eq3A_520 : vector<1x32xi32>
      %slice3A_522 = vector.extract_strided_slice %get3A_310 {offsets = [19, 0], sizes = [1, 128], strides = [1, 1]} : vector<32x128xf32> to vector<1x128xf32>
      %reduce_sum3A_523 = vector.shape_cast %slice3A_522 : vector<1x128xf32> to vector<1x1x128xf32>
      %reduce_sum3A_524 = arith.constant dense<0.000000e+00> : vector<1xf32>
      %reduce_sum3A_525 = vector.multi_reduction <add>, %reduce_sum3A_523, %reduce_sum3A_524 [1, 2] : vector<1x1x128xf32> to vector<1xf32>
      %reduce_sum3A_526 = vector.shape_cast %reduce_sum3A_525 : vector<1xf32> to vector<1x1x1xf32>
      %reduce_sum3A_527 = vector.extract %reduce_sum3A_526[0, 0, 0] : f32 from vector<1x1x1xf32>
      %broadcast_in_dim3A_528 = vector.broadcast %reduce_sum3A_527 : f32 to vector<1x32xf32>
      %select_n3A_529 = arith.select %eq3A_521, %broadcast_in_dim3A_528, %select_n3A_518 : vector<1x32xi1>, vector<1x32xf32>
      %eq3A_530 = arith.constant 20 : i32
      %eq3A_531 = vector.broadcast %eq3A_530 : i32 to vector<1x32xi32>
      %eq3A_532 = arith.cmpi eq, %iota3A, %eq3A_531 : vector<1x32xi32>
      %slice3A_533 = vector.extract_strided_slice %get3A_310 {offsets = [20, 0], sizes = [1, 128], strides = [1, 1]} : vector<32x128xf32> to vector<1x128xf32>
      %reduce_sum3A_534 = vector.shape_cast %slice3A_533 : vector<1x128xf32> to vector<1x1x128xf32>
      %reduce_sum3A_535 = arith.constant dense<0.000000e+00> : vector<1xf32>
      %reduce_sum3A_536 = vector.multi_reduction <add>, %reduce_sum3A_534, %reduce_sum3A_535 [1, 2] : vector<1x1x128xf32> to vector<1xf32>
      %reduce_sum3A_537 = vector.shape_cast %reduce_sum3A_536 : vector<1xf32> to vector<1x1x1xf32>
      %reduce_sum3A_538 = vector.extract %reduce_sum3A_537[0, 0, 0] : f32 from vector<1x1x1xf32>
      %broadcast_in_dim3A_539 = vector.broadcast %reduce_sum3A_538 : f32 to vector<1x32xf32>
      %select_n3A_540 = arith.select %eq3A_532, %broadcast_in_dim3A_539, %select_n3A_529 : vector<1x32xi1>, vector<1x32xf32>
      %eq3A_541 = arith.constant 21 : i32
      %eq3A_542 = vector.broadcast %eq3A_541 : i32 to vector<1x32xi32>
      %eq3A_543 = arith.cmpi eq, %iota3A, %eq3A_542 : vector<1x32xi32>
      %slice3A_544 = vector.extract_strided_slice %get3A_310 {offsets = [21, 0], sizes = [1, 128], strides = [1, 1]} : vector<32x128xf32> to vector<1x128xf32>
      %reduce_sum3A_545 = vector.shape_cast %slice3A_544 : vector<1x128xf32> to vector<1x1x128xf32>
      %reduce_sum3A_546 = arith.constant dense<0.000000e+00> : vector<1xf32>
      %reduce_sum3A_547 = vector.multi_reduction <add>, %reduce_sum3A_545, %reduce_sum3A_546 [1, 2] : vector<1x1x128xf32> to vector<1xf32>
      %reduce_sum3A_548 = vector.shape_cast %reduce_sum3A_547 : vector<1xf32> to vector<1x1x1xf32>
      %reduce_sum3A_549 = vector.extract %reduce_sum3A_548[0, 0, 0] : f32 from vector<1x1x1xf32>
      %broadcast_in_dim3A_550 = vector.broadcast %reduce_sum3A_549 : f32 to vector<1x32xf32>
      %select_n3A_551 = arith.select %eq3A_543, %broadcast_in_dim3A_550, %select_n3A_540 : vector<1x32xi1>, vector<1x32xf32>
      %eq3A_552 = arith.constant 22 : i32
      %eq3A_553 = vector.broadcast %eq3A_552 : i32 to vector<1x32xi32>
      %eq3A_554 = arith.cmpi eq, %iota3A, %eq3A_553 : vector<1x32xi32>
      %slice3A_555 = vector.extract_strided_slice %get3A_310 {offsets = [22, 0], sizes = [1, 128], strides = [1, 1]} : vector<32x128xf32> to vector<1x128xf32>
      %reduce_sum3A_556 = vector.shape_cast %slice3A_555 : vector<1x128xf32> to vector<1x1x128xf32>
      %reduce_sum3A_557 = arith.constant dense<0.000000e+00> : vector<1xf32>
      %reduce_sum3A_558 = vector.multi_reduction <add>, %reduce_sum3A_556, %reduce_sum3A_557 [1, 2] : vector<1x1x128xf32> to vector<1xf32>
      %reduce_sum3A_559 = vector.shape_cast %reduce_sum3A_558 : vector<1xf32> to vector<1x1x1xf32>
      %reduce_sum3A_560 = vector.extract %reduce_sum3A_559[0, 0, 0] : f32 from vector<1x1x1xf32>
      %broadcast_in_dim3A_561 = vector.broadcast %reduce_sum3A_560 : f32 to vector<1x32xf32>
      %select_n3A_562 = arith.select %eq3A_554, %broadcast_in_dim3A_561, %select_n3A_551 : vector<1x32xi1>, vector<1x32xf32>
      %eq3A_563 = arith.constant 23 : i32
      %eq3A_564 = vector.broadcast %eq3A_563 : i32 to vector<1x32xi32>
      %eq3A_565 = arith.cmpi eq, %iota3A, %eq3A_564 : vector<1x32xi32>
      %slice3A_566 = vector.extract_strided_slice %get3A_310 {offsets = [23, 0], sizes = [1, 128], strides = [1, 1]} : vector<32x128xf32> to vector<1x128xf32>
      %reduce_sum3A_567 = vector.shape_cast %slice3A_566 : vector<1x128xf32> to vector<1x1x128xf32>
      %reduce_sum3A_568 = arith.constant dense<0.000000e+00> : vector<1xf32>
      %reduce_sum3A_569 = vector.multi_reduction <add>, %reduce_sum3A_567, %reduce_sum3A_568 [1, 2] : vector<1x1x128xf32> to vector<1xf32>
      %reduce_sum3A_570 = vector.shape_cast %reduce_sum3A_569 : vector<1xf32> to vector<1x1x1xf32>
      %reduce_sum3A_571 = vector.extract %reduce_sum3A_570[0, 0, 0] : f32 from vector<1x1x1xf32>
      %broadcast_in_dim3A_572 = vector.broadcast %reduce_sum3A_571 : f32 to vector<1x32xf32>
      %select_n3A_573 = arith.select %eq3A_565, %broadcast_in_dim3A_572, %select_n3A_562 : vector<1x32xi1>, vector<1x32xf32>
      %eq3A_574 = arith.constant 24 : i32
      %eq3A_575 = vector.broadcast %eq3A_574 : i32 to vector<1x32xi32>
      %eq3A_576 = arith.cmpi eq, %iota3A, %eq3A_575 : vector<1x32xi32>
      %slice3A_577 = vector.extract_strided_slice %get3A_310 {offsets = [24, 0], sizes = [1, 128], strides = [1, 1]} : vector<32x128xf32> to vector<1x128xf32>
      %reduce_sum3A_578 = vector.shape_cast %slice3A_577 : vector<1x128xf32> to vector<1x1x128xf32>
      %reduce_sum3A_579 = arith.constant dense<0.000000e+00> : vector<1xf32>
      %reduce_sum3A_580 = vector.multi_reduction <add>, %reduce_sum3A_578, %reduce_sum3A_579 [1, 2] : vector<1x1x128xf32> to vector<1xf32>
      %reduce_sum3A_581 = vector.shape_cast %reduce_sum3A_580 : vector<1xf32> to vector<1x1x1xf32>
      %reduce_sum3A_582 = vector.extract %reduce_sum3A_581[0, 0, 0] : f32 from vector<1x1x1xf32>
      %broadcast_in_dim3A_583 = vector.broadcast %reduce_sum3A_582 : f32 to vector<1x32xf32>
      %select_n3A_584 = arith.select %eq3A_576, %broadcast_in_dim3A_583, %select_n3A_573 : vector<1x32xi1>, vector<1x32xf32>
      %eq3A_585 = arith.constant 25 : i32
      %eq3A_586 = vector.broadcast %eq3A_585 : i32 to vector<1x32xi32>
      %eq3A_587 = arith.cmpi eq, %iota3A, %eq3A_586 : vector<1x32xi32>
      %slice3A_588 = vector.extract_strided_slice %get3A_310 {offsets = [25, 0], sizes = [1, 128], strides = [1, 1]} : vector<32x128xf32> to vector<1x128xf32>
      %reduce_sum3A_589 = vector.shape_cast %slice3A_588 : vector<1x128xf32> to vector<1x1x128xf32>
      %reduce_sum3A_590 = arith.constant dense<0.000000e+00> : vector<1xf32>
      %reduce_sum3A_591 = vector.multi_reduction <add>, %reduce_sum3A_589, %reduce_sum3A_590 [1, 2] : vector<1x1x128xf32> to vector<1xf32>
      %reduce_sum3A_592 = vector.shape_cast %reduce_sum3A_591 : vector<1xf32> to vector<1x1x1xf32>
      %reduce_sum3A_593 = vector.extract %reduce_sum3A_592[0, 0, 0] : f32 from vector<1x1x1xf32>
      %broadcast_in_dim3A_594 = vector.broadcast %reduce_sum3A_593 : f32 to vector<1x32xf32>
      %select_n3A_595 = arith.select %eq3A_587, %broadcast_in_dim3A_594, %select_n3A_584 : vector<1x32xi1>, vector<1x32xf32>
      %eq3A_596 = arith.constant 26 : i32
      %eq3A_597 = vector.broadcast %eq3A_596 : i32 to vector<1x32xi32>
      %eq3A_598 = arith.cmpi eq, %iota3A, %eq3A_597 : vector<1x32xi32>
      %slice3A_599 = vector.extract_strided_slice %get3A_310 {offsets = [26, 0], sizes = [1, 128], strides = [1, 1]} : vector<32x128xf32> to vector<1x128xf32>
      %reduce_sum3A_600 = vector.shape_cast %slice3A_599 : vector<1x128xf32> to vector<1x1x128xf32>
      %reduce_sum3A_601 = arith.constant dense<0.000000e+00> : vector<1xf32>
      %reduce_sum3A_602 = vector.multi_reduction <add>, %reduce_sum3A_600, %reduce_sum3A_601 [1, 2] : vector<1x1x128xf32> to vector<1xf32>
      %reduce_sum3A_603 = vector.shape_cast %reduce_sum3A_602 : vector<1xf32> to vector<1x1x1xf32>
      %reduce_sum3A_604 = vector.extract %reduce_sum3A_603[0, 0, 0] : f32 from vector<1x1x1xf32>
      %broadcast_in_dim3A_605 = vector.broadcast %reduce_sum3A_604 : f32 to vector<1x32xf32>
      %select_n3A_606 = arith.select %eq3A_598, %broadcast_in_dim3A_605, %select_n3A_595 : vector<1x32xi1>, vector<1x32xf32>
      %eq3A_607 = arith.constant 27 : i32
      %eq3A_608 = vector.broadcast %eq3A_607 : i32 to vector<1x32xi32>
      %eq3A_609 = arith.cmpi eq, %iota3A, %eq3A_608 : vector<1x32xi32>
      %slice3A_610 = vector.extract_strided_slice %get3A_310 {offsets = [27, 0], sizes = [1, 128], strides = [1, 1]} : vector<32x128xf32> to vector<1x128xf32>
      %reduce_sum3A_611 = vector.shape_cast %slice3A_610 : vector<1x128xf32> to vector<1x1x128xf32>
      %reduce_sum3A_612 = arith.constant dense<0.000000e+00> : vector<1xf32>
      %reduce_sum3A_613 = vector.multi_reduction <add>, %reduce_sum3A_611, %reduce_sum3A_612 [1, 2] : vector<1x1x128xf32> to vector<1xf32>
      %reduce_sum3A_614 = vector.shape_cast %reduce_sum3A_613 : vector<1xf32> to vector<1x1x1xf32>
      %reduce_sum3A_615 = vector.extract %reduce_sum3A_614[0, 0, 0] : f32 from vector<1x1x1xf32>
      %broadcast_in_dim3A_616 = vector.broadcast %reduce_sum3A_615 : f32 to vector<1x32xf32>
      %select_n3A_617 = arith.select %eq3A_609, %broadcast_in_dim3A_616, %select_n3A_606 : vector<1x32xi1>, vector<1x32xf32>
      %eq3A_618 = arith.constant 28 : i32
      %eq3A_619 = vector.broadcast %eq3A_618 : i32 to vector<1x32xi32>
      %eq3A_620 = arith.cmpi eq, %iota3A, %eq3A_619 : vector<1x32xi32>
      %slice3A_621 = vector.extract_strided_slice %get3A_310 {offsets = [28, 0], sizes = [1, 128], strides = [1, 1]} : vector<32x128xf32> to vector<1x128xf32>
      %reduce_sum3A_622 = vector.shape_cast %slice3A_621 : vector<1x128xf32> to vector<1x1x128xf32>
      %reduce_sum3A_623 = arith.constant dense<0.000000e+00> : vector<1xf32>
      %reduce_sum3A_624 = vector.multi_reduction <add>, %reduce_sum3A_622, %reduce_sum3A_623 [1, 2] : vector<1x1x128xf32> to vector<1xf32>
      %reduce_sum3A_625 = vector.shape_cast %reduce_sum3A_624 : vector<1xf32> to vector<1x1x1xf32>
      %reduce_sum3A_626 = vector.extract %reduce_sum3A_625[0, 0, 0] : f32 from vector<1x1x1xf32>
      %broadcast_in_dim3A_627 = vector.broadcast %reduce_sum3A_626 : f32 to vector<1x32xf32>
      %select_n3A_628 = arith.select %eq3A_620, %broadcast_in_dim3A_627, %select_n3A_617 : vector<1x32xi1>, vector<1x32xf32>
      %eq3A_629 = arith.constant 29 : i32
      %eq3A_630 = vector.broadcast %eq3A_629 : i32 to vector<1x32xi32>
      %eq3A_631 = arith.cmpi eq, %iota3A, %eq3A_630 : vector<1x32xi32>
      %slice3A_632 = vector.extract_strided_slice %get3A_310 {offsets = [29, 0], sizes = [1, 128], strides = [1, 1]} : vector<32x128xf32> to vector<1x128xf32>
      %reduce_sum3A_633 = vector.shape_cast %slice3A_632 : vector<1x128xf32> to vector<1x1x128xf32>
      %reduce_sum3A_634 = arith.constant dense<0.000000e+00> : vector<1xf32>
      %reduce_sum3A_635 = vector.multi_reduction <add>, %reduce_sum3A_633, %reduce_sum3A_634 [1, 2] : vector<1x1x128xf32> to vector<1xf32>
      %reduce_sum3A_636 = vector.shape_cast %reduce_sum3A_635 : vector<1xf32> to vector<1x1x1xf32>
      %reduce_sum3A_637 = vector.extract %reduce_sum3A_636[0, 0, 0] : f32 from vector<1x1x1xf32>
      %broadcast_in_dim3A_638 = vector.broadcast %reduce_sum3A_637 : f32 to vector<1x32xf32>
      %select_n3A_639 = arith.select %eq3A_631, %broadcast_in_dim3A_638, %select_n3A_628 : vector<1x32xi1>, vector<1x32xf32>
      %eq3A_640 = arith.constant 30 : i32
      %eq3A_641 = vector.broadcast %eq3A_640 : i32 to vector<1x32xi32>
      %eq3A_642 = arith.cmpi eq, %iota3A, %eq3A_641 : vector<1x32xi32>
      %slice3A_643 = vector.extract_strided_slice %get3A_310 {offsets = [30, 0], sizes = [1, 128], strides = [1, 1]} : vector<32x128xf32> to vector<1x128xf32>
      %reduce_sum3A_644 = vector.shape_cast %slice3A_643 : vector<1x128xf32> to vector<1x1x128xf32>
      %reduce_sum3A_645 = arith.constant dense<0.000000e+00> : vector<1xf32>
      %reduce_sum3A_646 = vector.multi_reduction <add>, %reduce_sum3A_644, %reduce_sum3A_645 [1, 2] : vector<1x1x128xf32> to vector<1xf32>
      %reduce_sum3A_647 = vector.shape_cast %reduce_sum3A_646 : vector<1xf32> to vector<1x1x1xf32>
      %reduce_sum3A_648 = vector.extract %reduce_sum3A_647[0, 0, 0] : f32 from vector<1x1x1xf32>
      %broadcast_in_dim3A_649 = vector.broadcast %reduce_sum3A_648 : f32 to vector<1x32xf32>
      %select_n3A_650 = arith.select %eq3A_642, %broadcast_in_dim3A_649, %select_n3A_639 : vector<1x32xi1>, vector<1x32xf32>
      %eq3A_651 = arith.constant 31 : i32
      %eq3A_652 = vector.broadcast %eq3A_651 : i32 to vector<1x32xi32>
      %eq3A_653 = arith.cmpi eq, %iota3A, %eq3A_652 : vector<1x32xi32>
      %slice3A_654 = vector.extract_strided_slice %get3A_310 {offsets = [31, 0], sizes = [1, 128], strides = [1, 1]} : vector<32x128xf32> to vector<1x128xf32>
      %reduce_sum3A_655 = vector.shape_cast %slice3A_654 : vector<1x128xf32> to vector<1x1x128xf32>
      %reduce_sum3A_656 = arith.constant dense<0.000000e+00> : vector<1xf32>
      %reduce_sum3A_657 = vector.multi_reduction <add>, %reduce_sum3A_655, %reduce_sum3A_656 [1, 2] : vector<1x1x128xf32> to vector<1xf32>
      %reduce_sum3A_658 = vector.shape_cast %reduce_sum3A_657 : vector<1xf32> to vector<1x1x1xf32>
      %reduce_sum3A_659 = vector.extract %reduce_sum3A_658[0, 0, 0] : f32 from vector<1x1x1xf32>
      %broadcast_in_dim3A_660 = vector.broadcast %reduce_sum3A_659 : f32 to vector<1x32xf32>
      %select_n3A_661 = arith.select %eq3A_653, %broadcast_in_dim3A_660, %select_n3A_650 : vector<1x32xi1>, vector<1x32xf32>
      %swap3A_662 = arith.constant 0 : index
      %swap3A_663 = arith.constant 0 : index
      %swap3A_664 = vector.load %arg4[%swap3A_662, %swap3A_663] : memref<1x32xf32, #tpu.memory_space<vmem>>, vector<1x32xf32>
      tpu.vector_store %arg4[%swap3A_662, %swap3A_663], %select_n3A_661 {strides = array<i32>} : memref<1x32xf32, #tpu.memory_space<vmem>>, vector<1x32xf32>,
    } else {
    }
    return
  }
  func.func @transform_0(%arg0: i32) -> (i32, i32) {
    %c0_i32 = arith.constant 0 : i32
    %c0_i32_0 = arith.constant 0 : i32
    return %arg0, %c0_i32 : i32, i32
  }
  func.func @transform_1(%arg0: i32) -> (i32, i32) {
    %c0_i32 = arith.constant 0 : i32
    %c0_i32_0 = arith.constant 0 : i32
    return %arg0, %c0_i32 : i32, i32
  }
  func.func @transform_2(%arg0: i32) -> (i32, i32) {
    %c0_i32 = arith.constant 0 : i32
    %c0_i32_0 = arith.constant 0 : i32
    return %arg0, %c0_i32 : i32, i32
  }
  func.func @transform_3(%arg0: i32) -> (i32, i32) {
    %c0_i32 = arith.constant 0 : i32
    %c0_i32_0 = arith.constant 0 : i32
    %c0_i32_1 = arith.constant 0 : i32
    return %c0_i32, %c0_i32_0 : i32, i32
  }
}

module attributes {stable_mosaic.version = 14 : i64} {
  func.func @_finalize_body(%arg0: memref<32x16xf32, #tpu.memory_space<vmem>>, %arg1: memref<1x32xf32, #tpu.memory_space<vmem>>, %arg2: memref<1x1xf32, #tpu.memory_space<vmem>>, %arg3: memref<1x8xf32, #tpu.memory_space<vmem>>) attributes {dimension_semantics = [], scalar_prefetch = 0 : i64, scratch_operands = 0 : i64, tpu.core_type = #tpu.core_type<tc>} {
    %get3A = arith.constant 0 : index
    %get3A_0 = arith.constant 0 : index
    %get3A_1 = vector.load %arg0[%get3A, %get3A_0] : memref<32x16xf32, #tpu.memory_space<vmem>>, vector<32x16xf32>
    %reduce_sum3A = arith.constant dense<0.000000e+00> : vector<16xf32>
    %reduce_sum3A_2 = vector.multi_reduction <add>, %get3A_1, %reduce_sum3A [0] : vector<32x16xf32> to vector<16xf32>
    %broadcast_in_dim3A = vector.shape_cast %reduce_sum3A_2 : vector<16xf32> to vector<1x16xf32>
    %get3A_3 = arith.constant 0 : index
    %get3A_4 = arith.constant 16 : index
    %get3A_5 = vector.load %arg1[%get3A_3, %get3A_4] : memref<1x32xf32, #tpu.memory_space<vmem>>, vector<1x16xf32>
    %get3A_6 = arith.constant 0 : index
    %get3A_7 = arith.constant 0 : index
    %get3A_8 = vector.load %arg1[%get3A_6, %get3A_7] : memref<1x32xf32, #tpu.memory_space<vmem>>, vector<1x1xf32>
    %get3A_9 = vector.extract %get3A_8[0, 0] : f32 from vector<1x1xf32>
    %get3A_10 = arith.constant 0 : index
    %get3A_11 = arith.constant 1 : index
    %get3A_12 = vector.load %arg1[%get3A_10, %get3A_11] : memref<1x32xf32, #tpu.memory_space<vmem>>, vector<1x1xf32>
    %get3A_13 = vector.extract %get3A_12[0, 0] : f32 from vector<1x1xf32>
    %get3A_14 = arith.constant 0 : index
    %get3A_15 = arith.constant 0 : index
    %get3A_16 = vector.load %arg2[%get3A_14, %get3A_15] : memref<1x1xf32, #tpu.memory_space<vmem>>, vector<1x1xf32>
    %get3A_17 = vector.extract %get3A_16[0, 0] : f32 from vector<1x1xf32>
    %sub3A = arith.subf %get3A_5, %broadcast_in_dim3A : vector<1x16xf32>
    %max3A = arith.constant 1.000000e+00 : f32
    %max3A_18 = vector.broadcast %max3A : f32 to vector<1x16xf32>
    %max3A_19 = arith.maximumf %get3A_5, %max3A_18 : vector<1x16xf32>
    %div3A = arith.divf %sub3A, %max3A_19 : vector<1x16xf32>
    %iota3A = tpu.iota {dimensions = array<i32: 1>} : vector<1x16xi32>
    %broadcast_in_dim3A_20 = arith.constant 0 : i32
    %broadcast_in_dim3A_21 = vector.broadcast %broadcast_in_dim3A_20 : i32 to vector<1x16xi32>
    %eq3A = arith.constant 0 : i32
    %eq3A_22 = vector.broadcast %eq3A : i32 to vector<1x16xi32>
    %eq3A_23 = arith.cmpi eq, %iota3A, %eq3A_22 : vector<1x16xi32>
    %jit3A = arith.constant 0.000000e+00 : f32
    %broadcast_in_dim3A_24 = vector.broadcast %jit3A : f32 to vector<1x16xf32>
    %select_n3A = arith.select %eq3A_23, %div3A, %broadcast_in_dim3A_24 : vector<1x16xi1>, vector<1x16xf32>
    %reduce_sum3A_25 = vector.shape_cast %select_n3A : vector<1x16xf32> to vector<1x1x16xf32>
    %reduce_sum3A_26 = arith.constant dense<0.000000e+00> : vector<1xf32>
    %reduce_sum3A_27 = vector.multi_reduction <add>, %reduce_sum3A_25, %reduce_sum3A_26 [1, 2] : vector<1x1x16xf32> to vector<1xf32>
    %reduce_sum3A_28 = vector.shape_cast %reduce_sum3A_27 : vector<1xf32> to vector<1x1x1xf32>
    %reduce_sum3A_29 = vector.extract %reduce_sum3A_28[0, 0, 0] : f32 from vector<1x1x1xf32>
    %gt3A = vector.broadcast %reduce_sum3A_29 : f32 to vector<1x16xf32>
    %gt3A_30 = arith.cmpf ogt, %gt3A, %div3A : vector<1x16xf32>
    %eq3A_31 = vector.broadcast %reduce_sum3A_29 : f32 to vector<1x16xf32>
    %eq3A_32 = arith.cmpf oeq, %eq3A_31, %div3A : vector<1x16xf32>
    %gt3A_33 = arith.constant 0 : i32
    %gt3A_34 = vector.broadcast %gt3A_33 : i32 to vector<1x16xi32>
    %gt3A_35 = arith.cmpi sgt, %iota3A, %gt3A_34 : vector<1x16xi32>
    %and3A = arith.andi %eq3A_32, %gt3A_35 : vector<1x16xi1>
    %or3A = arith.ori %gt3A_30, %and3A : vector<1x16xi1>
    %convert_element_type3A = arith.extui %or3A : vector<1x16xi1> to vector<1x16xi32>
    %add3A = arith.addi %broadcast_in_dim3A_21, %convert_element_type3A : vector<1x16xi32>
    %eq3A_36 = arith.constant 1 : i32
    %eq3A_37 = vector.broadcast %eq3A_36 : i32 to vector<1x16xi32>
    %eq3A_38 = arith.cmpi eq, %iota3A, %eq3A_37 : vector<1x16xi32>
    %jit3A_39 = arith.constant 0.000000e+00 : f32
    %broadcast_in_dim3A_40 = vector.broadcast %jit3A_39 : f32 to vector<1x16xf32>
    %select_n3A_41 = arith.select %eq3A_38, %div3A, %broadcast_in_dim3A_40 : vector<1x16xi1>, vector<1x16xf32>
    %reduce_sum3A_42 = vector.shape_cast %select_n3A_41 : vector<1x16xf32> to vector<1x1x16xf32>
    %reduce_sum3A_43 = arith.constant dense<0.000000e+00> : vector<1xf32>
    %reduce_sum3A_44 = vector.multi_reduction <add>, %reduce_sum3A_42, %reduce_sum3A_43 [1, 2] : vector<1x1x16xf32> to vector<1xf32>
    %reduce_sum3A_45 = vector.shape_cast %reduce_sum3A_44 : vector<1xf32> to vector<1x1x1xf32>
    %reduce_sum3A_46 = vector.extract %reduce_sum3A_45[0, 0, 0] : f32 from vector<1x1x1xf32>
    %gt3A_47 = vector.broadcast %reduce_sum3A_46 : f32 to vector<1x16xf32>
    %gt3A_48 = arith.cmpf ogt, %gt3A_47, %div3A : vector<1x16xf32>
    %eq3A_49 = vector.broadcast %reduce_sum3A_46 : f32 to vector<1x16xf32>
    %eq3A_50 = arith.cmpf oeq, %eq3A_49, %div3A : vector<1x16xf32>
    %gt3A_51 = arith.constant 1 : i32
    %gt3A_52 = vector.broadcast %gt3A_51 : i32 to vector<1x16xi32>
    %gt3A_53 = arith.cmpi sgt, %iota3A, %gt3A_52 : vector<1x16xi32>
    %and3A_54 = arith.andi %eq3A_50, %gt3A_53 : vector<1x16xi1>
    %or3A_55 = arith.ori %gt3A_48, %and3A_54 : vector<1x16xi1>
    %convert_element_type3A_56 = arith.extui %or3A_55 : vector<1x16xi1> to vector<1x16xi32>
    %add3A_57 = arith.addi %add3A, %convert_element_type3A_56 : vector<1x16xi32>
    %eq3A_58 = arith.constant 2 : i32
    %eq3A_59 = vector.broadcast %eq3A_58 : i32 to vector<1x16xi32>
    %eq3A_60 = arith.cmpi eq, %iota3A, %eq3A_59 : vector<1x16xi32>
    %jit3A_61 = arith.constant 0.000000e+00 : f32
    %broadcast_in_dim3A_62 = vector.broadcast %jit3A_61 : f32 to vector<1x16xf32>
    %select_n3A_63 = arith.select %eq3A_60, %div3A, %broadcast_in_dim3A_62 : vector<1x16xi1>, vector<1x16xf32>
    %reduce_sum3A_64 = vector.shape_cast %select_n3A_63 : vector<1x16xf32> to vector<1x1x16xf32>
    %reduce_sum3A_65 = arith.constant dense<0.000000e+00> : vector<1xf32>
    %reduce_sum3A_66 = vector.multi_reduction <add>, %reduce_sum3A_64, %reduce_sum3A_65 [1, 2] : vector<1x1x16xf32> to vector<1xf32>
    %reduce_sum3A_67 = vector.shape_cast %reduce_sum3A_66 : vector<1xf32> to vector<1x1x1xf32>
    %reduce_sum3A_68 = vector.extract %reduce_sum3A_67[0, 0, 0] : f32 from vector<1x1x1xf32>
    %gt3A_69 = vector.broadcast %reduce_sum3A_68 : f32 to vector<1x16xf32>
    %gt3A_70 = arith.cmpf ogt, %gt3A_69, %div3A : vector<1x16xf32>
    %eq3A_71 = vector.broadcast %reduce_sum3A_68 : f32 to vector<1x16xf32>
    %eq3A_72 = arith.cmpf oeq, %eq3A_71, %div3A : vector<1x16xf32>
    %gt3A_73 = arith.constant 2 : i32
    %gt3A_74 = vector.broadcast %gt3A_73 : i32 to vector<1x16xi32>
    %gt3A_75 = arith.cmpi sgt, %iota3A, %gt3A_74 : vector<1x16xi32>
    %and3A_76 = arith.andi %eq3A_72, %gt3A_75 : vector<1x16xi1>
    %or3A_77 = arith.ori %gt3A_70, %and3A_76 : vector<1x16xi1>
    %convert_element_type3A_78 = arith.extui %or3A_77 : vector<1x16xi1> to vector<1x16xi32>
    %add3A_79 = arith.addi %add3A_57, %convert_element_type3A_78 : vector<1x16xi32>
    %eq3A_80 = arith.constant 3 : i32
    %eq3A_81 = vector.broadcast %eq3A_80 : i32 to vector<1x16xi32>
    %eq3A_82 = arith.cmpi eq, %iota3A, %eq3A_81 : vector<1x16xi32>
    %jit3A_83 = arith.constant 0.000000e+00 : f32
    %broadcast_in_dim3A_84 = vector.broadcast %jit3A_83 : f32 to vector<1x16xf32>
    %select_n3A_85 = arith.select %eq3A_82, %div3A, %broadcast_in_dim3A_84 : vector<1x16xi1>, vector<1x16xf32>
    %reduce_sum3A_86 = vector.shape_cast %select_n3A_85 : vector<1x16xf32> to vector<1x1x16xf32>
    %reduce_sum3A_87 = arith.constant dense<0.000000e+00> : vector<1xf32>
    %reduce_sum3A_88 = vector.multi_reduction <add>, %reduce_sum3A_86, %reduce_sum3A_87 [1, 2] : vector<1x1x16xf32> to vector<1xf32>
    %reduce_sum3A_89 = vector.shape_cast %reduce_sum3A_88 : vector<1xf32> to vector<1x1x1xf32>
    %reduce_sum3A_90 = vector.extract %reduce_sum3A_89[0, 0, 0] : f32 from vector<1x1x1xf32>
    %gt3A_91 = vector.broadcast %reduce_sum3A_90 : f32 to vector<1x16xf32>
    %gt3A_92 = arith.cmpf ogt, %gt3A_91, %div3A : vector<1x16xf32>
    %eq3A_93 = vector.broadcast %reduce_sum3A_90 : f32 to vector<1x16xf32>
    %eq3A_94 = arith.cmpf oeq, %eq3A_93, %div3A : vector<1x16xf32>
    %gt3A_95 = arith.constant 3 : i32
    %gt3A_96 = vector.broadcast %gt3A_95 : i32 to vector<1x16xi32>
    %gt3A_97 = arith.cmpi sgt, %iota3A, %gt3A_96 : vector<1x16xi32>
    %and3A_98 = arith.andi %eq3A_94, %gt3A_97 : vector<1x16xi1>
    %or3A_99 = arith.ori %gt3A_92, %and3A_98 : vector<1x16xi1>
    %convert_element_type3A_100 = arith.extui %or3A_99 : vector<1x16xi1> to vector<1x16xi32>
    %add3A_101 = arith.addi %add3A_79, %convert_element_type3A_100 : vector<1x16xi32>
    %eq3A_102 = arith.constant 4 : i32
    %eq3A_103 = vector.broadcast %eq3A_102 : i32 to vector<1x16xi32>
    %eq3A_104 = arith.cmpi eq, %iota3A, %eq3A_103 : vector<1x16xi32>
    %jit3A_105 = arith.constant 0.000000e+00 : f32
    %broadcast_in_dim3A_106 = vector.broadcast %jit3A_105 : f32 to vector<1x16xf32>
    %select_n3A_107 = arith.select %eq3A_104, %div3A, %broadcast_in_dim3A_106 : vector<1x16xi1>, vector<1x16xf32>
    %reduce_sum3A_108 = vector.shape_cast %select_n3A_107 : vector<1x16xf32> to vector<1x1x16xf32>
    %reduce_sum3A_109 = arith.constant dense<0.000000e+00> : vector<1xf32>
    %reduce_sum3A_110 = vector.multi_reduction <add>, %reduce_sum3A_108, %reduce_sum3A_109 [1, 2] : vector<1x1x16xf32> to vector<1xf32>
    %reduce_sum3A_111 = vector.shape_cast %reduce_sum3A_110 : vector<1xf32> to vector<1x1x1xf32>
    %reduce_sum3A_112 = vector.extract %reduce_sum3A_111[0, 0, 0] : f32 from vector<1x1x1xf32>
    %gt3A_113 = vector.broadcast %reduce_sum3A_112 : f32 to vector<1x16xf32>
    %gt3A_114 = arith.cmpf ogt, %gt3A_113, %div3A : vector<1x16xf32>
    %eq3A_115 = vector.broadcast %reduce_sum3A_112 : f32 to vector<1x16xf32>
    %eq3A_116 = arith.cmpf oeq, %eq3A_115, %div3A : vector<1x16xf32>
    %gt3A_117 = arith.constant 4 : i32
    %gt3A_118 = vector.broadcast %gt3A_117 : i32 to vector<1x16xi32>
    %gt3A_119 = arith.cmpi sgt, %iota3A, %gt3A_118 : vector<1x16xi32>
    %and3A_120 = arith.andi %eq3A_116, %gt3A_119 : vector<1x16xi1>
    %or3A_121 = arith.ori %gt3A_114, %and3A_120 : vector<1x16xi1>
    %convert_element_type3A_122 = arith.extui %or3A_121 : vector<1x16xi1> to vector<1x16xi32>
    %add3A_123 = arith.addi %add3A_101, %convert_element_type3A_122 : vector<1x16xi32>
    %eq3A_124 = arith.constant 5 : i32
    %eq3A_125 = vector.broadcast %eq3A_124 : i32 to vector<1x16xi32>
    %eq3A_126 = arith.cmpi eq, %iota3A, %eq3A_125 : vector<1x16xi32>
    %jit3A_127 = arith.constant 0.000000e+00 : f32
    %broadcast_in_dim3A_128 = vector.broadcast %jit3A_127 : f32 to vector<1x16xf32>
    %select_n3A_129 = arith.select %eq3A_126, %div3A, %broadcast_in_dim3A_128 : vector<1x16xi1>, vector<1x16xf32>
    %reduce_sum3A_130 = vector.shape_cast %select_n3A_129 : vector<1x16xf32> to vector<1x1x16xf32>
    %reduce_sum3A_131 = arith.constant dense<0.000000e+00> : vector<1xf32>
    %reduce_sum3A_132 = vector.multi_reduction <add>, %reduce_sum3A_130, %reduce_sum3A_131 [1, 2] : vector<1x1x16xf32> to vector<1xf32>
    %reduce_sum3A_133 = vector.shape_cast %reduce_sum3A_132 : vector<1xf32> to vector<1x1x1xf32>
    %reduce_sum3A_134 = vector.extract %reduce_sum3A_133[0, 0, 0] : f32 from vector<1x1x1xf32>
    %gt3A_135 = vector.broadcast %reduce_sum3A_134 : f32 to vector<1x16xf32>
    %gt3A_136 = arith.cmpf ogt, %gt3A_135, %div3A : vector<1x16xf32>
    %eq3A_137 = vector.broadcast %reduce_sum3A_134 : f32 to vector<1x16xf32>
    %eq3A_138 = arith.cmpf oeq, %eq3A_137, %div3A : vector<1x16xf32>
    %gt3A_139 = arith.constant 5 : i32
    %gt3A_140 = vector.broadcast %gt3A_139 : i32 to vector<1x16xi32>
    %gt3A_141 = arith.cmpi sgt, %iota3A, %gt3A_140 : vector<1x16xi32>
    %and3A_142 = arith.andi %eq3A_138, %gt3A_141 : vector<1x16xi1>
    %or3A_143 = arith.ori %gt3A_136, %and3A_142 : vector<1x16xi1>
    %convert_element_type3A_144 = arith.extui %or3A_143 : vector<1x16xi1> to vector<1x16xi32>
    %add3A_145 = arith.addi %add3A_123, %convert_element_type3A_144 : vector<1x16xi32>
    %eq3A_146 = arith.constant 6 : i32
    %eq3A_147 = vector.broadcast %eq3A_146 : i32 to vector<1x16xi32>
    %eq3A_148 = arith.cmpi eq, %iota3A, %eq3A_147 : vector<1x16xi32>
    %jit3A_149 = arith.constant 0.000000e+00 : f32
    %broadcast_in_dim3A_150 = vector.broadcast %jit3A_149 : f32 to vector<1x16xf32>
    %select_n3A_151 = arith.select %eq3A_148, %div3A, %broadcast_in_dim3A_150 : vector<1x16xi1>, vector<1x16xf32>
    %reduce_sum3A_152 = vector.shape_cast %select_n3A_151 : vector<1x16xf32> to vector<1x1x16xf32>
    %reduce_sum3A_153 = arith.constant dense<0.000000e+00> : vector<1xf32>
    %reduce_sum3A_154 = vector.multi_reduction <add>, %reduce_sum3A_152, %reduce_sum3A_153 [1, 2] : vector<1x1x16xf32> to vector<1xf32>
    %reduce_sum3A_155 = vector.shape_cast %reduce_sum3A_154 : vector<1xf32> to vector<1x1x1xf32>
    %reduce_sum3A_156 = vector.extract %reduce_sum3A_155[0, 0, 0] : f32 from vector<1x1x1xf32>
    %gt3A_157 = vector.broadcast %reduce_sum3A_156 : f32 to vector<1x16xf32>
    %gt3A_158 = arith.cmpf ogt, %gt3A_157, %div3A : vector<1x16xf32>
    %eq3A_159 = vector.broadcast %reduce_sum3A_156 : f32 to vector<1x16xf32>
    %eq3A_160 = arith.cmpf oeq, %eq3A_159, %div3A : vector<1x16xf32>
    %gt3A_161 = arith.constant 6 : i32
    %gt3A_162 = vector.broadcast %gt3A_161 : i32 to vector<1x16xi32>
    %gt3A_163 = arith.cmpi sgt, %iota3A, %gt3A_162 : vector<1x16xi32>
    %and3A_164 = arith.andi %eq3A_160, %gt3A_163 : vector<1x16xi1>
    %or3A_165 = arith.ori %gt3A_158, %and3A_164 : vector<1x16xi1>
    %convert_element_type3A_166 = arith.extui %or3A_165 : vector<1x16xi1> to vector<1x16xi32>
    %add3A_167 = arith.addi %add3A_145, %convert_element_type3A_166 : vector<1x16xi32>
    %eq3A_168 = arith.constant 7 : i32
    %eq3A_169 = vector.broadcast %eq3A_168 : i32 to vector<1x16xi32>
    %eq3A_170 = arith.cmpi eq, %iota3A, %eq3A_169 : vector<1x16xi32>
    %jit3A_171 = arith.constant 0.000000e+00 : f32
    %broadcast_in_dim3A_172 = vector.broadcast %jit3A_171 : f32 to vector<1x16xf32>
    %select_n3A_173 = arith.select %eq3A_170, %div3A, %broadcast_in_dim3A_172 : vector<1x16xi1>, vector<1x16xf32>
    %reduce_sum3A_174 = vector.shape_cast %select_n3A_173 : vector<1x16xf32> to vector<1x1x16xf32>
    %reduce_sum3A_175 = arith.constant dense<0.000000e+00> : vector<1xf32>
    %reduce_sum3A_176 = vector.multi_reduction <add>, %reduce_sum3A_174, %reduce_sum3A_175 [1, 2] : vector<1x1x16xf32> to vector<1xf32>
    %reduce_sum3A_177 = vector.shape_cast %reduce_sum3A_176 : vector<1xf32> to vector<1x1x1xf32>
    %reduce_sum3A_178 = vector.extract %reduce_sum3A_177[0, 0, 0] : f32 from vector<1x1x1xf32>
    %gt3A_179 = vector.broadcast %reduce_sum3A_178 : f32 to vector<1x16xf32>
    %gt3A_180 = arith.cmpf ogt, %gt3A_179, %div3A : vector<1x16xf32>
    %eq3A_181 = vector.broadcast %reduce_sum3A_178 : f32 to vector<1x16xf32>
    %eq3A_182 = arith.cmpf oeq, %eq3A_181, %div3A : vector<1x16xf32>
    %gt3A_183 = arith.constant 7 : i32
    %gt3A_184 = vector.broadcast %gt3A_183 : i32 to vector<1x16xi32>
    %gt3A_185 = arith.cmpi sgt, %iota3A, %gt3A_184 : vector<1x16xi32>
    %and3A_186 = arith.andi %eq3A_182, %gt3A_185 : vector<1x16xi1>
    %or3A_187 = arith.ori %gt3A_180, %and3A_186 : vector<1x16xi1>
    %convert_element_type3A_188 = arith.extui %or3A_187 : vector<1x16xi1> to vector<1x16xi32>
    %add3A_189 = arith.addi %add3A_167, %convert_element_type3A_188 : vector<1x16xi32>
    %eq3A_190 = arith.constant 8 : i32
    %eq3A_191 = vector.broadcast %eq3A_190 : i32 to vector<1x16xi32>
    %eq3A_192 = arith.cmpi eq, %iota3A, %eq3A_191 : vector<1x16xi32>
    %jit3A_193 = arith.constant 0.000000e+00 : f32
    %broadcast_in_dim3A_194 = vector.broadcast %jit3A_193 : f32 to vector<1x16xf32>
    %select_n3A_195 = arith.select %eq3A_192, %div3A, %broadcast_in_dim3A_194 : vector<1x16xi1>, vector<1x16xf32>
    %reduce_sum3A_196 = vector.shape_cast %select_n3A_195 : vector<1x16xf32> to vector<1x1x16xf32>
    %reduce_sum3A_197 = arith.constant dense<0.000000e+00> : vector<1xf32>
    %reduce_sum3A_198 = vector.multi_reduction <add>, %reduce_sum3A_196, %reduce_sum3A_197 [1, 2] : vector<1x1x16xf32> to vector<1xf32>
    %reduce_sum3A_199 = vector.shape_cast %reduce_sum3A_198 : vector<1xf32> to vector<1x1x1xf32>
    %reduce_sum3A_200 = vector.extract %reduce_sum3A_199[0, 0, 0] : f32 from vector<1x1x1xf32>
    %gt3A_201 = vector.broadcast %reduce_sum3A_200 : f32 to vector<1x16xf32>
    %gt3A_202 = arith.cmpf ogt, %gt3A_201, %div3A : vector<1x16xf32>
    %eq3A_203 = vector.broadcast %reduce_sum3A_200 : f32 to vector<1x16xf32>
    %eq3A_204 = arith.cmpf oeq, %eq3A_203, %div3A : vector<1x16xf32>
    %gt3A_205 = arith.constant 8 : i32
    %gt3A_206 = vector.broadcast %gt3A_205 : i32 to vector<1x16xi32>
    %gt3A_207 = arith.cmpi sgt, %iota3A, %gt3A_206 : vector<1x16xi32>
    %and3A_208 = arith.andi %eq3A_204, %gt3A_207 : vector<1x16xi1>
    %or3A_209 = arith.ori %gt3A_202, %and3A_208 : vector<1x16xi1>
    %convert_element_type3A_210 = arith.extui %or3A_209 : vector<1x16xi1> to vector<1x16xi32>
    %add3A_211 = arith.addi %add3A_189, %convert_element_type3A_210 : vector<1x16xi32>
    %eq3A_212 = arith.constant 9 : i32
    %eq3A_213 = vector.broadcast %eq3A_212 : i32 to vector<1x16xi32>
    %eq3A_214 = arith.cmpi eq, %iota3A, %eq3A_213 : vector<1x16xi32>
    %jit3A_215 = arith.constant 0.000000e+00 : f32
    %broadcast_in_dim3A_216 = vector.broadcast %jit3A_215 : f32 to vector<1x16xf32>
    %select_n3A_217 = arith.select %eq3A_214, %div3A, %broadcast_in_dim3A_216 : vector<1x16xi1>, vector<1x16xf32>
    %reduce_sum3A_218 = vector.shape_cast %select_n3A_217 : vector<1x16xf32> to vector<1x1x16xf32>
    %reduce_sum3A_219 = arith.constant dense<0.000000e+00> : vector<1xf32>
    %reduce_sum3A_220 = vector.multi_reduction <add>, %reduce_sum3A_218, %reduce_sum3A_219 [1, 2] : vector<1x1x16xf32> to vector<1xf32>
    %reduce_sum3A_221 = vector.shape_cast %reduce_sum3A_220 : vector<1xf32> to vector<1x1x1xf32>
    %reduce_sum3A_222 = vector.extract %reduce_sum3A_221[0, 0, 0] : f32 from vector<1x1x1xf32>
    %gt3A_223 = vector.broadcast %reduce_sum3A_222 : f32 to vector<1x16xf32>
    %gt3A_224 = arith.cmpf ogt, %gt3A_223, %div3A : vector<1x16xf32>
    %eq3A_225 = vector.broadcast %reduce_sum3A_222 : f32 to vector<1x16xf32>
    %eq3A_226 = arith.cmpf oeq, %eq3A_225, %div3A : vector<1x16xf32>
    %gt3A_227 = arith.constant 9 : i32
    %gt3A_228 = vector.broadcast %gt3A_227 : i32 to vector<1x16xi32>
    %gt3A_229 = arith.cmpi sgt, %iota3A, %gt3A_228 : vector<1x16xi32>
    %and3A_230 = arith.andi %eq3A_226, %gt3A_229 : vector<1x16xi1>
    %or3A_231 = arith.ori %gt3A_224, %and3A_230 : vector<1x16xi1>
    %convert_element_type3A_232 = arith.extui %or3A_231 : vector<1x16xi1> to vector<1x16xi32>
    %add3A_233 = arith.addi %add3A_211, %convert_element_type3A_232 : vector<1x16xi32>
    %eq3A_234 = arith.constant 10 : i32
    %eq3A_235 = vector.broadcast %eq3A_234 : i32 to vector<1x16xi32>
    %eq3A_236 = arith.cmpi eq, %iota3A, %eq3A_235 : vector<1x16xi32>
    %jit3A_237 = arith.constant 0.000000e+00 : f32
    %broadcast_in_dim3A_238 = vector.broadcast %jit3A_237 : f32 to vector<1x16xf32>
    %select_n3A_239 = arith.select %eq3A_236, %div3A, %broadcast_in_dim3A_238 : vector<1x16xi1>, vector<1x16xf32>
    %reduce_sum3A_240 = vector.shape_cast %select_n3A_239 : vector<1x16xf32> to vector<1x1x16xf32>
    %reduce_sum3A_241 = arith.constant dense<0.000000e+00> : vector<1xf32>
    %reduce_sum3A_242 = vector.multi_reduction <add>, %reduce_sum3A_240, %reduce_sum3A_241 [1, 2] : vector<1x1x16xf32> to vector<1xf32>
    %reduce_sum3A_243 = vector.shape_cast %reduce_sum3A_242 : vector<1xf32> to vector<1x1x1xf32>
    %reduce_sum3A_244 = vector.extract %reduce_sum3A_243[0, 0, 0] : f32 from vector<1x1x1xf32>
    %gt3A_245 = vector.broadcast %reduce_sum3A_244 : f32 to vector<1x16xf32>
    %gt3A_246 = arith.cmpf ogt, %gt3A_245, %div3A : vector<1x16xf32>
    %eq3A_247 = vector.broadcast %reduce_sum3A_244 : f32 to vector<1x16xf32>
    %eq3A_248 = arith.cmpf oeq, %eq3A_247, %div3A : vector<1x16xf32>
    %gt3A_249 = arith.constant 10 : i32
    %gt3A_250 = vector.broadcast %gt3A_249 : i32 to vector<1x16xi32>
    %gt3A_251 = arith.cmpi sgt, %iota3A, %gt3A_250 : vector<1x16xi32>
    %and3A_252 = arith.andi %eq3A_248, %gt3A_251 : vector<1x16xi1>
    %or3A_253 = arith.ori %gt3A_246, %and3A_252 : vector<1x16xi1>
    %convert_element_type3A_254 = arith.extui %or3A_253 : vector<1x16xi1> to vector<1x16xi32>
    %add3A_255 = arith.addi %add3A_233, %convert_element_type3A_254 : vector<1x16xi32>
    %eq3A_256 = arith.constant 11 : i32
    %eq3A_257 = vector.broadcast %eq3A_256 : i32 to vector<1x16xi32>
    %eq3A_258 = arith.cmpi eq, %iota3A, %eq3A_257 : vector<1x16xi32>
    %jit3A_259 = arith.constant 0.000000e+00 : f32
    %broadcast_in_dim3A_260 = vector.broadcast %jit3A_259 : f32 to vector<1x16xf32>
    %select_n3A_261 = arith.select %eq3A_258, %div3A, %broadcast_in_dim3A_260 : vector<1x16xi1>, vector<1x16xf32>
    %reduce_sum3A_262 = vector.shape_cast %select_n3A_261 : vector<1x16xf32> to vector<1x1x16xf32>
    %reduce_sum3A_263 = arith.constant dense<0.000000e+00> : vector<1xf32>
    %reduce_sum3A_264 = vector.multi_reduction <add>, %reduce_sum3A_262, %reduce_sum3A_263 [1, 2] : vector<1x1x16xf32> to vector<1xf32>
    %reduce_sum3A_265 = vector.shape_cast %reduce_sum3A_264 : vector<1xf32> to vector<1x1x1xf32>
    %reduce_sum3A_266 = vector.extract %reduce_sum3A_265[0, 0, 0] : f32 from vector<1x1x1xf32>
    %gt3A_267 = vector.broadcast %reduce_sum3A_266 : f32 to vector<1x16xf32>
    %gt3A_268 = arith.cmpf ogt, %gt3A_267, %div3A : vector<1x16xf32>
    %eq3A_269 = vector.broadcast %reduce_sum3A_266 : f32 to vector<1x16xf32>
    %eq3A_270 = arith.cmpf oeq, %eq3A_269, %div3A : vector<1x16xf32>
    %gt3A_271 = arith.constant 11 : i32
    %gt3A_272 = vector.broadcast %gt3A_271 : i32 to vector<1x16xi32>
    %gt3A_273 = arith.cmpi sgt, %iota3A, %gt3A_272 : vector<1x16xi32>
    %and3A_274 = arith.andi %eq3A_270, %gt3A_273 : vector<1x16xi1>
    %or3A_275 = arith.ori %gt3A_268, %and3A_274 : vector<1x16xi1>
    %convert_element_type3A_276 = arith.extui %or3A_275 : vector<1x16xi1> to vector<1x16xi32>
    %add3A_277 = arith.addi %add3A_255, %convert_element_type3A_276 : vector<1x16xi32>
    %eq3A_278 = arith.constant 12 : i32
    %eq3A_279 = vector.broadcast %eq3A_278 : i32 to vector<1x16xi32>
    %eq3A_280 = arith.cmpi eq, %iota3A, %eq3A_279 : vector<1x16xi32>
    %jit3A_281 = arith.constant 0.000000e+00 : f32
    %broadcast_in_dim3A_282 = vector.broadcast %jit3A_281 : f32 to vector<1x16xf32>
    %select_n3A_283 = arith.select %eq3A_280, %div3A, %broadcast_in_dim3A_282 : vector<1x16xi1>, vector<1x16xf32>
    %reduce_sum3A_284 = vector.shape_cast %select_n3A_283 : vector<1x16xf32> to vector<1x1x16xf32>
    %reduce_sum3A_285 = arith.constant dense<0.000000e+00> : vector<1xf32>
    %reduce_sum3A_286 = vector.multi_reduction <add>, %reduce_sum3A_284, %reduce_sum3A_285 [1, 2] : vector<1x1x16xf32> to vector<1xf32>
    %reduce_sum3A_287 = vector.shape_cast %reduce_sum3A_286 : vector<1xf32> to vector<1x1x1xf32>
    %reduce_sum3A_288 = vector.extract %reduce_sum3A_287[0, 0, 0] : f32 from vector<1x1x1xf32>
    %gt3A_289 = vector.broadcast %reduce_sum3A_288 : f32 to vector<1x16xf32>
    %gt3A_290 = arith.cmpf ogt, %gt3A_289, %div3A : vector<1x16xf32>
    %eq3A_291 = vector.broadcast %reduce_sum3A_288 : f32 to vector<1x16xf32>
    %eq3A_292 = arith.cmpf oeq, %eq3A_291, %div3A : vector<1x16xf32>
    %gt3A_293 = arith.constant 12 : i32
    %gt3A_294 = vector.broadcast %gt3A_293 : i32 to vector<1x16xi32>
    %gt3A_295 = arith.cmpi sgt, %iota3A, %gt3A_294 : vector<1x16xi32>
    %and3A_296 = arith.andi %eq3A_292, %gt3A_295 : vector<1x16xi1>
    %or3A_297 = arith.ori %gt3A_290, %and3A_296 : vector<1x16xi1>
    %convert_element_type3A_298 = arith.extui %or3A_297 : vector<1x16xi1> to vector<1x16xi32>
    %add3A_299 = arith.addi %add3A_277, %convert_element_type3A_298 : vector<1x16xi32>
    %eq3A_300 = arith.constant 13 : i32
    %eq3A_301 = vector.broadcast %eq3A_300 : i32 to vector<1x16xi32>
    %eq3A_302 = arith.cmpi eq, %iota3A, %eq3A_301 : vector<1x16xi32>
    %jit3A_303 = arith.constant 0.000000e+00 : f32
    %broadcast_in_dim3A_304 = vector.broadcast %jit3A_303 : f32 to vector<1x16xf32>
    %select_n3A_305 = arith.select %eq3A_302, %div3A, %broadcast_in_dim3A_304 : vector<1x16xi1>, vector<1x16xf32>
    %reduce_sum3A_306 = vector.shape_cast %select_n3A_305 : vector<1x16xf32> to vector<1x1x16xf32>
    %reduce_sum3A_307 = arith.constant dense<0.000000e+00> : vector<1xf32>
    %reduce_sum3A_308 = vector.multi_reduction <add>, %reduce_sum3A_306, %reduce_sum3A_307 [1, 2] : vector<1x1x16xf32> to vector<1xf32>
    %reduce_sum3A_309 = vector.shape_cast %reduce_sum3A_308 : vector<1xf32> to vector<1x1x1xf32>
    %reduce_sum3A_310 = vector.extract %reduce_sum3A_309[0, 0, 0] : f32 from vector<1x1x1xf32>
    %gt3A_311 = vector.broadcast %reduce_sum3A_310 : f32 to vector<1x16xf32>
    %gt3A_312 = arith.cmpf ogt, %gt3A_311, %div3A : vector<1x16xf32>
    %eq3A_313 = vector.broadcast %reduce_sum3A_310 : f32 to vector<1x16xf32>
    %eq3A_314 = arith.cmpf oeq, %eq3A_313, %div3A : vector<1x16xf32>
    %gt3A_315 = arith.constant 13 : i32
    %gt3A_316 = vector.broadcast %gt3A_315 : i32 to vector<1x16xi32>
    %gt3A_317 = arith.cmpi sgt, %iota3A, %gt3A_316 : vector<1x16xi32>
    %and3A_318 = arith.andi %eq3A_314, %gt3A_317 : vector<1x16xi1>
    %or3A_319 = arith.ori %gt3A_312, %and3A_318 : vector<1x16xi1>
    %convert_element_type3A_320 = arith.extui %or3A_319 : vector<1x16xi1> to vector<1x16xi32>
    %add3A_321 = arith.addi %add3A_299, %convert_element_type3A_320 : vector<1x16xi32>
    %eq3A_322 = arith.constant 14 : i32
    %eq3A_323 = vector.broadcast %eq3A_322 : i32 to vector<1x16xi32>
    %eq3A_324 = arith.cmpi eq, %iota3A, %eq3A_323 : vector<1x16xi32>
    %jit3A_325 = arith.constant 0.000000e+00 : f32
    %broadcast_in_dim3A_326 = vector.broadcast %jit3A_325 : f32 to vector<1x16xf32>
    %select_n3A_327 = arith.select %eq3A_324, %div3A, %broadcast_in_dim3A_326 : vector<1x16xi1>, vector<1x16xf32>
    %reduce_sum3A_328 = vector.shape_cast %select_n3A_327 : vector<1x16xf32> to vector<1x1x16xf32>
    %reduce_sum3A_329 = arith.constant dense<0.000000e+00> : vector<1xf32>
    %reduce_sum3A_330 = vector.multi_reduction <add>, %reduce_sum3A_328, %reduce_sum3A_329 [1, 2] : vector<1x1x16xf32> to vector<1xf32>
    %reduce_sum3A_331 = vector.shape_cast %reduce_sum3A_330 : vector<1xf32> to vector<1x1x1xf32>
    %reduce_sum3A_332 = vector.extract %reduce_sum3A_331[0, 0, 0] : f32 from vector<1x1x1xf32>
    %gt3A_333 = vector.broadcast %reduce_sum3A_332 : f32 to vector<1x16xf32>
    %gt3A_334 = arith.cmpf ogt, %gt3A_333, %div3A : vector<1x16xf32>
    %eq3A_335 = vector.broadcast %reduce_sum3A_332 : f32 to vector<1x16xf32>
    %eq3A_336 = arith.cmpf oeq, %eq3A_335, %div3A : vector<1x16xf32>
    %gt3A_337 = arith.constant 14 : i32
    %gt3A_338 = vector.broadcast %gt3A_337 : i32 to vector<1x16xi32>
    %gt3A_339 = arith.cmpi sgt, %iota3A, %gt3A_338 : vector<1x16xi32>
    %and3A_340 = arith.andi %eq3A_336, %gt3A_339 : vector<1x16xi1>
    %or3A_341 = arith.ori %gt3A_334, %and3A_340 : vector<1x16xi1>
    %convert_element_type3A_342 = arith.extui %or3A_341 : vector<1x16xi1> to vector<1x16xi32>
    %add3A_343 = arith.addi %add3A_321, %convert_element_type3A_342 : vector<1x16xi32>
    %eq3A_344 = arith.constant 15 : i32
    %eq3A_345 = vector.broadcast %eq3A_344 : i32 to vector<1x16xi32>
    %eq3A_346 = arith.cmpi eq, %iota3A, %eq3A_345 : vector<1x16xi32>
    %jit3A_347 = arith.constant 0.000000e+00 : f32
    %broadcast_in_dim3A_348 = vector.broadcast %jit3A_347 : f32 to vector<1x16xf32>
    %select_n3A_349 = arith.select %eq3A_346, %div3A, %broadcast_in_dim3A_348 : vector<1x16xi1>, vector<1x16xf32>
    %reduce_sum3A_350 = vector.shape_cast %select_n3A_349 : vector<1x16xf32> to vector<1x1x16xf32>
    %reduce_sum3A_351 = arith.constant dense<0.000000e+00> : vector<1xf32>
    %reduce_sum3A_352 = vector.multi_reduction <add>, %reduce_sum3A_350, %reduce_sum3A_351 [1, 2] : vector<1x1x16xf32> to vector<1xf32>
    %reduce_sum3A_353 = vector.shape_cast %reduce_sum3A_352 : vector<1xf32> to vector<1x1x1xf32>
    %reduce_sum3A_354 = vector.extract %reduce_sum3A_353[0, 0, 0] : f32 from vector<1x1x1xf32>
    %gt3A_355 = vector.broadcast %reduce_sum3A_354 : f32 to vector<1x16xf32>
    %gt3A_356 = arith.cmpf ogt, %gt3A_355, %div3A : vector<1x16xf32>
    %eq3A_357 = vector.broadcast %reduce_sum3A_354 : f32 to vector<1x16xf32>
    %eq3A_358 = arith.cmpf oeq, %eq3A_357, %div3A : vector<1x16xf32>
    %gt3A_359 = arith.constant 15 : i32
    %gt3A_360 = vector.broadcast %gt3A_359 : i32 to vector<1x16xi32>
    %gt3A_361 = arith.cmpi sgt, %iota3A, %gt3A_360 : vector<1x16xi32>
    %and3A_362 = arith.andi %eq3A_358, %gt3A_361 : vector<1x16xi1>
    %or3A_363 = arith.ori %gt3A_356, %and3A_362 : vector<1x16xi1>
    %convert_element_type3A_364 = arith.extui %or3A_363 : vector<1x16xi1> to vector<1x16xi32>
    %add3A_365 = arith.addi %add3A_343, %convert_element_type3A_364 : vector<1x16xi32>
    %lt3A = arith.constant 3 : i32
    %lt3A_366 = vector.broadcast %lt3A : i32 to vector<1x16xi32>
    %lt3A_367 = arith.cmpi slt, %add3A_365, %lt3A_366 : vector<1x16xi32>
    %jit3A_368 = arith.constant 0.000000e+00 : f32
    %broadcast_in_dim3A_369 = vector.broadcast %jit3A_368 : f32 to vector<1x16xf32>
    %select_n3A_370 = arith.select %lt3A_367, %div3A, %broadcast_in_dim3A_369 : vector<1x16xi1>, vector<1x16xf32>
    %reduce_sum3A_371 = vector.shape_cast %select_n3A_370 : vector<1x16xf32> to vector<1x1x16xf32>
    %reduce_sum3A_372 = arith.constant dense<0.000000e+00> : vector<1xf32>
    %reduce_sum3A_373 = vector.multi_reduction <add>, %reduce_sum3A_371, %reduce_sum3A_372 [1, 2] : vector<1x1x16xf32> to vector<1xf32>
    %reduce_sum3A_374 = vector.shape_cast %reduce_sum3A_373 : vector<1xf32> to vector<1x1x1xf32>
    %reduce_sum3A_375 = vector.extract %reduce_sum3A_374[0, 0, 0] : f32 from vector<1x1x1xf32>
    %mul3A = arith.constant 0.333333343 : f32
    %mul3A_376 = arith.mulf %reduce_sum3A_375, %mul3A : f32
    %mul3A_377 = arith.constant 9.53674316E-7 : f32
    %mul3A_378 = arith.mulf %get3A_9, %mul3A_377 : f32
    %mul3A_379 = arith.constant 4.900000e+01 : f32
    %mul3A_380 = arith.mulf %mul3A_379, %mul3A_378 : f32
    %add3A_381 = arith.constant 1.000000e+00 : f32
    %add3A_382 = arith.addf %mul3A_380, %add3A_381 : f32
    %mul3A_383 = arith.constant 9.53674316E-7 : f32
    %mul3A_384 = arith.mulf %get3A_13, %mul3A_383 : f32
    %sub3A_385 = arith.constant 3.000000e-01 : f32
    %sub3A_386 = arith.subf %mul3A_376, %sub3A_385 : f32
    %mul3A_387 = arith.mulf %get3A_17, %sub3A_386 : f32
    %add3A_388 = arith.addf %add3A_382, %mul3A_387 : f32
    %mul3A_389 = arith.constant 1.000000e+00 : f32
    %mul3A_390 = arith.mulf %mul3A_389, %mul3A_384 : f32
    %add3A_391 = arith.addf %add3A_388, %mul3A_390 : f32
    %neg3A = arith.constant 0.000000e+00 : f32
    %neg3A_392 = arith.subf %neg3A, %get3A_17 : f32
    %mul3A_393 = arith.mulf %neg3A_392, %sub3A_386 : f32
    %iota3A_394 = tpu.iota {dimensions = array<i32: 1>} : vector<1x8xi32>
    %eq3A_395 = arith.constant 0 : i32
    %eq3A_396 = vector.broadcast %eq3A_395 : i32 to vector<1x8xi32>
    %eq3A_397 = arith.cmpi eq, %iota3A_394, %eq3A_396 : vector<1x8xi32>
    %eq3A_398 = arith.constant 1 : i32
    %eq3A_399 = vector.broadcast %eq3A_398 : i32 to vector<1x8xi32>
    %eq3A_400 = arith.cmpi eq, %iota3A_394, %eq3A_399 : vector<1x8xi32>
    %eq3A_401 = arith.constant 2 : i32
    %eq3A_402 = vector.broadcast %eq3A_401 : i32 to vector<1x8xi32>
    %eq3A_403 = arith.cmpi eq, %iota3A_394, %eq3A_402 : vector<1x8xi32>
    %eq3A_404 = arith.constant 3 : i32
    %eq3A_405 = vector.broadcast %eq3A_404 : i32 to vector<1x8xi32>
    %eq3A_406 = arith.cmpi eq, %iota3A_394, %eq3A_405 : vector<1x8xi32>
    %eq3A_407 = arith.constant 4 : i32
    %eq3A_408 = vector.broadcast %eq3A_407 : i32 to vector<1x8xi32>
    %eq3A_409 = arith.cmpi eq, %iota3A_394, %eq3A_408 : vector<1x8xi32>
    %eq3A_410 = arith.constant 5 : i32
    %eq3A_411 = vector.broadcast %eq3A_410 : i32 to vector<1x8xi32>
    %eq3A_412 = arith.cmpi eq, %iota3A_394, %eq3A_411 : vector<1x8xi32>
    %eq3A_413 = arith.constant 6 : i32
    %eq3A_414 = vector.broadcast %eq3A_413 : i32 to vector<1x8xi32>
    %eq3A_415 = arith.cmpi eq, %iota3A_394, %eq3A_414 : vector<1x8xi32>
    %jit3A_416 = arith.constant 0.000000e+00 : f32
    %broadcast_in_dim3A_417 = vector.broadcast %sub3A_386 : f32 to vector<1x8xf32>
    %broadcast_in_dim3A_418 = vector.broadcast %jit3A_416 : f32 to vector<1x8xf32>
    %select_n3A_419 = arith.select %eq3A_415, %broadcast_in_dim3A_417, %broadcast_in_dim3A_418 : vector<1x8xi1>, vector<1x8xf32>
    %broadcast_in_dim3A_420 = vector.broadcast %mul3A_393 : f32 to vector<1x8xf32>
    %select_n3A_421 = arith.select %eq3A_412, %broadcast_in_dim3A_420, %select_n3A_419 : vector<1x8xi1>, vector<1x8xf32>
    %broadcast_in_dim3A_422 = vector.broadcast %mul3A_387 : f32 to vector<1x8xf32>
    %select_n3A_423 = arith.select %eq3A_409, %broadcast_in_dim3A_422, %select_n3A_421 : vector<1x8xi1>, vector<1x8xf32>
    %broadcast_in_dim3A_424 = vector.broadcast %mul3A_384 : f32 to vector<1x8xf32>
    %select_n3A_425 = arith.select %eq3A_406, %broadcast_in_dim3A_424, %select_n3A_423 : vector<1x8xi1>, vector<1x8xf32>
    %broadcast_in_dim3A_426 = vector.broadcast %mul3A_376 : f32 to vector<1x8xf32>
    %select_n3A_427 = arith.select %eq3A_403, %broadcast_in_dim3A_426, %select_n3A_425 : vector<1x8xi1>, vector<1x8xf32>
    %broadcast_in_dim3A_428 = vector.broadcast %add3A_382 : f32 to vector<1x8xf32>
    %select_n3A_429 = arith.select %eq3A_400, %broadcast_in_dim3A_428, %select_n3A_427 : vector<1x8xi1>, vector<1x8xf32>
    %broadcast_in_dim3A_430 = vector.broadcast %add3A_391 : f32 to vector<1x8xf32>
    %select_n3A_431 = arith.select %eq3A_397, %broadcast_in_dim3A_430, %select_n3A_429 : vector<1x8xi1>, vector<1x8xf32>
    %swap3A = arith.constant 0 : index
    %swap3A_432 = arith.constant 0 : index
    %swap3A_433 = vector.load %arg3[%swap3A, %swap3A_432] : memref<1x8xf32, #tpu.memory_space<vmem>>, vector<1x8xf32>
    tpu.vector_store %arg3[%swap3A, %swap3A_432], %select_n3A_431 {strides = array<i32>} : memref<1x8xf32, #tpu.memory_space<vmem>>, vector<1x8xf32>,
    return
  }
}

</mosaic_0001>

<sc_bundles>
// kernel: kernel.5.cloned.1.call-start
scs
__scs_entry_jumppad:
0x0: {  	(pc) =	sbr.rel $0x88, $3  }
0x1: {  	(tag) =	ssettag $0x0;
	lr =	simm.s32 $0x1  }
0x2: {  	[smem:$0x3F9C] =	sst lr;
	_ =	strace $0xD0000000  }
0x3: {  	_ = 	snop  }
0x4: {  	_ = 	snop  }
0x5: {  	_ = 	snop  }
0x6: {  	_ = 	snop  }
0x7: {  	_ = 	snop  }
__scs_overlays_trampoline_lowered:
0x8: {  	[smem:$0x3FAB] =	sst s0  }
0x9: {  	[smem:$0x3FAC] =	sst s1  }
0xa: {  	[smem:$0x3FAD] =	sst s2  }
0xb: {  	[smem:$0x3FAE] =	sst s3  }
0xc: {  	[smem:$0x3FAF] =	sst s4  }
0xd: {  	[smem:$0x3FB0] =	sst s5  }
0xe: {  	[smem:$0x3FB1] =	sst s6  }
0xf: {  	[smem:$0x3FB2] =	sst s7  }
0x10: {  	[smem:$0x3FB3] =	sst s8  }
0x11: {  	[smem:$0x3FB4] =	sst s9;
	s0 =	simm.s32 @!p0 $0x0  }
0x12: {  	s1 =	sld [smem:$0x3F9A];
	s0 =	simm.s32 @p0 $0x1  }
0x13: {  	[smem:$0x3FB5] =	sst s0;
	s0 =	simm.s32 @!p1 $0x0  }
0x14: {  	s2 =	sld [smem:$0x3F99];
	s0 =	simm.s32 @p1 $0x1  }
0x15: {  	[smem:$0x3FB6] =	sst s0;
	s0 =	simm.s32 @!p2 $0x0  }
0x16: {  	s3 =	sld [smem:$0x3FDB];
	s0 =	simm.s32 @p2 $0x1  }
0x17: {  	s4 =	simm.s32 $0x1BF5;
	[smem:$0x3FB8] =	sst s0  }
0x18: {  	s0 =	sld [smem:$0x3F9B];
	_ =	swait.ge [sflag:s4], $0x0  }
0x19: {  	s7 =	sld [smem:$0x3F9C]  }
0x1a: {  	s8 =	sadd.s32 $0xFFFFE003, lr  }
0x1b: {  	s9 =	sadd.s32 $0xFFFFFEF7, lr;
	s5 =	simm.s32 $0xFFFFFFFF;
	p2 =	slt.u32 s8, $0xFFFFF086  }
0x1c: {  	p1 =	slt.u32 s9, $0xF7A;
	s5 =	simm.s32 @!p2 $0x0  }
0x1d: {  	s5 =	simm.s32 @p1 $0x1;
	p0 =	seq.s32 s7, s2  }
0x1e: {  	s7 =	smul.u32 @!p0 $0xF7A, s2;
	p2 =	seq.s32 @!p0 s5, $0x0  }
0x1f: {  	s9 =	smul.u32 $0xF7A, s1;
	s8 =	simm.s32 @!p0 $0x1BF5;
	p2 =	por !p2, p0  }
0x20: {  	[sflag:s8] =	ssyncset.s32 @!p0 $0xFFFFF086;
	s6 =	sadd.s32 @!p0 s3, s7;
	s7 =	simm.s32 @!p0 $0x108  }
0x21: {  	s3 =	sadd.s32 s3, s9;
	s6 =	sadd.s32 @!p0 $0x88, s6;
	s7 =	simm.s32 @p2 $0x1082  }
0x22: {  	[simem:s7], [sflag:s8] =	dma.local @!p0 [hbm:s6], $0xF7A  }
0x23: {  	s9 =	sor.u32 $0xD0000000, s2;
	s6 =	simm.s32 $0x108;
	_ =	swait.ge @!p0 [sflag:s8], $0x0  }
0x24: {  	s3 =	sadd.s32 $0x88, s3;
	s6 =	simm.s32 @!p1 $0x1082;
	[sflag:s4] =	ssyncset.s32 $0xFFFFF086  }
0x25: {  	[simem:s6], [sflag:s4] =	dma.local [hbm:s3], $0xF7A  }
0x26: {  	[smem:$0x3F9C] =	sst s1;
	(tag) =	ssettag s2;
	_ =	strace s9  }
0x27: {  	s1 =	sld [smem:$0x3FAC]  }
0x28: {  	s2 =	sld [smem:$0x3FAD]  }
0x29: {  	s4 =	sld [smem:$0x3FAF]  }
0x2a: {  	p0 =	seq.s32 s5, $0x0;
	s5 =	sld [smem:$0x3FB0]  }
0x2b: {  	s6 =	sld [smem:$0x3FB1]  }
0x2c: {  	s7 =	sld [smem:$0x3FB2]  }
0x2d: {  	s3 =	simm.s32 $0x108;
	s8 =	sld [smem:$0x3FB3]  }
0x2e: {  	s3 =	simm.s32 @!p0 $0x1082;
	s9 =	sld [smem:$0x3FB4]  }
0x2f: {  	lr =	sadd.s32 s0, s3;
	s0 =	sld [smem:$0x3FAB]  }
0x30: {  	s3 =	sld [smem:$0x3FAE]  }
0x31: {  	[smem:$0x3FB7] =	sst s10  }
0x32: {  	s10 =	sld [smem:$0x3FB5];
	_ =	sdelay $0x3  }
0x33: {  	p0 =	seq.s32 s10, $0x1;
	s10 =	sld [smem:$0x3FB7];
	_ =	sdelay $0x3  }
0x34: {  	[smem:$0x3FB7] =	sst s10  }
0x35: {  	s10 =	sld [smem:$0x3FB6];
	_ =	sdelay $0x3  }
0x36: {  	p1 =	seq.s32 s10, $0x1;
	s10 =	sld [smem:$0x3FB7];
	_ =	sdelay $0x3  }
0x37: {  	[smem:$0x3FB7] =	sst s10  }
0x38: {  	s10 =	sld [smem:$0x3FB8]  }
0x39: {  	_ = 	snop;
	(pc) =	sbr.ind lr, $3  }
0x3a: {  	_ = 	snop  }
0x3b: {  	_ = 	snop  }
0x3c: {  	p2 =	seq.s32 s10, $0x1;
	s10 =	sld [smem:$0x3FB7]  }
0x3d: {  	_ =	shalt  }
0x3e: {  	_ =	shalt  }
0x3f: {  	_ =	shalt  }
0x40: {  	_ =	shalt  }
0x41: {  	_ =	shalt  }
0x42: {  	_ =	shalt  }
0x43: {  	_ =	shalt  }
0x44: {  	_ =	shalt  }
0x45: {  	_ =	shalt  }
0x46: {  	_ =	shalt  }
0x47: {  	_ =	shalt  }
0x48: {  	_ =	shalt  }
0x49: {  	_ =	shalt  }
0x4a: {  	_ =	shalt  }
0x4b: {  	_ =	shalt  }
0x4c: {  	_ =	shalt  }
0x4d: {  	_ =	shalt  }
0x4e: {  	_ =	shalt  }
0x4f: {  	_ =	shalt  }
0x50: {  	_ =	shalt  }
0x51: {  	_ =	shalt  }
0x52: {  	_ =	shalt  }
0x53: {  	_ =	shalt  }
0x54: {  	_ =	shalt  }
0x55: {  	_ =	shalt  }
0x56: {  	_ =	shalt  }
0x57: {  	_ =	shalt  }
0x58: {  	_ =	shalt  }
0x59: {  	_ =	shalt  }
0x5a: {  	_ =	shalt  }
0x5b: {  	_ =	shalt  }
0x5c: {  	_ =	shalt  }
0x5d: {  	_ =	shalt  }
0x5e: {  	_ =	shalt  }
0x5f: {  	_ =	shalt  }
0x60: {  	_ =	shalt  }
0x61: {  	_ =	shalt  }
0x62: {  	_ =	shalt  }
0x63: {  	_ =	shalt  }
0x64: {  	_ =	shalt  }
0x65: {  	_ =	shalt  }
0x66: {  	_ =	shalt  }
0x67: {  	_ =	shalt  }
0x68: {  	_ =	shalt  }
0x69: {  	_ =	shalt  }
0x6a: {  	_ =	shalt  }
0x6b: {  	_ =	shalt  }
0x6c: {  	_ =	shalt  }
0x6d: {  	_ =	shalt  }
0x6e: {  	_ =	shalt  }
0x6f: {  	_ =	shalt  }
0x70: {  	_ =	shalt  }
0x71: {  	_ =	shalt  }
0x72: {  	_ =	shalt  }
0x73: {  	_ =	shalt  }
0x74: {  	_ =	shalt  }
0x75: {  	_ =	shalt  }
0x76: {  	_ =	shalt  }
0x77: {  	_ =	shalt  }
0x78: {  	_ =	shalt  }
0x79: {  	_ =	shalt  }
0x7a: {  	_ =	shalt  }
0x7b: {  	_ =	shalt  }
0x7c: {  	_ =	shalt  }
0x7d: {  	_ =	shalt  }
0x7e: {  	_ =	shalt  }
0x7f: {  	_ =	shalt  }
0x80: {  	_ =	shalt  }
0x81: {  	_ =	shalt  }
0x82: {  	_ =	shalt  }
0x83: {  	_ =	shalt  }
0x84: {  	_ =	shalt  }
0x85: {  	_ =	shalt  }
0x86: {  	_ =	shalt  }
0x87: {  	_ =	shalt  }
.Lfunc_end0:
.L_simem_size_0:
called_computation_lowered:
.L_overlay_start_0:
0x88: {  	s2 =	sld [smem:$0x3FD9]  }
0x89: {  	s3 =	sld [smem:$0x3FFE];
	_ =	sdelay $0x1  }
0x8a: {  	s1 =	srdreg.scid  }
0x8b: {  	s0 =	sand.u32 $0x1, s1  }
0x8c: {  	s17 =	sshll.u32 s0, $0xA;
	s2 =	sadd.s32 s3, s2  }
0x8d: {  	s2 =	sadd.s32 s2, s17  }
0x8e: {  	[smem:$0x3FC3] =	sst s2  }
0x8f: {  	_ = 	snop  }
0x90: {  	s2 =	sld [smem:$0x3FC7]  }
0x91: {  	s18 =	sld [smem:$0x3FC6];
	(tm) =	ssettm $0x1  }
0x92: {  	s4 =	sld [smem:$0x3FFB];
	_ =	sdelay $0x3  }
0x93: {  	_ =	strace s4  }
0x94: {  	s4 =	sld [smem:$0x3FFC];
	_ =	sdelay $0x3  }
0x95: {  	_ =	strace s4  }
0x96: {  	s4 =	sld [smem:$0x3FFD];
	_ =	sdelay $0x3  }
0x97: {  	_ =	strace s4  }
0x98: {  	_ =	strace $0x8FFFFFFF  }
0x99: {  	s19 =	sld [smem:$0x3FDB];
	_ =	sdelay $0x1  }
0x9a: {  	s5 =	simm.s32 $_scs_section_size  }
0x9b: {  	s6 =	simm.s32 $_size__tile_overlayer_lowered;
	s7 =	simm.s32 $_tile_overlayer_lowered  }
0x9c: {  	s22 =	simm.s32 $0x1BFF;
	s21 =	sshll.u32 s7, $0x1;
	s4 =	sadd.s32 s5, s19  }
0x9d: {  	s8 =	simm.s32 $0x0;
	s20 =	sshll.u32 s6, $0x1;
	s6 =	sadd.s32 s21, s4  }
0x9e: {  	[timem:s8], [sflag:s22] =	dma.local [hbm:s6], s20  }
0x9f: {  	_ =	swait.ge [sflag:s22], s20  }
0xa0: {  	s5 =	ssub.s32 $0x0, s20;
	[sflag:s22] =	ssyncset.done $0x0  }
0xa1: {  	[sflag:s22] =	ssyncadd.s32 s5;
	_ =	sdelay $0x1  }
0xa2: {  	s23 =	simm.s32 $0x1B8B  }
0xa3: {  	_ =	swait.ge [sflag:s23], $0x1  }
0xa4: {  	[sflag:s23] =	ssyncset.done $0x0  }
0xa5: {  	s25 =	simm.s32 $0x1B8E;
	s24 =	sld [smem:$0x3FFE];
	[sflag:s23] =	ssyncadd.s32 $0xFFFFFFFF  }
0xa6: {  	s26 =	simm.s32 $execute0_lowered;
	[smem:$0x3FD2] =	sst s25  }
0xa7: {  	s6 =	sshll.u32 s26, $0x1;
	_ =	strace $0x80000046;
	[dreg:$0x1] =	wrdreg $0xFFFFFFFF  }
0xa8: {  	s28 =	simm.s32 $_size_execute0_lowered;
	s4 =	sadd.s32 s4, s6;
	[dreg:$0x0] =	wrdreg $0x0  }
0xa9: {  	s6 =	sshll.u32 s28, $0x1;
	[dreg:$0x2] =	wrdreg s4  }
0xaa: {  	[dreg:$0x3] =	wrdreg s6  }
0xab: {  	[dreg:$0x4] =	wrdreg $0xC0  }
0xac: {  	_ =	task [dreg:s8], $0x5FFFF  }
0xad: {  	[dreg:$0x1] =	wrdreg $0xFFFFFFFF  }
0xae: {  	[dreg:$0x0] =	wrdreg $0x60  }
0xaf: {  	[dreg:$0x2] =	wrdreg s2  }
0xb0: {  	[dreg:$0x3] =	wrdreg s18  }
0xb1: {  	[dreg:$0x4] =	wrdreg s24  }
0xb2: {  	[dreg:$0x5] =	wrdreg $0x9  }
0xb3: {  	_ =	task.clear_ibuf [dreg:s8], $0x6FFFF;
	_ =	strace $0x90000046  }
0xb4: {  	s29 =	simm.s32 $0x9;
	_ =	strace $0x80000048  }
0xb5: {  	_ =	swait.ge [sflag:s29], $0x1  }
0xb6: {  	[sflag:s29] =	ssyncadd.s32 $0xFFFFFFFF  }
0xb7: {  	_ =	strace $0x90000048  }
0xb8: {  	_ =	sfence  }
0xb9: {  	s30 =	sld [smem:$0x0];
	_ =	sdelay $0x2  }
0xba: {  	s31 =	sshll.u32 s1, $0xD;
	s1 =	sshrl.u32 s1, $0x2  }
0xbb: {  	s3 =	sand.u32 $0x4000, s31;
	s1 =	sadd.s32 s1, s30  }
0xbc: {  	s0 =	sor.u32 s3, s0;
	s1 =	sshll.u32 s1, $0x11  }
0xbd: {  	s0 =	sor.u32 s1, s0  }
0xbe: {  	s0 =	sadd.s32 $0x8F2B, s0  }
0xbf: {  	[sflag:s0] =	ssyncadd.remote.s32 $0x1  }
0xc0: {  	_ =	sfence.sel $0xFFFF  }
0xc1: {  	[dreg:$0x0] =	wrdreg $0xFFFFFFFF;
	(pc) =	sbr.abs _section_cstart, $3  }
0xc2: {  	[dreg:$0x1] =	wrdreg $0xFFFFFFFF  }
0xc3: {  	_ =	task.clear_ibuf [dreg:s8], $0x2FFFF;
	_ =	strace $0x9FFFFFFF  }
0xc4: {  	(tm) =	ssettm $0x7FFFFFFF  }
0xc5: {  	_ =	shalt  }
tec
execute0_lowered:
.L_overlay_start_1:
0x0: {  	(tag) =	ssettag $0x1  }
0x1: {  	s0 =	rddreg [dreg:$0x0]  }
0x2: {  	s1 =	rddreg [dreg:$0x1]  }
0x3: {  	s4 =	srdreg.scid;
	s5 =	stileid.u32  }
0x4: {  	s2 =	simm.s32 $0x0;
	s4 =	sand.u32 $0x1, s4;
	s5 =	sshll.u32 s5, $0x1  }
0x5: {  	[smem:$0x7FF] =	sst s2;
	s5 =	sor.u32 s4, s5  }
0x6: {  	s3 =	rddreg [dreg:$0x2];
	_ =	strace $0x80000047;
	s16 =	sshll.u32 s5, $0xC  }
0x7: {  	s4 =	ssub.s32 $0x2, s4;
	s6 =	sshll.u32 s5, $0x4;
	s8 =	sadd.s32 s0, s16  }
0x8: {  	s9 =	sor.u32 $0x200, s16;
	s10 =	sadd.s32 s1, s16;
	[dreg:$0x4] =	wrdreg s8  }
0x9: {  	s7 =	sshrl.u32 s4, $0x1;
	[dreg:$0x5] =	wrdreg s10;
	s11 =	sadd.s32 s0, s9  }
0xa: {  	s19 =	sadd.s32 s6, s3;
	s12 =	sadd.s32 s1, s9;
	[dreg:$0x6] =	wrdreg s11  }
0xb: {  	s20 =	ssub.s32 s4, s7;
	s29 =	sadd.s32 $0xE00, s19;
	[dreg:$0x7] =	wrdreg s12  }
0xc: {  	s8 =	sor.u32 $0x400, s16;
	s30 =	smax.u32 s20, $0x1;
	[dreg:$0x14] =	wrdreg s29  }
0xd: {  	s13 =	sadd.s32 s0, s8;
	[dreg:$0x15] =	wrdreg s30  }
0xe: {  	s10 =	sor.u32 $0x600, s16;
	s14 =	sadd.s32 s1, s8;
	[dreg:$0x8] =	wrdreg s13  }
0xf: {  	s28 =	simm.s32 $0x4100;
	s15 =	sadd.s32 s0, s10;
	[dreg:$0x9] =	wrdreg s14  }
0x10: {  	s12 =	sor.u32 $0x800, s16;
	s17 =	sadd.s32 s1, s10;
	[dreg:$0xa] =	wrdreg s15  }
0x11: {  	s31 =	simm.s32 $0x0;
	[dreg:$0xb] =	wrdreg s17;
	s18 =	sadd.s32 s0, s12  }
0x12: {  	s14 =	sor.u32 $0xA00, s16;
	s21 =	sadd.s32 s1, s12;
	[dreg:$0xc] =	wrdreg s18  }
0x13: {  	s5 =	simm.s32 $0x3000;
	[dreg:$0xd] =	wrdreg s21;
	s22 =	sadd.s32 s0, s14  }
0x14: {  	v0 =	vimm.f32 $0.0e+00;
	v1 =	vlaneseq.u32;
	s17 =	sor.u32 $0xC00, s16;
	s23 =	sadd.s32 s1, s14;
	[dreg:$0xe] =	wrdreg s22  }
0x15: {  	vm0 =	vcmask $0x300;
	vm1 =	vcmask $0x704;
	vm2 =	vcmask $0xB08;
	s3 =	simm.s32 $0x1000;
	s24 =	sadd.s32 s0, s17;
	[dreg:$0xf] =	wrdreg s23  }
0x16: {  	vm3 =	vcmask $0xF0C;
	vm4 =	vcmask $0x1310;
	vm5 =	vcmask $0x1714;
	s18 =	sor.u32 $0xE00, s16;
	s25 =	sadd.s32 s1, s17;
	[dreg:$0x10] =	wrdreg s24  }
0x17: {  	vm6 =	vcmask $0x1B18;
	vm7 =	vcmask $0x1F1C;
	vm8 =	vcmask $0x2320;
	s4 =	simm.s32 $0x2000;
	[dreg:$0x11] =	wrdreg s25;
	s0 =	sadd.s32 s0, s18  }
0x18: {  	vm9 =	vcmask $0x2724;
	vm10 =	vcmask $0x2B28;
	vm11 =	vcmask $0x2F2C;
	s26 =	sadd.s32 s1, s18;
	s24 =	simm.s32 $0x1;
	[dreg:$0x12] =	wrdreg s0  }
0x19: {  	vm12 =	vcmask $0x3330;
	vm13 =	vcmask $0x3734;
	vm14 =	vcmask $0x3B38;
	s25 =	simm.s32 $0x4000;
	[dreg:$0x13] =	wrdreg s26;
	s26 =	simm.s32 $0x2  }
.LBB2_1:
0x1a: {  	[tilespmem:$0x4000] =	vst v0  }
0x1b: {  	[tilespmem:$0x4010] =	vst v0  }
0x1c: {  	[tilespmem:$0x4020] =	vst v0  }
0x1d: {  	[tilespmem:$0x4030] =	vst v0  }
0x1e: {  	[tilespmem:$0x4040] =	vst v0  }
0x1f: {  	[tilespmem:$0x4050] =	vst v0  }
0x20: {  	[tilespmem:$0x4060] =	vst v0  }
0x21: {  	[tilespmem:$0x4070] =	vst v0  }
0x22: {  	[tilespmem:$0x4080] =	vst v0  }
0x23: {  	[tilespmem:$0x4090] =	vst v0  }
0x24: {  	[tilespmem:$0x40A0] =	vst v0  }
0x25: {  	[tilespmem:$0x40B0] =	vst v0  }
0x26: {  	[tilespmem:$0x40C0] =	vst v0  }
0x27: {  	[tilespmem:$0x40D0] =	vst v0  }
0x28: {  	[tilespmem:$0x40E0] =	vst v0  }
0x29: {  	[tilespmem:$0x40F0] =	vst v0  }
0x2a: {  	[tilespmem:$0x4100] =	vst v0  }
0x2b: {  	[tilespmem:$0x4110] =	vst v0  }
0x2c: {  	[tilespmem:$0x4120] =	vst v0  }
0x2d: {  	[tilespmem:$0x4130] =	vst v0  }
0x2e: {  	[tilespmem:$0x4140] =	vst v0  }
0x2f: {  	[tilespmem:$0x4150] =	vst v0  }
0x30: {  	[tilespmem:$0x4160] =	vst v0  }
0x31: {  	[tilespmem:$0x4170] =	vst v0  }
0x32: {  	[tilespmem:$0x4180] =	vst v0  }
0x33: {  	[tilespmem:$0x4190] =	vst v0  }
0x34: {  	[tilespmem:$0x41A0] =	vst v0  }
0x35: {  	[tilespmem:$0x41B0] =	vst v0  }
0x36: {  	[tilespmem:$0x41C0] =	vst v0  }
0x37: {  	[tilespmem:$0x41D0] =	vst v0  }
0x38: {  	[tilespmem:$0x41E0] =	vst v0  }
0x39: {  	[tilespmem:$0x41F0] =	vst v0;
	s0 =	rddreg [dreg:$0x4]  }
0x3a: {  	[tilespmem:s2], [sflag:$0x1] =	stream.linear.gather [hbm4b:s0+s2], $0x1000, $0x38;
	[tilespmem:$0x4280] =	vst v63  }
0x3b: {  	s22 =	rddreg [dreg:$0x5]  }
0x3c: {  	[tilespmem:s3], [sflag:$0x1] =	stream.linear.gather [hbm4b:s22+s2], $0x1000, $0x38;
	[tilespmem:$0x4280] =	vst v63  }
0x3d: {  	s23 =	rddreg [dreg:$0x6]  }
0x3e: {  	[tilespmem:s4], [sflag:$0x2] =	stream.linear.gather [hbm4b:s23+s2], $0x1000, $0x38;
	[tilespmem:$0x4280] =	vst v63  }
0x3f: {  	s30 =	rddreg [dreg:$0x7]  }
0x40: {  	[tilespmem:s5], [sflag:$0x2] =	stream.linear.gather [hbm4b:s30+s2], $0x1000, $0x38;
	[tilespmem:$0x4280] =	vst v63  }
0x41: {  	_ =	swait.ge [sflag:s24], $0x1000  }
0x42: {  	[sflag:s24] =	ssyncset.done $0x0  }
0x43: {  	[sflag:s24] =	ssyncadd.s32 $0xFFFFF000  }
0x44: {  	_ =	swait.ge [sflag:s24], $0x1000  }
0x45: {  	[sflag:s24] =	ssyncset.done $0x0  }
0x46: {  	s1 =	simm.s32 $0x1020;
	[sflag:s24] =	ssyncadd.s32 $0xFFFFF000  }
0x47: {  	v2 =	vld [tilespmem:s1+$0x10];
	_ =	sdelay $0x2  }
0x48: {  	v3 =	vld [tilespmem:s1+$0xFFFFFFE0]  }
0x49: {  	v7 =	vld [tilespmem:s1+$0x0]  }
0x4a: {  	s0 =	simm.s32 $0x20;
	v5 =	vld [tilespmem:s1+$0xFFFFFFF0];
	v2 =	vshll.u32 v2, $0x4  }
0x4b: {  	v8 =	vld [tilespmem:s0+$0x10];
	v9 =	vor.u32 v1, v2;
	_ =	sdelay $0x1  }
0x4c: {  	v6 =	vld [tilespmem:s0+$0x0]  }
0x4d: {  	v3 =	vshll.u32 v3, $0x4;
	v10 =	vshll.u32 v7, $0x4;
	v7 =	vld [tilespmem:s0+$0xFFFFFFE0]  }
0x4e: {  	v2 =	vld [tilespmem:s0+$0xFFFFFFF0];
	v4 =	vor.u32 v1, v3;
	v3 =	vshll.u32 v5, $0x4  }
0x4f: {  	s29 =	simm.s32 $0x1060;
	s1 =	simm.s32 $0x0;
	v5 =	vor.u32 v1, v3;
	v3 =	vor.u32 v1, v10;
	[tilespmem:v9+s25+$0x0] =	vst.idx.add.f32.msk $0xffff, v8  }
.LBB2_2:
0x50: {  	v8 =	vld [tilespmem:s29+$0x10];
	s1 =	sadd.s32 $0x4, s1  }
0x51: {  	v9 =	vld [tilespmem:s29+$0xFFFFFFE0];
	p0 =	slt.u32 s1, $0xFC;
	v10 =	vmov v6  }
0x52: {  	v6 =	vld [tilespmem:s29+$0xFFFFFFF0]  }
0x53: {  	v11 =	vld [tilespmem:s29+$0x0]  }
0x54: {  	[tilespmem:v4+s25+$0x0] =	vst.idx.add.f32.msk $0xffff, v7  }
0x55: {  	s0 =	sadd.s32 $0x40, s0;
	v4 =	vshll.u32 v8, $0x4;
	[tilespmem:v5+s25+$0x0] =	vst.idx.add.f32.msk $0xffff, v2  }
0x56: {  	v2 =	vshll.u32 v9, $0x4;
	v8 =	vld [tilespmem:s0+$0x10];
	v9 =	vor.u32 v1, v4  }
.Ltmp0:
0x57: {  	v4 =	vor.u32 v1, v2;
	v2 =	vld [tilespmem:s0+$0xFFFFFFF0];
	v5 =	vshll.u32 v6, $0x4;
	(pc) =	sbr.rel @p0 .LBB2_2-.Ltmp0, $4  }
0x58: {  	v5 =	vor.u32 v1, v5;
	v6 =	vld [tilespmem:s0+$0x0];
	v11 =	vshll.u32 v11, $0x4  }
0x59: {  	v7 =	vld [tilespmem:s0+$0xFFFFFFE0];
	v11 =	vor.u32 v1, v11  }
0x5a: {  	[tilespmem:v3+s25+$0x0] =	vst.idx.add.f32.msk $0xffff, v10;
	v3 =	vmov v11  }
0x5b: {  	s29 =	sadd.s32 $0x40, s29;
	[tilespmem:v9+s25+$0x0] =	vst.idx.add.f32.msk $0xffff, v8  }
0x5c: {  	_ =	sdelay $0x3  }
0x5d: {  	[tilespmem:v5+s25+$0x0] =	vst.idx.add.f32.msk $0xffff, v2  }
0x5e: {  	[tilespmem:v3+s25+$0x0] =	vst.idx.add.f32.msk $0xffff, v6  }
0x5f: {  	[tilespmem:v4+s25+$0x0] =	vst.idx.add.f32.msk $0xffff, v7  }
0x60: {  	s0 =	rddreg [dreg:$0x8]  }
0x61: {  	[tilespmem:s2], [sflag:$0x1] =	stream.linear.gather [hbm4b:s0+s2], $0x1000, $0x38;
	[tilespmem:$0x4280] =	vst v63  }
0x62: {  	s30 =	rddreg [dreg:$0x9]  }
0x63: {  	[tilespmem:s3], [sflag:$0x1] =	stream.linear.gather [hbm4b:s30+s2], $0x1000, $0x38;
	[tilespmem:$0x4280] =	vst v63  }
0x64: {  	_ =	swait.ge [sflag:s26], $0x1000  }
0x65: {  	[sflag:s26] =	ssyncset.done $0x0  }
0x66: {  	[sflag:s26] =	ssyncadd.s32 $0xFFFFF000  }
0x67: {  	_ =	swait.ge [sflag:s26], $0x1000  }
0x68: {  	[sflag:s26] =	ssyncset.done $0x0  }
0x69: {  	s1 =	simm.s32 $0x3020;
	[sflag:s26] =	ssyncadd.s32 $0xFFFFF000  }
0x6a: {  	v2 =	vld [tilespmem:s1+$0x10];
	_ =	sdelay $0x2  }
0x6b: {  	v3 =	vld [tilespmem:s1+$0xFFFFFFE0]  }
0x6c: {  	v7 =	vld [tilespmem:s1+$0x0]  }
0x6d: {  	s0 =	simm.s32 $0x2020;
	v5 =	vld [tilespmem:s1+$0xFFFFFFF0];
	v2 =	vshll.u32 v2, $0x4  }
0x6e: {  	v8 =	vld [tilespmem:s0+$0x10];
	v9 =	vor.u32 v1, v2;
	_ =	sdelay $0x1  }
0x6f: {  	v6 =	vld [tilespmem:s0+$0x0]  }
0x70: {  	v3 =	vshll.u32 v3, $0x4;
	v10 =	vshll.u32 v7, $0x4;
	v7 =	vld [tilespmem:s0+$0xFFFFFFE0]  }
0x71: {  	v2 =	vld [tilespmem:s0+$0xFFFFFFF0];
	v4 =	vor.u32 v1, v3;
	v3 =	vshll.u32 v5, $0x4  }
0x72: {  	s29 =	simm.s32 $0x3060;
	s1 =	simm.s32 $0x0;
	v5 =	vor.u32 v1, v3;
	v3 =	vor.u32 v1, v10;
	[tilespmem:v9+s28+$0x0] =	vst.idx.add.f32.msk $0xffff, v8  }
.LBB2_4:
0x73: {  	v8 =	vld [tilespmem:s29+$0x10];
	s1 =	sadd.s32 $0x4, s1  }
0x74: {  	v9 =	vld [tilespmem:s29+$0xFFFFFFE0];
	p0 =	slt.u32 s1, $0xFC;
	v10 =	vmov v6  }
0x75: {  	v6 =	vld [tilespmem:s29+$0xFFFFFFF0]  }
0x76: {  	v11 =	vld [tilespmem:s29+$0x0]  }
0x77: {  	[tilespmem:v4+s28+$0x0] =	vst.idx.add.f32.msk $0xffff, v7  }
0x78: {  	s0 =	sadd.s32 $0x40, s0;
	v4 =	vshll.u32 v8, $0x4;
	[tilespmem:v5+s28+$0x0] =	vst.idx.add.f32.msk $0xffff, v2  }
0x79: {  	v2 =	vshll.u32 v9, $0x4;
	v8 =	vld [tilespmem:s0+$0x10];
	v9 =	vor.u32 v1, v4  }
.Ltmp1:
0x7a: {  	v4 =	vor.u32 v1, v2;
	v2 =	vld [tilespmem:s0+$0xFFFFFFF0];
	v5 =	vshll.u32 v6, $0x4;
	(pc) =	sbr.rel @p0 .LBB2_4-.Ltmp1, $4  }
0x7b: {  	v5 =	vor.u32 v1, v5;
	v6 =	vld [tilespmem:s0+$0x0];
	v11 =	vshll.u32 v11, $0x4  }
0x7c: {  	v7 =	vld [tilespmem:s0+$0xFFFFFFE0];
	v11 =	vor.u32 v1, v11  }
0x7d: {  	[tilespmem:v3+s28+$0x0] =	vst.idx.add.f32.msk $0xffff, v10;
	v3 =	vmov v11  }
0x7e: {  	s29 =	sadd.s32 $0x40, s29;
	[tilespmem:v9+s28+$0x0] =	vst.idx.add.f32.msk $0xffff, v8  }
0x7f: {  	_ =	sdelay $0x3  }
0x80: {  	[tilespmem:v5+s28+$0x0] =	vst.idx.add.f32.msk $0xffff, v2  }
0x81: {  	[tilespmem:v3+s28+$0x0] =	vst.idx.add.f32.msk $0xffff, v6  }
0x82: {  	[tilespmem:v4+s28+$0x0] =	vst.idx.add.f32.msk $0xffff, v7  }
0x83: {  	s0 =	rddreg [dreg:$0xa]  }
0x84: {  	[tilespmem:s4], [sflag:$0x2] =	stream.linear.gather [hbm4b:s0+s2], $0x1000, $0x38;
	[tilespmem:$0x4280] =	vst v63  }
0x85: {  	s30 =	rddreg [dreg:$0xb]  }
0x86: {  	[tilespmem:s5], [sflag:$0x2] =	stream.linear.gather [hbm4b:s30+s2], $0x1000, $0x38;
	[tilespmem:$0x4280] =	vst v63  }
0x87: {  	_ =	swait.ge [sflag:s24], $0x1000  }
0x88: {  	[sflag:s24] =	ssyncset.done $0x0  }
0x89: {  	[sflag:s24] =	ssyncadd.s32 $0xFFFFF000  }
0x8a: {  	_ =	swait.ge [sflag:s24], $0x1000  }
0x8b: {  	[sflag:s24] =	ssyncset.done $0x0  }
0x8c: {  	s1 =	simm.s32 $0x1020;
	[sflag:s24] =	ssyncadd.s32 $0xFFFFF000  }
0x8d: {  	v2 =	vld [tilespmem:s1+$0x10];
	_ =	sdelay $0x2  }
0x8e: {  	v3 =	vld [tilespmem:s1+$0xFFFFFFE0]  }
0x8f: {  	v7 =	vld [tilespmem:s1+$0x0]  }
0x90: {  	s0 =	simm.s32 $0x20;
	v5 =	vld [tilespmem:s1+$0xFFFFFFF0];
	v2 =	vshll.u32 v2, $0x4  }
0x91: {  	v8 =	vld [tilespmem:s0+$0x10];
	v9 =	vor.u32 v1, v2;
	_ =	sdelay $0x1  }
0x92: {  	v6 =	vld [tilespmem:s0+$0x0]  }
0x93: {  	v3 =	vshll.u32 v3, $0x4;
	v10 =	vshll.u32 v7, $0x4;
	v7 =	vld [tilespmem:s0+$0xFFFFFFE0]  }
0x94: {  	v2 =	vld [tilespmem:s0+$0xFFFFFFF0];
	v4 =	vor.u32 v1, v3;
	v3 =	vshll.u32 v5, $0x4  }
0x95: {  	s29 =	simm.s32 $0x1060;
	s1 =	simm.s32 $0x0;
	v5 =	vor.u32 v1, v3;
	v3 =	vor.u32 v1, v10;
	[tilespmem:v9+s25+$0x0] =	vst.idx.add.f32.msk $0xffff, v8  }
.LBB2_6:
0x96: {  	v8 =	vld [tilespmem:s29+$0x10];
	s1 =	sadd.s32 $0x4, s1  }
0x97: {  	v9 =	vld [tilespmem:s29+$0xFFFFFFE0];
	p0 =	slt.u32 s1, $0xFC;
	v10 =	vmov v6  }
0x98: {  	v6 =	vld [tilespmem:s29+$0xFFFFFFF0]  }
0x99: {  	v11 =	vld [tilespmem:s29+$0x0]  }
0x9a: {  	[tilespmem:v4+s25+$0x0] =	vst.idx.add.f32.msk $0xffff, v7  }
0x9b: {  	s0 =	sadd.s32 $0x40, s0;
	v4 =	vshll.u32 v8, $0x4;
	[tilespmem:v5+s25+$0x0] =	vst.idx.add.f32.msk $0xffff, v2  }
0x9c: {  	v2 =	vshll.u32 v9, $0x4;
	v8 =	vld [tilespmem:s0+$0x10];
	v9 =	vor.u32 v1, v4  }
.Ltmp2:
0x9d: {  	v4 =	vor.u32 v1, v2;
	v2 =	vld [tilespmem:s0+$0xFFFFFFF0];
	v5 =	vshll.u32 v6, $0x4;
	(pc) =	sbr.rel @p0 .LBB2_6-.Ltmp2, $4  }
0x9e: {  	v5 =	vor.u32 v1, v5;
	v6 =	vld [tilespmem:s0+$0x0];
	v11 =	vshll.u32 v11, $0x4  }
0x9f: {  	v7 =	vld [tilespmem:s0+$0xFFFFFFE0];
	v11 =	vor.u32 v1, v11  }
0xa0: {  	[tilespmem:v3+s25+$0x0] =	vst.idx.add.f32.msk $0xffff, v10;
	v3 =	vmov v11  }
0xa1: {  	s29 =	sadd.s32 $0x40, s29;
	[tilespmem:v9+s25+$0x0] =	vst.idx.add.f32.msk $0xffff, v8  }
0xa2: {  	_ =	sdelay $0x3  }
0xa3: {  	[tilespmem:v5+s25+$0x0] =	vst.idx.add.f32.msk $0xffff, v2  }
0xa4: {  	[tilespmem:v3+s25+$0x0] =	vst.idx.add.f32.msk $0xffff, v6  }
0xa5: {  	[tilespmem:v4+s25+$0x0] =	vst.idx.add.f32.msk $0xffff, v7  }
0xa6: {  	s0 =	rddreg [dreg:$0xc]  }
0xa7: {  	[tilespmem:s2], [sflag:$0x1] =	stream.linear.gather [hbm4b:s0+s2], $0x1000, $0x38;
	[tilespmem:$0x4280] =	vst v63  }
0xa8: {  	s30 =	rddreg [dreg:$0xd]  }
0xa9: {  	[tilespmem:s3], [sflag:$0x1] =	stream.linear.gather [hbm4b:s30+s2], $0x1000, $0x38;
	[tilespmem:$0x4280] =	vst v63  }
0xaa: {  	_ =	swait.ge [sflag:s26], $0x1000  }
0xab: {  	[sflag:s26] =	ssyncset.done $0x0  }
0xac: {  	[sflag:s26] =	ssyncadd.s32 $0xFFFFF000  }
0xad: {  	_ =	swait.ge [sflag:s26], $0x1000  }
0xae: {  	[sflag:s26] =	ssyncset.done $0x0  }
0xaf: {  	s1 =	simm.s32 $0x3020;
	[sflag:s26] =	ssyncadd.s32 $0xFFFFF000  }
0xb0: {  	v2 =	vld [tilespmem:s1+$0x10];
	_ =	sdelay $0x2  }
0xb1: {  	v3 =	vld [tilespmem:s1+$0xFFFFFFE0]  }
0xb2: {  	v7 =	vld [tilespmem:s1+$0x0]  }
0xb3: {  	s0 =	simm.s32 $0x2020;
	v5 =	vld [tilespmem:s1+$0xFFFFFFF0];
	v2 =	vshll.u32 v2, $0x4  }
0xb4: {  	v8 =	vld [tilespmem:s0+$0x10];
	v9 =	vor.u32 v1, v2;
	_ =	sdelay $0x1  }
0xb5: {  	v6 =	vld [tilespmem:s0+$0x0]  }
0xb6: {  	v3 =	vshll.u32 v3, $0x4;
	v10 =	vshll.u32 v7, $0x4;
	v7 =	vld [tilespmem:s0+$0xFFFFFFE0]  }
0xb7: {  	v2 =	vld [tilespmem:s0+$0xFFFFFFF0];
	v4 =	vor.u32 v1, v3;
	v3 =	vshll.u32 v5, $0x4  }
0xb8: {  	s29 =	simm.s32 $0x3060;
	s1 =	simm.s32 $0x0;
	v5 =	vor.u32 v1, v3;
	v3 =	vor.u32 v1, v10;
	[tilespmem:v9+s28+$0x0] =	vst.idx.add.f32.msk $0xffff, v8  }
.LBB2_8:
0xb9: {  	v8 =	vld [tilespmem:s29+$0x10];
	s1 =	sadd.s32 $0x4, s1  }
0xba: {  	v9 =	vld [tilespmem:s29+$0xFFFFFFE0];
	p0 =	slt.u32 s1, $0xFC;
	v10 =	vmov v6  }
0xbb: {  	v6 =	vld [tilespmem:s29+$0xFFFFFFF0]  }
0xbc: {  	v11 =	vld [tilespmem:s29+$0x0]  }
0xbd: {  	[tilespmem:v4+s28+$0x0] =	vst.idx.add.f32.msk $0xffff, v7  }
0xbe: {  	s0 =	sadd.s32 $0x40, s0;
	v4 =	vshll.u32 v8, $0x4;
	[tilespmem:v5+s28+$0x0] =	vst.idx.add.f32.msk $0xffff, v2  }
0xbf: {  	v2 =	vshll.u32 v9, $0x4;
	v8 =	vld [tilespmem:s0+$0x10];
	v9 =	vor.u32 v1, v4  }
.Ltmp3:
0xc0: {  	v4 =	vor.u32 v1, v2;
	v2 =	vld [tilespmem:s0+$0xFFFFFFF0];
	v5 =	vshll.u32 v6, $0x4;
	(pc) =	sbr.rel @p0 .LBB2_8-.Ltmp3, $4  }
0xc1: {  	v5 =	vor.u32 v1, v5;
	v6 =	vld [tilespmem:s0+$0x0];
	v11 =	vshll.u32 v11, $0x4  }
0xc2: {  	v7 =	vld [tilespmem:s0+$0xFFFFFFE0];
	v11 =	vor.u32 v1, v11  }
0xc3: {  	[tilespmem:v3+s28+$0x0] =	vst.idx.add.f32.msk $0xffff, v10;
	v3 =	vmov v11  }
0xc4: {  	s29 =	sadd.s32 $0x40, s29;
	[tilespmem:v9+s28+$0x0] =	vst.idx.add.f32.msk $0xffff, v8  }
0xc5: {  	_ =	sdelay $0x3  }
0xc6: {  	[tilespmem:v5+s28+$0x0] =	vst.idx.add.f32.msk $0xffff, v2  }
0xc7: {  	[tilespmem:v3+s28+$0x0] =	vst.idx.add.f32.msk $0xffff, v6  }
0xc8: {  	[tilespmem:v4+s28+$0x0] =	vst.idx.add.f32.msk $0xffff, v7  }
0xc9: {  	s0 =	rddreg [dreg:$0xe]  }
0xca: {  	[tilespmem:s4], [sflag:$0x2] =	stream.linear.gather [hbm4b:s0+s2], $0x1000, $0x38;
	[tilespmem:$0x4280] =	vst v63  }
0xcb: {  	s30 =	rddreg [dreg:$0xf]  }
0xcc: {  	[tilespmem:s5], [sflag:$0x2] =	stream.linear.gather [hbm4b:s30+s2], $0x1000, $0x38;
	[tilespmem:$0x4280] =	vst v63  }
0xcd: {  	_ =	swait.ge [sflag:s24], $0x1000  }
0xce: {  	[sflag:s24] =	ssyncset.done $0x0  }
0xcf: {  	[sflag:s24] =	ssyncadd.s32 $0xFFFFF000  }
0xd0: {  	_ =	swait.ge [sflag:s24], $0x1000  }
0xd1: {  	[sflag:s24] =	ssyncset.done $0x0  }
0xd2: {  	s1 =	simm.s32 $0x1020;
	[sflag:s24] =	ssyncadd.s32 $0xFFFFF000  }
0xd3: {  	v2 =	vld [tilespmem:s1+$0x10];
	_ =	sdelay $0x2  }
0xd4: {  	v3 =	vld [tilespmem:s1+$0xFFFFFFE0]  }
0xd5: {  	v7 =	vld [tilespmem:s1+$0x0]  }
0xd6: {  	s0 =	simm.s32 $0x20;
	v5 =	vld [tilespmem:s1+$0xFFFFFFF0];
	v2 =	vshll.u32 v2, $0x4  }
0xd7: {  	v8 =	vld [tilespmem:s0+$0x10];
	v9 =	vor.u32 v1, v2;
	_ =	sdelay $0x1  }
0xd8: {  	v6 =	vld [tilespmem:s0+$0x0]  }
0xd9: {  	v3 =	vshll.u32 v3, $0x4;
	v10 =	vshll.u32 v7, $0x4;
	v7 =	vld [tilespmem:s0+$0xFFFFFFE0]  }
0xda: {  	v2 =	vld [tilespmem:s0+$0xFFFFFFF0];
	v4 =	vor.u32 v1, v3;
	v3 =	vshll.u32 v5, $0x4  }
0xdb: {  	s29 =	simm.s32 $0x1060;
	s1 =	simm.s32 $0x0;
	v5 =	vor.u32 v1, v3;
	v3 =	vor.u32 v1, v10;
	[tilespmem:v9+s25+$0x0] =	vst.idx.add.f32.msk $0xffff, v8  }
.LBB2_10:
0xdc: {  	v8 =	vld [tilespmem:s29+$0x10];
	s1 =	sadd.s32 $0x4, s1  }
0xdd: {  	v9 =	vld [tilespmem:s29+$0xFFFFFFE0];
	p0 =	slt.u32 s1, $0xFC;
	v10 =	vmov v6  }
0xde: {  	v6 =	vld [tilespmem:s29+$0xFFFFFFF0]  }
0xdf: {  	v11 =	vld [tilespmem:s29+$0x0]  }
0xe0: {  	[tilespmem:v4+s25+$0x0] =	vst.idx.add.f32.msk $0xffff, v7  }
0xe1: {  	s0 =	sadd.s32 $0x40, s0;
	v4 =	vshll.u32 v8, $0x4;
	[tilespmem:v5+s25+$0x0] =	vst.idx.add.f32.msk $0xffff, v2  }
0xe2: {  	v2 =	vshll.u32 v9, $0x4;
	v8 =	vld [tilespmem:s0+$0x10];
	v9 =	vor.u32 v1, v4  }
.Ltmp4:
0xe3: {  	v4 =	vor.u32 v1, v2;
	v2 =	vld [tilespmem:s0+$0xFFFFFFF0];
	v5 =	vshll.u32 v6, $0x4;
	(pc) =	sbr.rel @p0 .LBB2_10-.Ltmp4, $4  }
0xe4: {  	v5 =	vor.u32 v1, v5;
	v6 =	vld [tilespmem:s0+$0x0];
	v11 =	vshll.u32 v11, $0x4  }
0xe5: {  	v7 =	vld [tilespmem:s0+$0xFFFFFFE0];
	v11 =	vor.u32 v1, v11  }
0xe6: {  	[tilespmem:v3+s25+$0x0] =	vst.idx.add.f32.msk $0xffff, v10;
	v3 =	vmov v11  }
0xe7: {  	s29 =	sadd.s32 $0x40, s29;
	[tilespmem:v9+s25+$0x0] =	vst.idx.add.f32.msk $0xffff, v8  }
0xe8: {  	_ =	sdelay $0x3  }
0xe9: {  	[tilespmem:v5+s25+$0x0] =	vst.idx.add.f32.msk $0xffff, v2  }
0xea: {  	[tilespmem:v3+s25+$0x0] =	vst.idx.add.f32.msk $0xffff, v6  }
0xeb: {  	[tilespmem:v4+s25+$0x0] =	vst.idx.add.f32.msk $0xffff, v7  }
0xec: {  	s0 =	rddreg [dreg:$0x10]  }
0xed: {  	[tilespmem:s2], [sflag:$0x1] =	stream.linear.gather [hbm4b:s0+s2], $0x1000, $0x38;
	[tilespmem:$0x4280] =	vst v63  }
0xee: {  	s30 =	rddreg [dreg:$0x11]  }
0xef: {  	[tilespmem:s3], [sflag:$0x1] =	stream.linear.gather [hbm4b:s30+s2], $0x1000, $0x38;
	[tilespmem:$0x4280] =	vst v63  }
0xf0: {  	_ =	swait.ge [sflag:s26], $0x1000  }
0xf1: {  	[sflag:s26] =	ssyncset.done $0x0  }
0xf2: {  	[sflag:s26] =	ssyncadd.s32 $0xFFFFF000  }
0xf3: {  	_ =	swait.ge [sflag:s26], $0x1000  }
0xf4: {  	[sflag:s26] =	ssyncset.done $0x0  }
0xf5: {  	s1 =	simm.s32 $0x3020;
	[sflag:s26] =	ssyncadd.s32 $0xFFFFF000  }
0xf6: {  	v2 =	vld [tilespmem:s1+$0x10];
	_ =	sdelay $0x2  }
0xf7: {  	v3 =	vld [tilespmem:s1+$0xFFFFFFE0]  }
0xf8: {  	v7 =	vld [tilespmem:s1+$0x0]  }
0xf9: {  	s0 =	simm.s32 $0x2020;
	v5 =	vld [tilespmem:s1+$0xFFFFFFF0];
	v2 =	vshll.u32 v2, $0x4  }
0xfa: {  	v8 =	vld [tilespmem:s0+$0x10];
	v9 =	vor.u32 v1, v2;
	_ =	sdelay $0x1  }
0xfb: {  	v6 =	vld [tilespmem:s0+$0x0]  }
0xfc: {  	v3 =	vshll.u32 v3, $0x4;
	v10 =	vshll.u32 v7, $0x4;
	v7 =	vld [tilespmem:s0+$0xFFFFFFE0]  }
0xfd: {  	v2 =	vld [tilespmem:s0+$0xFFFFFFF0];
	v4 =	vor.u32 v1, v3;
	v3 =	vshll.u32 v5, $0x4  }
0xfe: {  	s29 =	simm.s32 $0x3060;
	s1 =	simm.s32 $0x0;
	v5 =	vor.u32 v1, v3;
	v3 =	vor.u32 v1, v10;
	[tilespmem:v9+s28+$0x0] =	vst.idx.add.f32.msk $0xffff, v8  }
.LBB2_12:
0xff: {  	v8 =	vld [tilespmem:s29+$0x10];
	s1 =	sadd.s32 $0x4, s1  }
0x100: {  	v9 =	vld [tilespmem:s29+$0xFFFFFFE0];
	p0 =	slt.u32 s1, $0xFC;
	v10 =	vmov v6  }
0x101: {  	v6 =	vld [tilespmem:s29+$0xFFFFFFF0]  }
0x102: {  	v11 =	vld [tilespmem:s29+$0x0]  }
0x103: {  	[tilespmem:v4+s28+$0x0] =	vst.idx.add.f32.msk $0xffff, v7  }
0x104: {  	s0 =	sadd.s32 $0x40, s0;
	v4 =	vshll.u32 v8, $0x4;
	[tilespmem:v5+s28+$0x0] =	vst.idx.add.f32.msk $0xffff, v2  }
0x105: {  	v2 =	vshll.u32 v9, $0x4;
	v8 =	vld [tilespmem:s0+$0x10];
	v9 =	vor.u32 v1, v4  }
.Ltmp5:
0x106: {  	v4 =	vor.u32 v1, v2;
	v2 =	vld [tilespmem:s0+$0xFFFFFFF0];
	v5 =	vshll.u32 v6, $0x4;
	(pc) =	sbr.rel @p0 .LBB2_12-.Ltmp5, $4  }
0x107: {  	v5 =	vor.u32 v1, v5;
	v6 =	vld [tilespmem:s0+$0x0];
	v11 =	vshll.u32 v11, $0x4  }
0x108: {  	v7 =	vld [tilespmem:s0+$0xFFFFFFE0];
	v11 =	vor.u32 v1, v11  }
0x109: {  	[tilespmem:v3+s28+$0x0] =	vst.idx.add.f32.msk $0xffff, v10;
	v3 =	vmov v11  }
0x10a: {  	s29 =	sadd.s32 $0x40, s29;
	[tilespmem:v9+s28+$0x0] =	vst.idx.add.f32.msk $0xffff, v8  }
0x10b: {  	_ =	sdelay $0x3  }
0x10c: {  	[tilespmem:v5+s28+$0x0] =	vst.idx.add.f32.msk $0xffff, v2  }
0x10d: {  	[tilespmem:v3+s28+$0x0] =	vst.idx.add.f32.msk $0xffff, v6  }
0x10e: {  	[tilespmem:v4+s28+$0x0] =	vst.idx.add.f32.msk $0xffff, v7  }
0x10f: {  	s0 =	rddreg [dreg:$0x12]  }
0x110: {  	[tilespmem:s4], [sflag:$0x2] =	stream.linear.gather [hbm4b:s0+s2], $0x1000, $0x38;
	[tilespmem:$0x4280] =	vst v63  }
0x111: {  	s30 =	rddreg [dreg:$0x13]  }
0x112: {  	[tilespmem:s5], [sflag:$0x2] =	stream.linear.gather [hbm4b:s30+s2], $0x1000, $0x38;
	[tilespmem:$0x4280] =	vst v63  }
0x113: {  	_ =	swait.ge [sflag:s24], $0x1000  }
0x114: {  	[sflag:s24] =	ssyncset.done $0x0  }
0x115: {  	[sflag:s24] =	ssyncadd.s32 $0xFFFFF000  }
0x116: {  	_ =	swait.ge [sflag:s24], $0x1000  }
0x117: {  	[sflag:s24] =	ssyncset.done $0x0  }
0x118: {  	s1 =	simm.s32 $0x1020;
	[sflag:s24] =	ssyncadd.s32 $0xFFFFF000  }
0x119: {  	v2 =	vld [tilespmem:s1+$0x10];
	_ =	sdelay $0x2  }
0x11a: {  	v3 =	vld [tilespmem:s1+$0xFFFFFFE0]  }
0x11b: {  	v7 =	vld [tilespmem:s1+$0x0]  }
0x11c: {  	s0 =	simm.s32 $0x20;
	v5 =	vld [tilespmem:s1+$0xFFFFFFF0];
	v2 =	vshll.u32 v2, $0x4  }
0x11d: {  	v8 =	vld [tilespmem:s0+$0x10];
	v9 =	vor.u32 v1, v2;
	_ =	sdelay $0x1  }
0x11e: {  	v6 =	vld [tilespmem:s0+$0x0]  }
0x11f: {  	v3 =	vshll.u32 v3, $0x4;
	v10 =	vshll.u32 v7, $0x4;
	v7 =	vld [tilespmem:s0+$0xFFFFFFE0]  }
0x120: {  	v2 =	vld [tilespmem:s0+$0xFFFFFFF0];
	v4 =	vor.u32 v1, v3;
	v3 =	vshll.u32 v5, $0x4  }
0x121: {  	s29 =	simm.s32 $0x1060;
	s1 =	simm.s32 $0x0;
	v5 =	vor.u32 v1, v3;
	v3 =	vor.u32 v1, v10;
	[tilespmem:v9+s25+$0x0] =	vst.idx.add.f32.msk $0xffff, v8  }
.LBB2_14:
0x122: {  	v8 =	vld [tilespmem:s29+$0x10];
	s1 =	sadd.s32 $0x4, s1  }
0x123: {  	v9 =	vld [tilespmem:s29+$0xFFFFFFE0];
	p0 =	slt.u32 s1, $0xFC;
	v10 =	vmov v6  }
0x124: {  	v6 =	vld [tilespmem:s29+$0xFFFFFFF0]  }
0x125: {  	v11 =	vld [tilespmem:s29+$0x0]  }
0x126: {  	[tilespmem:v4+s25+$0x0] =	vst.idx.add.f32.msk $0xffff, v7  }
0x127: {  	s0 =	sadd.s32 $0x40, s0;
	v4 =	vshll.u32 v8, $0x4;
	[tilespmem:v5+s25+$0x0] =	vst.idx.add.f32.msk $0xffff, v2  }
0x128: {  	v2 =	vshll.u32 v9, $0x4;
	v8 =	vld [tilespmem:s0+$0x10];
	v9 =	vor.u32 v1, v4  }
.Ltmp6:
0x129: {  	v4 =	vor.u32 v1, v2;
	v2 =	vld [tilespmem:s0+$0xFFFFFFF0];
	v5 =	vshll.u32 v6, $0x4;
	(pc) =	sbr.rel @p0 .LBB2_14-.Ltmp6, $4  }
0x12a: {  	v5 =	vor.u32 v1, v5;
	v6 =	vld [tilespmem:s0+$0x0];
	v11 =	vshll.u32 v11, $0x4  }
0x12b: {  	v7 =	vld [tilespmem:s0+$0xFFFFFFE0];
	v11 =	vor.u32 v1, v11  }
0x12c: {  	[tilespmem:v3+s25+$0x0] =	vst.idx.add.f32.msk $0xffff, v10;
	v3 =	vmov v11  }
0x12d: {  	s29 =	sadd.s32 $0x40, s29;
	[tilespmem:v9+s25+$0x0] =	vst.idx.add.f32.msk $0xffff, v8  }
0x12e: {  	_ =	sdelay $0x3  }
0x12f: {  	[tilespmem:v5+s25+$0x0] =	vst.idx.add.f32.msk $0xffff, v2  }
0x130: {  	[tilespmem:v3+s25+$0x0] =	vst.idx.add.f32.msk $0xffff, v6  }
0x131: {  	[tilespmem:v4+s25+$0x0] =	vst.idx.add.f32.msk $0xffff, v7  }
0x132: {  	_ =	swait.ge [sflag:s26], $0x1000  }
0x133: {  	[sflag:s26] =	ssyncset.done $0x0  }
0x134: {  	[sflag:s26] =	ssyncadd.s32 $0xFFFFF000  }
0x135: {  	_ =	swait.ge [sflag:s26], $0x1000  }
0x136: {  	[sflag:s26] =	ssyncset.done $0x0  }
0x137: {  	s1 =	simm.s32 $0x3020;
	[sflag:s26] =	ssyncadd.s32 $0xFFFFF000  }
0x138: {  	v2 =	vld [tilespmem:s1+$0x10];
	_ =	sdelay $0x2  }
0x139: {  	v3 =	vld [tilespmem:s1+$0xFFFFFFE0]  }
0x13a: {  	v7 =	vld [tilespmem:s1+$0x0]  }
0x13b: {  	s0 =	simm.s32 $0x2020;
	v5 =	vld [tilespmem:s1+$0xFFFFFFF0];
	v2 =	vshll.u32 v2, $0x4  }
0x13c: {  	v8 =	vld [tilespmem:s0+$0x10];
	v9 =	vor.u32 v1, v2;
	_ =	sdelay $0x1  }
0x13d: {  	v6 =	vld [tilespmem:s0+$0x0]  }
0x13e: {  	v3 =	vshll.u32 v3, $0x4;
	v10 =	vshll.u32 v7, $0x4;
	v7 =	vld [tilespmem:s0+$0xFFFFFFE0]  }
0x13f: {  	v2 =	vld [tilespmem:s0+$0xFFFFFFF0];
	v4 =	vor.u32 v1, v3;
	v3 =	vshll.u32 v5, $0x4  }
0x140: {  	s29 =	simm.s32 $0x3060;
	s1 =	simm.s32 $0x0;
	v5 =	vor.u32 v1, v3;
	v3 =	vor.u32 v1, v10;
	[tilespmem:v9+s28+$0x0] =	vst.idx.add.f32.msk $0xffff, v8  }
.LBB2_16:
0x141: {  	v8 =	vld [tilespmem:s29+$0x10];
	s1 =	sadd.s32 $0x4, s1  }
0x142: {  	v9 =	vld [tilespmem:s29+$0xFFFFFFE0];
	p0 =	slt.u32 s1, $0xFC;
	v10 =	vmov v6  }
0x143: {  	v6 =	vld [tilespmem:s29+$0xFFFFFFF0]  }
0x144: {  	v11 =	vld [tilespmem:s29+$0x0]  }
0x145: {  	[tilespmem:v4+s28+$0x0] =	vst.idx.add.f32.msk $0xffff, v7  }
0x146: {  	s0 =	sadd.s32 $0x40, s0;
	v4 =	vshll.u32 v8, $0x4;
	[tilespmem:v5+s28+$0x0] =	vst.idx.add.f32.msk $0xffff, v2  }
0x147: {  	v2 =	vshll.u32 v9, $0x4;
	v8 =	vld [tilespmem:s0+$0x10];
	v9 =	vor.u32 v1, v4  }
.Ltmp7:
0x148: {  	v4 =	vor.u32 v1, v2;
	v2 =	vld [tilespmem:s0+$0xFFFFFFF0];
	v5 =	vshll.u32 v6, $0x4;
	(pc) =	sbr.rel @p0 .LBB2_16-.Ltmp7, $4  }
0x149: {  	v5 =	vor.u32 v1, v5;
	v6 =	vld [tilespmem:s0+$0x0];
	v11 =	vshll.u32 v11, $0x4  }
0x14a: {  	v7 =	vld [tilespmem:s0+$0xFFFFFFE0];
	v11 =	vor.u32 v1, v11  }
0x14b: {  	[tilespmem:v3+s28+$0x0] =	vst.idx.add.f32.msk $0xffff, v10;
	v3 =	vmov v11  }
0x14c: {  	s29 =	sadd.s32 $0x40, s29;
	[tilespmem:v9+s28+$0x0] =	vst.idx.add.f32.msk $0xffff, v8  }
0x14d: {  	_ =	sdelay $0x3  }
0x14e: {  	[tilespmem:v5+s28+$0x0] =	vst.idx.add.f32.msk $0xffff, v2  }
0x14f: {  	[tilespmem:v3+s28+$0x0] =	vst.idx.add.f32.msk $0xffff, v6  }
0x150: {  	[tilespmem:v4+s28+$0x0] =	vst.idx.add.f32.msk $0xffff, v7  }
0x151: {  	v2 =	vld [tilespmem:$0x4000]  }
0x152: {  	v3 =	vld [tilespmem:$0x4100]  }
0x153: {  	v4 =	vld [tilespmem:$0x4010]  }
0x154: {  	v5 =	vld [tilespmem:$0x4110]  }
0x155: {  	v6 =	vld [tilespmem:$0x4020]  }
0x156: {  	(xrf2) =	vadd.scan.msk.f32 $0xffff, v2;
	v2 =	vld [tilespmem:$0x4120]  }
0x157: {  	(xrf2) =	vadd.scan.msk.f32 $0xffff, v3;
	v3 =	vld [tilespmem:$0x4030]  }
0x158: {  	v31 =	vld [tilespmem:$0x4130];
	(xrf2) =	vadd.scan.msk.f32 $0xffff, v4  }
0x159: {  	v32 =	vld [tilespmem:$0x4040];
	(xrf2) =	vadd.scan.msk.f32 $0xffff, v5  }
0x15a: {  	v33 =	vld [tilespmem:$0x4140];
	(xrf2) =	vadd.scan.msk.f32 $0xffff, v6  }
0x15b: {  	(xrf2) =	vadd.scan.msk.f32 $0xffff, v2;
	v2 =	vld [tilespmem:$0x4050]  }
0x15c: {  	(xrf2) =	vadd.scan.msk.f32 $0xffff, v3;
	v3 =	vld [tilespmem:$0x4150]  }
0x15d: {  	v34 =	vld [tilespmem:$0x4060];
	(xrf2) =	vadd.scan.msk.f32 $0xffff, v31  }
0x15e: {  	v35 =	vld [tilespmem:$0x4160];
	(xrf2) =	vadd.scan.msk.f32 $0xffff, v32  }
0x15f: {  	v36 =	vld [tilespmem:$0x4070];
	(xrf2) =	vadd.scan.msk.f32 $0xffff, v33  }
0x160: {  	v37, _, _ =	vpop (xrf2);
	(xrf2) =	vadd.scan.msk.f32 $0xffff, v2;
	v2 =	vld [tilespmem:$0x4170]  }
0x161: {  	(v2sf) =	vpush v37, $0xF;
	v38, _, _ =	vpop (xrf2);
	(xrf2) =	vadd.scan.msk.f32 $0xffff, v3;
	v3 =	vld [tilespmem:$0x4080]  }
0x162: {  	v40 =	vld [tilespmem:$0x4180];
	(v2sf) =	vpush v38, $0xF;
	v39, _, _ =	vpop (xrf2);
	(xrf2) =	vadd.scan.msk.f32 $0xffff, v34  }
0x163: {  	v42 =	vld [tilespmem:$0x4090];
	(v2sf) =	vpush v39, $0xF;
	v41, _, _ =	vpop (xrf2);
	(xrf2) =	vadd.scan.msk.f32 $0xffff, v35  }
0x164: {  	v44 =	vld [tilespmem:$0x4190];
	(v2sf) =	vpush v41, $0xF;
	v43, _, _ =	vpop (xrf2);
	(xrf2) =	vadd.scan.msk.f32 $0xffff, v36  }
0x165: {  	(v2sf) =	vpush v43, $0xF;
	v45, _, _ =	vpop (xrf2);
	(xrf2) =	vadd.scan.msk.f32 $0xffff, v2;
	v2 =	vld [tilespmem:$0x40A0]  }
0x166: {  	(v2sf) =	vpush v45, $0xF;
	v46, _, _ =	vpop (xrf2);
	(xrf2) =	vadd.scan.msk.f32 $0xffff, v3;
	v3 =	vld [tilespmem:$0x41A0]  }
0x167: {  	v48 =	vld [tilespmem:$0x40B0];
	(v2sf) =	vpush v46, $0xF;
	v47, _, _ =	vpop (xrf2);
	(xrf2) =	vadd.scan.msk.f32 $0xffff, v40  }
0x168: {  	v50 =	vld [tilespmem:$0x41B0];
	(v2sf) =	vpush v47, $0xF;
	v49, _, _ =	vpop (xrf2);
	(xrf2) =	vadd.scan.msk.f32 $0xffff, v42  }
0x169: {  	v52 =	vld [tilespmem:$0x40C0];
	(v2sf) =	vpush v49, $0xF;
	v51, _, _ =	vpop (xrf2);
	(xrf2) =	vadd.scan.msk.f32 $0xffff, v44  }
0x16a: {  	(v2sf) =	vpush v51, $0xF;
	v53, _, _ =	vpop (xrf2);
	(xrf2) =	vadd.scan.msk.f32 $0xffff, v2;
	v2 =	vld [tilespmem:$0x41C0]  }
0x16b: {  	(v2sf) =	vpush v53, $0xF;
	v54, _, _ =	vpop (xrf2);
	(xrf2) =	vadd.scan.msk.f32 $0xffff, v3;
	v3 =	vld [tilespmem:$0x40D0]  }
0x16c: {  	v56 =	vld [tilespmem:$0x41D0];
	(v2sf) =	vpush v54, $0xF;
	v55, _, _ =	vpop (xrf2);
	(xrf2) =	vadd.scan.msk.f32 $0xffff, v48  }
0x16d: {  	v58 =	vld [tilespmem:$0x40E0];
	(v2sf) =	vpush v55, $0xF;
	v57, _, _ =	vpop (xrf2);
	(xrf2) =	vadd.scan.msk.f32 $0xffff, v50  }
0x16e: {  	v60 =	vld [tilespmem:$0x41E0];
	(v2sf) =	vpush v57, $0xF;
	v59, _, _ =	vpop (xrf2);
	(xrf2) =	vadd.scan.msk.f32 $0xffff, v52  }
0x16f: {  	(v2sf) =	vpush v59, $0xF;
	v61, _, _ =	vpop (xrf2);
	(xrf2) =	vadd.scan.msk.f32 $0xffff, v2;
	v2 =	vld [tilespmem:$0x40F0]  }
0x170: {  	s0 =	spop (v2sf);
	(v2sf) =	vpush v61, $0xF;
	v62, _, _ =	vpop (xrf2);
	(xrf2) =	vadd.scan.msk.f32 $0xffff, v3  }
0x171: {  	v63 =	vld [tilespmem:$0x41F0];
	s1 =	spop (v2sf);
	(v2sf) =	vpush v62, $0xF;
	v3, _, _ =	vpop (xrf2);
	(xrf2) =	vadd.scan.msk.f32 $0xffff, v56  }
0x172: {  	s29 =	spop (v2sf);
	(v2sf) =	vpush v3, $0xF;
	v3, _, _ =	vpop (xrf2);
	(xrf2) =	vadd.scan.msk.f32 $0xffff, v58  }
0x173: {  	s3 =	spop (v2sf);
	(v2sf) =	vpush v3, $0xF;
	v3, _, _ =	vpop (xrf2);
	(xrf2) =	vadd.scan.msk.f32 $0xffff, v60  }
0x174: {  	s4 =	spop (v2sf);
	(v2sf) =	vpush v3, $0xF;
	v3, _, _ =	vpop (xrf2);
	(xrf2) =	vadd.scan.msk.f32 $0xffff, v2  }
0x175: {  	v2, _, _ =	vpop (xrf2);
	s5 =	spop (v2sf);
	(v2sf) =	vpush v3, $0xF  }
0x176: {  	(xrf2) =	vadd.scan.msk.f32 $0xffff, v63;
	s6 =	spop (v2sf);
	(v2sf) =	vpush v2, $0xF;
	v2, _, _ =	vpop (xrf2)  }
0x177: {  	v3, _, _ =	vpop (xrf2);
	s7 =	spop (v2sf);
	(v2sf) =	vpush v2, $0xF  }
0x178: {  	v2, _, _ =	vpop (xrf2);
	s8 =	spop (v2sf);
	(v2sf) =	vpush v3, $0xF  }
0x179: {  	v3, _, _ =	vpop (xrf2);
	s9 =	spop (v2sf);
	(v2sf) =	vpush v2, $0xF  }
0x17a: {  	v2, _, _ =	vpop (xrf2);
	s10 =	spop (v2sf);
	(v2sf) =	vpush v3, $0xF  }
0x17b: {  	v3, _, _ =	vpop (xrf2);
	s11 =	spop (v2sf);
	(v2sf) =	vpush v2, $0xF  }
0x17c: {  	v2, _, _ =	vpop (xrf2);
	s12 =	spop (v2sf);
	(v2sf) =	vpush v3, $0xF  }
0x17d: {  	v3, _, _ =	vpop (xrf2);
	s13 =	spop (v2sf);
	(v2sf) =	vpush v2, $0xF  }
0x17e: {  	v2, _, _ =	vpop (xrf2);
	s14 =	spop (v2sf);
	(v2sf) =	vpush v3, $0xF  }
0x17f: {  	s15 =	spop (v2sf);
	(v2sf) =	vpush v2, $0xF  }
0x180: {  	v2, _, _ =	vpop (xrf2);
	s16 =	spop (v2sf)  }
0x181: {  	s0 =	sadd.f32 $0.0e+00, s0;
	(v2sf) =	vpush v2, $0xF;
	s17 =	spop (v2sf)  }
0x182: {  	s29 =	sadd.f32 $0.0e+00, s29;
	s18 =	spop (v2sf)  }
0x183: {  	s0 =	sadd.f32 s1, s0;
	s19 =	spop (v2sf)  }
0x184: {  	s3 =	sadd.f32 s3, s29;
	s20 =	spop (v2sf)  }
0x185: {  	s4 =	sadd.f32 $0.0e+00, s4;
	s1 =	spop (v2sf)  }
0x186: {  	s6 =	sadd.f32 $0.0e+00, s6;
	s29 =	spop (v2sf)  }
0x187: {  	s4 =	sadd.f32 s5, s4;
	s30 =	spop (v2sf)  }
0x188: {  	s6 =	sadd.f32 s7, s6;
	s21 =	spop (v2sf)  }
0x189: {  	s8 =	sadd.f32 $0.0e+00, s8;
	s5 =	spop (v2sf)  }
0x18a: {  	s10 =	sadd.f32 $0.0e+00, s10;
	s7 =	spop (v2sf)  }
0x18b: {  	s8 =	sadd.f32 s9, s8;
	s22 =	spop (v2sf)  }
0x18c: {  	s12 =	sadd.f32 $0.0e+00, s12;
	s23 =	spop (v2sf)  }
0x18d: {  	s10 =	sadd.f32 s11, s10;
	s9 =	spop (v2sf)  }
0x18e: {  	s12 =	sadd.f32 s13, s12;
	s11 =	spop (v2sf)  }
0x18f: {  	s11 =	sadd.f32 $0.0e+00, s11  }
0x190: {  	s14 =	sadd.f32 $0.0e+00, s14;
	s13 =	spop (v2sf)  }
0x191: {  	s11 =	sadd.f32 s13, s11  }
0x192: {  	s16 =	sadd.f32 $0.0e+00, s16  }
0x193: {  	s13 =	sadd.f32 s15, s14;
	v2 =	vmov s11  }
0x194: {  	s14 =	sadd.f32 s17, s16;
	v2 =	vsel vm0, s0, v2  }
0x195: {  	s15 =	sadd.f32 $0.0e+00, s18;
	v2 =	vsel vm1, s3, v2  }
0x196: {  	s16 =	sadd.f32 $0.0e+00, s20;
	v2 =	vsel vm2, s4, v2  }
0x197: {  	s17 =	sadd.f32 $0.0e+00, s29;
	v2 =	vsel vm3, s6, v2  }
0x198: {  	s18 =	sadd.f32 $0.0e+00, s21;
	v2 =	vsel vm4, s8, v2  }
0x199: {  	s20 =	sadd.f32 $0.0e+00, s23;
	v2 =	vsel vm5, s10, v2  }
0x19a: {  	s1 =	sadd.f32 s1, s16;
	v2 =	vsel vm6, s12, v2  }
0x19b: {  	s0 =	sadd.f32 s19, s15;
	v2 =	vsel vm7, s13, v2  }
0x19c: {  	s19 =	sadd.f32 $0.0e+00, s7;
	v2 =	vsel vm8, s14, v2  }
0x19d: {  	s3 =	sadd.f32 s30, s17;
	v2 =	vsel vm9, s0, v2  }
0x19e: {  	s4 =	sadd.f32 s5, s18;
	v2 =	vsel vm10, s1, v2  }
0x19f: {  	s21 =	sadd.f32 s22, s19;
	v2 =	vsel vm11, s3, v2  }
0x1a0: {  	s0 =	sadd.f32 s9, s20;
	v2 =	vsel vm12, s4, v2  }
0x1a1: {  	v2 =	vsel vm13, s21, v2  }
0x1a2: {  	v2 =	vsel vm14, s0, v2  }
0x1a3: {  	s23 =	simm.s32 $0x4200;
	s29 =	simm.s32 $0x3;
	s22 =	rddreg [dreg:$0x14];
	[tilespmem:$0x4200] =	vst v2  }
0x1a4: {  	[hbm4b:s22+s2] =	stream.linear.scatter [tilespmem:s23], [sflag:$0x3], $0x80, $0x38;
	[tilespmem:$0x4280] =	vst v63  }
0x1a5: {  	_ =	swait.ge [sflag:s29], $0x80  }
0x1a6: {  	s31 =	sadd.s32 $0x1, s31;
	s30 =	rddreg [dreg:$0x15]  }
0x1a7: {  	p0 =	sne.s32 s31, s30  }
.Ltmp8:
0x1a8: {  	_ = 	snop;
	(pc) =	sbr.rel @p0 .LBB2_1-.Ltmp8, $3  }
0x1a9: {  	_ =	sdelay $0x1  }
0x1aa: {  	s5 =	simm.s32 $0x3000;
	[sflag:s29] =	ssyncset.done $0x0  }
0x1ab: {  	s3 =	simm.s32 $0x1000;
	s4 =	simm.s32 $0x2000;
	[sflag:s29] =	ssyncadd.s32 $0xFFFFFF80  }
0x1ac: {  	_ =	sfence.sel $0x180000  }
0x1ad: {  	[bflag:$0x0] =	sbarrier.arrive $0xFFFF  }
0x1ae: {  	_ =	strace $0x90000047  }
0x1af: {  	s0 =	stileid.u32;
	[bflag:$0x2] =	sbarrier.arrive $0xFFFF  }
0x1b0: {  	p0 =	sne.s32 s0, $0x0;
	s0 =	rddreg [dreg:$0x3]  }
0x1b1: {  	s0 =	sadd.s32 @!p0 $0x100000, s0  }
0x1b2: {  	[sflag:s0] =	ssyncadd.tile.s32 @!p0 $0x1;
	_ =	shalt  }
.Lfunc_end2:
_tile_overlayer_lowered:
.L_overlay_start_2:
0x1b3: {  	(tag) =	ssettag $0x2  }
0x1b4: {  	s0 =	rddreg [dreg:$0x0];
	s2 =	stileid.u32  }
0x1b5: {  	s1 =	rddreg [dreg:$0x1];
	p0 =	sne.s32 s2, $0x0  }
0x1b6: {  	s3 =	rddreg [dreg:$0x2];
	[bflag:$0x3] =	sbarrier.arrive $0xFFFF;
	s2 =	simm.s32 @!p0 $0x1C03  }
0x1b7: {  	[timem:s3], [sflag:s2] =	dma.local @!p0 [hbm:s0], s1  }
0x1b8: {  	s0 =	simm.s32 @!p0 $0x3  }
0x1b9: {  	_ =	swait.ge @!p0 [sflag:s0], s1  }
0x1ba: {  	s1 =	ssub.s32 @!p0 $0x0, s1;
	[sflag:s0] =	ssyncset.done @!p0 $0x0  }
0x1bb: {  	[sflag:s0] =	ssyncadd.s32 @!p0 s1  }
0x1bc: {  	[bflag:$0x3] =	sbarrier.arrive $0xFFFF  }
0x1bd: {  	_ =	shalt  }

</sc_bundles>
